<compile_context>
chip_gen: v7x
topology: tpu7x:2x2x1
jax: 0.10.2.dev20260603
libtpu: 0.0.44.dev20260713+nightly
codegen_flags: <defaults>
</compile_context>

<pallas_src>
import functools

import jax
import jax.numpy as jnp
from jax import lax
from jax.experimental import pallas as pl
from jax.experimental.pallas import tpu as pltpu
from jax.experimental.pallas import tpu_sc as plsc

_N = 10000
_E = 320000
_D = 128
_G = 64
_NC = 2
_NS = 16
_NW = _NC * _NS
_EPW = _E // _NW
_K = 125
_NCH = _EPW // _K
_NCHH = _NCH // 2
_NP = 10112
_RPT = _NP // _NS
_HR = 80
_BLK = 1000
_NBLK = _N // _BLK


def _sc_mesh():
    return plsc.VectorSubcoreMesh(
        core_axis_name="c", subcore_axis_name="s",
        num_cores=_NC, num_subcores=_NS)


def _sc_degree(dst_flat, iota_hr, zeros_hr):

    @functools.partial(
        pl.kernel,
        out_type=jax.ShapeDtypeStruct((_NC, _HR, _D), jnp.float32),
        mesh=_sc_mesh(),
        compiler_params=pltpu.CompilerParams(needs_layout_passes=False),
        scratch_types=[
            pltpu.VMEM((_EPW,), jnp.int32),
            pltpu.VMEM((_HR * _D,), jnp.float32),
            pltpu.VMEM((_HR, _D), jnp.float32),
            pltpu.VMEM((_HR,), jnp.int32),
            pltpu.VMEM_SHARED((_HR, _D), jnp.float32),
        ],
    )
    def deg_kernel(dst_hbm, iota_hbm, zeros_hbm, out_hbm,
                   dst_v, hist1, hist2, ident_v, z_sh):
        c = lax.axis_index("c")
        s = lax.axis_index("s")
        w = s * _NC + c
        pltpu.sync_copy(dst_hbm.at[w], dst_v)
        pltpu.sync_copy(iota_hbm, ident_v)

        @pl.when(s == 0)
        def _():
            pltpu.sync_copy(zeros_hbm, z_sh)

        z16 = jnp.zeros((16,), jnp.float32)

        def zbody(i, carry):
            hist1[pl.ds(i * 16, 16)] = z16
            return carry

        lax.fori_loop(0, _HR * _D // 16, zbody, 0)

        ones16 = jnp.ones((16,), jnp.float32)

        def body(i, carry):
            idx = dst_v[pl.ds(i * 16, 16)]
            plsc.addupdate_scatter(hist1, [idx], ones16)
            return carry

        lax.fori_loop(0, _EPW // 16, body, 0)

        def cbody(i, carry):
            for cc in range(_D // 16):
                hist2[i, pl.ds(cc * 16, 16)] = hist1[pl.ds(i * _D + cc * 16, 16)]
            return carry

        lax.fori_loop(0, _HR, cbody, 0)
        plsc.subcore_barrier()
        pltpu.sync_copy(hist2, z_sh.at[ident_v], add=True)
        plsc.subcore_barrier()

        @pl.when(s == 0)
        def _():
            pltpu.sync_copy(z_sh, out_hbm.at[c])

    return deg_kernel(dst_flat, iota_hr, zeros_hr)


def _sc_scatter(y, src_r, dst_r, zeros128):

    @functools.partial(
        pl.kernel,
        out_type=jax.ShapeDtypeStruct((_NC, _NP, _D), jnp.float32),
        mesh=_sc_mesh(),
        scratch_types=[
            pltpu.VMEM((_NCHH, _K), jnp.int32),
            pltpu.VMEM((_NCHH, _K), jnp.int32),
            pltpu.VMEM((_K, _D), jnp.float32),
            pltpu.VMEM((_K, _D), jnp.float32),
            pltpu.SemaphoreType.DMA,
            pltpu.SemaphoreType.DMA,
            pltpu.VMEM_SHARED((_NP, _D), jnp.float32),
        ],
    )
    def scat_kernel(y_hbm, src_hbm, dst_hbm, zeros_hbm, out_hbm,
                    src_v, dst_v, rows0, rows1, sem0, sem1, z_sh):
        c = lax.axis_index("c")
        s = lax.axis_index("s")
        w = s * _NC + c

        @pl.when(c == 0)
        def _():
            @pl.when(s < _NS - 1)
            def _():
                pltpu.sync_copy(y_hbm.at[pl.ds(s * _RPT, _RPT)],
                                z_sh.at[pl.ds(s * _RPT, _RPT)])

            @pl.when(s == _NS - 1)
            def _():
                pltpu.sync_copy(y_hbm.at[pl.ds((_NS - 1) * _RPT, _N - (_NS - 1) * _RPT)],
                                z_sh.at[pl.ds((_NS - 1) * _RPT, _N - (_NS - 1) * _RPT)])

        @pl.when(c == 1)
        def _():
            pltpu.sync_copy(zeros_hbm, z_sh.at[pl.ds(s * _RPT, _RPT)])
        plsc.subcore_barrier()

        for h in range(2):
            pltpu.sync_copy(src_hbm.at[w, pl.ds(h * _NCHH, _NCHH)], src_v)
            pltpu.sync_copy(dst_hbm.at[w, pl.ds(h * _NCHH, _NCHH)], dst_v)
            pltpu.async_copy(y_hbm.at[src_v.at[0]], rows0, sem0)

            def body(jj, carry):
                j0 = 2 * jj
                j1 = j0 + 1
                pltpu.make_async_copy(
                    y_hbm.at[src_v.at[j0]], rows0, sem0).wait()
                pltpu.async_copy(y_hbm.at[src_v.at[j1]], rows1, sem1)
                pltpu.sync_copy(rows0, z_sh.at[dst_v.at[j0]], add=True)
                pltpu.make_async_copy(
                    y_hbm.at[src_v.at[j1]], rows1, sem1).wait()

                @pl.when(j0 + 2 < _NCHH)
                def _():
                    pltpu.async_copy(y_hbm.at[src_v.at[j0 + 2]], rows0, sem0)

                pltpu.sync_copy(rows1, z_sh.at[dst_v.at[j1]], add=True)
                return carry

            lax.fori_loop(0, _NCHH // 2, body, 0)
        plsc.subcore_barrier()
        pltpu.sync_copy(z_sh.at[pl.ds(s * _RPT, _RPT)],
                        out_hbm.at[c, pl.ds(s * _RPT, _RPT)])

    return scat_kernel(y, src_r, dst_r, zeros128)


def _dinv_block(dg0_ref, dg1_ref):
    return lax.rsqrt(dg0_ref[...] + dg1_ref[...] + 1.0)


def _tc_dense1(x, dg0, dg1, W1, b1, Wg1):

    def body(x_ref, dg0_ref, dg1_ref, W1_ref, b1_ref, Wg1_ref, y_ref):
        dinv = _dinv_block(dg0_ref, dg1_ref)
        h = jnp.maximum(
            jnp.dot(x_ref[...], W1_ref[...],
                    preferred_element_type=jnp.float32) + b1_ref[...], 0.0)
        y_ref[...] = dinv * jnp.dot(h, Wg1_ref[...],
                                    preferred_element_type=jnp.float32)

    return pl.pallas_call(
        body,
        grid=(_NBLK,),
        in_specs=[
            pl.BlockSpec((_BLK, _D), lambda i: (i, 0)),
            pl.BlockSpec((_BLK, 1), lambda i: (i, 0)),
            pl.BlockSpec((_BLK, 1), lambda i: (i, 0)),
            pl.BlockSpec((_D, _D), lambda i: (0, 0)),
            pl.BlockSpec((1, _D), lambda i: (0, 0)),
            pl.BlockSpec((_D, _D), lambda i: (0, 0)),
        ],
        out_specs=pl.BlockSpec((_BLK, _D), lambda i: (i, 0)),
        out_shape=jax.ShapeDtypeStruct((_N, _D), jnp.float32),
    )(x, dg0, dg1, W1, b1, Wg1)


def _tc_mid(p, dg0, dg1, bg, Wgn):

    def body(p_ref, dg0_ref, dg1_ref, bg_ref, Wg_ref, o_ref):
        dinv = _dinv_block(dg0_ref, dg1_ref)
        z = p_ref[0] + p_ref[1]
        h = jnp.maximum(dinv * z + bg_ref[...], 0.0)
        o_ref[...] = dinv * jnp.dot(h, Wg_ref[...],
                                    preferred_element_type=jnp.float32)

    return pl.pallas_call(
        body,
        grid=(_NBLK,),
        in_specs=[
            pl.BlockSpec((_NC, _BLK, _D), lambda i: (0, i, 0)),
            pl.BlockSpec((_BLK, 1), lambda i: (i, 0)),
            pl.BlockSpec((_BLK, 1), lambda i: (i, 0)),
            pl.BlockSpec((1, _D), lambda i: (0, 0)),
            pl.BlockSpec((_D, _D), lambda i: (0, 0)),
        ],
        out_specs=pl.BlockSpec((_BLK, _D), lambda i: (i, 0)),
        out_shape=jax.ShapeDtypeStruct((_N, _D), jnp.float32),
    )(p, dg0, dg1, bg, Wgn)


def _tc_pool(p, dg0, dg1, bg3, batch_r, W2, b2):

    def body(p_ref, dg0_ref, dg1_ref, bg_ref, b_ref, W2_ref, b2_ref,
             o_ref, sums, cnts):
        i = pl.program_id(0)

        @pl.when(i == 0)
        def _():
            sums[...] = jnp.zeros_like(sums)
            cnts[...] = jnp.zeros_like(cnts)

        dinv = _dinv_block(dg0_ref, dg1_ref)
        h = jnp.maximum(dinv * (p_ref[0] + p_ref[1])
                        + bg_ref[...], 0.0)
        gids = lax.broadcasted_iota(jnp.int32, (_G, _BLK), 0)
        onehot = (gids == b_ref[0]).astype(jnp.float32)
        sums[...] += jnp.dot(onehot, h, preferred_element_type=jnp.float32)
        cnts[...] += jnp.broadcast_to(
            jnp.sum(onehot, axis=1, keepdims=True), (_G, _D))

        @pl.when(i == _NBLK - 1)
        def _():
            pooled = sums[...] / jnp.maximum(cnts[...], 1.0)
            o_ref[...] = jnp.dot(pooled, W2_ref[...],
                                 preferred_element_type=jnp.float32) + b2_ref[...]

    return pl.pallas_call(
        body,
        grid=(_NBLK,),
        in_specs=[
            pl.BlockSpec((_NC, _BLK, _D), lambda i: (0, i, 0)),
            pl.BlockSpec((_BLK, 1), lambda i: (i, 0)),
            pl.BlockSpec((_BLK, 1), lambda i: (i, 0)),
            pl.BlockSpec((1, _D), lambda i: (0, 0)),
            pl.BlockSpec((1, 1, _BLK), lambda i: (i, 0, 0)),
            pl.BlockSpec((_D, _D), lambda i: (0, 0)),
            pl.BlockSpec((1, _D), lambda i: (0, 0)),
        ],
        out_specs=pl.BlockSpec((_G, _D), lambda i: (0, 0)),
        out_shape=jax.ShapeDtypeStruct((_G, _D), jnp.float32),
        scratch_shapes=[
            pltpu.VMEM((_G, _D), jnp.float32),
            pltpu.VMEM((_G, _D), jnp.float32),
        ],
    )(p, dg0, dg1, bg3, batch_r, W2, b2)


def kernel(x, edge_index, batch, W1, b1, Wg1, bg1, Wg2, bg2, Wg3, bg3, W2, b2):
    src = edge_index[0].reshape(_NW, _NCH, _K)
    dst = edge_index[1].reshape(_NW, _NCH, _K)
    dstf = edge_index[1].reshape(_NW, _EPW)
    zeros128 = jnp.zeros((_RPT, _D), jnp.float32)
    zeros_hr = jnp.zeros((_HR, _D), jnp.float32)
    iota_hr = jnp.arange(_HR, dtype=jnp.int32)
    batch_r = batch.reshape(_NBLK, 1, _BLK)
    b1r = b1.reshape(1, _D)
    bg1r = bg1.reshape(1, _D)
    bg2r = bg2.reshape(1, _D)
    bg3r = bg3.reshape(1, _D)
    b2r = b2.reshape(1, _D)

    deg = _sc_degree(dstf, iota_hr, zeros_hr)
    dg0 = deg[0].reshape(_HR * _D, 1)[:_N]
    dg1 = deg[1].reshape(_HR * _D, 1)[:_N]
    y1 = _tc_dense1(x, dg0, dg1, W1, b1r, Wg1)
    p1 = _sc_scatter(y1, src, dst, zeros128)
    y2 = _tc_mid(p1, dg0, dg1, bg1r, Wg2)
    p2 = _sc_scatter(y2, src, dst, zeros128)
    y3 = _tc_mid(p2, dg0, dg1, bg2r, Wg3)
    p3 = _sc_scatter(y3, src, dst, zeros128)
    return _tc_pool(p3, dg0, dg1, bg3r, batch_r, W2, b2r)

# --- scband reference (transcript-rebuilt; emitter-appended) ---
"""Pipeline reference for scband-formula-net-76484777607653 (READ-ONLY COPY).

The authoritative reference and input builder live on the scoring server;
editing this copy changes nothing except your own understanding.
"""

import jax, jax.numpy as jnp
import numpy as np

N = 10000
E = 320000
D = 128
H = 128
EMB = 128
G = 64


def setup_inputs(seed: int = 0) -> dict:
    key = jax.random.key(seed)
    ks = jax.random.split(key, 16)
    x = jax.random.normal(ks[0], (N, D), dtype=jnp.float32)
    edge_index = jax.random.randint(ks[1], (2, E), 0, N, dtype=jnp.int32)
    batch = jnp.sort(jax.random.randint(ks[2], (N,), 0, G, dtype=jnp.int32))
    def lin(k, fan_in, shape):
        return jax.random.normal(k, shape, dtype=jnp.float32) * (1.0 / np.sqrt(fan_in))
    W1 = lin(ks[3], D, (D, D)); b1 = jnp.zeros((D,), dtype=jnp.float32)
    Wg1 = lin(ks[4], D, (D, H)); bg1 = jnp.zeros((H,), dtype=jnp.float32)
    Wg2 = lin(ks[5], H, (H, H)); bg2 = jnp.zeros((H,), dtype=jnp.float32)
    Wg3 = lin(ks[6], H, (H, H)); bg3 = jnp.zeros((H,), dtype=jnp.float32)
    W2 = lin(ks[7], H, (H, EMB)); b2 = jnp.zeros((EMB,), dtype=jnp.float32)
    return {"x": x, "edge_index": edge_index, "batch": batch,
            "W1": W1, "b1": b1, "Wg1": Wg1, "bg1": bg1,
            "Wg2": Wg2, "bg2": bg2, "Wg3": Wg3, "bg3": bg3,
            "W2": W2, "b2": b2}


def _gcn_conv(h, src, dst, W, b):
    # GCNConv: x' = D^{-1/2} (A + I) D^{-1/2} X W + b  (with added self-loops)
    xw = h @ W
    loop = jnp.arange(N, dtype=src.dtype)
    s = jnp.concatenate([src, loop])
    d = jnp.concatenate([dst, loop])
    deg = jax.ops.segment_sum(jnp.ones_like(s, dtype=xw.dtype), d, num_segments=N)
    dinv = jnp.where(deg > 0, 1.0 / jnp.sqrt(deg), 0.0)
    norm = dinv[s] * dinv[d]
    out = jax.ops.segment_sum(xw[s] * norm[:, None], d, num_segments=N)
    return out + b


def reference(x, edge_index, batch, W1, b1, Wg1, bg1, Wg2, bg2, Wg3, bg3, W2, b2):
    src = edge_index[0]
    dst = edge_index[1]
    h = jax.nn.relu(x @ W1 + b1)
    h = jax.nn.relu(_gcn_conv(h, src, dst, Wg1, bg1))
    h = jax.nn.relu(_gcn_conv(h, src, dst, Wg2, bg2))
    h = jax.nn.relu(_gcn_conv(h, src, dst, Wg3, bg3))
    sums = jax.ops.segment_sum(h, batch, num_segments=G)
    counts = jax.ops.segment_sum(jnp.ones((N,), dtype=h.dtype), batch, num_segments=G)
    pooled = sums / jnp.maximum(counts, 1.0)[:, None]
    # dropout p=0.3 is identity in eval mode
    return pooled @ W2 + b2

if __name__ == "__main__":
    import jax
    _d = setup_inputs()
    print(jax.jit(kernel)(*tuple(_d.values())))

</pallas_src>

<mosaic_0001>
#map = affine_map<(d0, d1) -> (0, 0)>
#map1 = affine_map<(d0, d1) -> (0, 0, 0)>
module attributes {stable_mosaic.version = 14 : i64} {
  func.func @scat_kernel(%arg0: i32, %arg1: i32, %arg2: memref<10000x128xf32, #tpu.memory_space<hbm>>, %arg3: memref<32x80x125xi32, #tpu.memory_space<hbm>>, %arg4: memref<32x80x125xi32, #tpu.memory_space<hbm>>, %arg5: memref<632x128xf32, #tpu.memory_space<hbm>>, %arg6: memref<2x10112x128xf32, #tpu.memory_space<hbm>>, %arg7: memref<40x125xi32, #tpu.memory_space<vmem>>, %arg8: memref<40x125xi32, #tpu.memory_space<vmem>>, %arg9: memref<125x128xf32, #tpu.memory_space<vmem>>, %arg10: memref<125x128xf32, #tpu.memory_space<vmem>>, %arg11: memref<!tpu.dma_semaphore, #tpu.memory_space<semaphore_mem>>, %arg12: memref<!tpu.dma_semaphore, #tpu.memory_space<semaphore_mem>>, %arg13: memref<10112x128xf32, #tpu.memory_space<vmem_shared>>) attributes {dimension_semantics = [#tpu.dimension_semantics<core_parallel>, #tpu.dimension_semantics<subcore_parallel>], iteration_bounds = array<i64: 2, 16>, scalar_prefetch = 0 : i64, scratch_operands = 7 : i64, tpu.core_type = #tpu.core_type<sc_vector_subcore>, window_params = [{transform_indices = #map}, {transform_indices = #map1}, {transform_indices = #map1}, {transform_indices = #map}, {transform_indices = #map1}]} {
    %mul3A = arith.constant 2 : i32
    %mul3A_0 = arith.muli %arg1, %mul3A : i32
    %add3A = arith.addi %mul3A_0, %arg0 : i32
    %eq3A = arith.constant 0 : i32
    %eq3A_1 = arith.cmpi eq, %arg0, %eq3A : i32
    %convert_element_type3A = arith.extui %eq3A_1 : i1 to i32
    %cond3A = arith.constant 0 : i32
    %cond3A_2 = arith.cmpi ne, %convert_element_type3A, %cond3A : i32
    scf.if %cond3A_2 {
      %lt3A = arith.constant 15 : i32
      %lt3A_37 = arith.cmpi slt, %arg1, %lt3A : i32
      %convert_element_type3A_38 = arith.extui %lt3A_37 : i1 to i32
      %cond3A_39 = arith.constant 0 : i32
      %cond3A_40 = arith.cmpi ne, %convert_element_type3A_38, %cond3A_39 : i32
      scf.if %cond3A_40 {
        %mul3A_46 = arith.constant 632 : i32
        %mul3A_47 = arith.muli %arg1, %mul3A_46 : i32
        %mul3A_48 = arith.constant 632 : i32
        %mul3A_49 = arith.muli %arg1, %mul3A_48 : i32
        "tpu.region"() ({
          %run_scoped3A = tpu.sem_alloc : memref<!tpu.dma_semaphore, #tpu.memory_space<semaphore_mem>>
          %dma_start3A_50 = arith.constant 0 : i32
          %dma_start3A_51 = tpu.memref_slice %arg13[%mul3A_49, %dma_start3A_50] : memref<10112x128xf32, #tpu.memory_space<vmem_shared>> -> memref<632x128xf32, #tpu.memory_space<vmem_shared>>
          %dma_start3A_52 = arith.constant 0 : i32
          %dma_start3A_53 = tpu.memref_slice %arg2[%mul3A_47, %dma_start3A_52] : memref<10000x128xf32, #tpu.memory_space<hbm>> -> memref<632x128xf32, #tpu.memory_space<hbm>>
          tpu.enqueue_dma source(%dma_start3A_53 : memref<632x128xf32, #tpu.memory_space<hbm>>) target(%dma_start3A_51 : memref<632x128xf32, #tpu.memory_space<vmem_shared>>) target_semaphore(%run_scoped3A : memref<!tpu.dma_semaphore, #tpu.memory_space<semaphore_mem>>)
          %dma_wait3A = arith.constant 0 : i32
          %dma_wait3A_54 = tpu.memref_slice %arg13[%mul3A_49, %dma_wait3A] : memref<10112x128xf32, #tpu.memory_space<vmem_shared>> -> memref<632x128xf32, #tpu.memory_space<vmem_shared>>
          %dma_wait3A_55 = arith.constant 0 : i32
          %dma_wait3A_56 = tpu.memref_slice %arg2[%mul3A_47, %dma_wait3A_55] : memref<10000x128xf32, #tpu.memory_space<hbm>> -> memref<632x128xf32, #tpu.memory_space<hbm>>
          tpu.wait_dma2 semaphore(%run_scoped3A : memref<!tpu.dma_semaphore, #tpu.memory_space<semaphore_mem>>) src(%dma_wait3A_56 : memref<632x128xf32, #tpu.memory_space<hbm>>) dst(%dma_wait3A_54 : memref<632x128xf32, #tpu.memory_space<vmem_shared>>)
          tpu.yield
        }) : () -> ()
      } else {
      }
      %eq3A_41 = arith.constant 15 : i32
      %eq3A_42 = arith.cmpi eq, %arg1, %eq3A_41 : i32
      %convert_element_type3A_43 = arith.extui %eq3A_42 : i1 to i32
      %cond3A_44 = arith.constant 0 : i32
      %cond3A_45 = arith.cmpi ne, %convert_element_type3A_43, %cond3A_44 : i32
      scf.if %cond3A_45 {
        "tpu.region"() ({
          %run_scoped3A = tpu.sem_alloc : memref<!tpu.dma_semaphore, #tpu.memory_space<semaphore_mem>>
          %dma_start3A_46 = arith.constant 9480 : i32
          %dma_start3A_47 = arith.constant 0 : i32
          %dma_start3A_48 = tpu.memref_slice %arg13[%dma_start3A_46, %dma_start3A_47] : memref<10112x128xf32, #tpu.memory_space<vmem_shared>> -> memref<520x128xf32, #tpu.memory_space<vmem_shared>>
          %dma_start3A_49 = arith.constant 9480 : i32
          %dma_start3A_50 = arith.constant 0 : i32
          %dma_start3A_51 = tpu.memref_slice %arg2[%dma_start3A_49, %dma_start3A_50] : memref<10000x128xf32, #tpu.memory_space<hbm>> -> memref<520x128xf32, #tpu.memory_space<hbm>>
          tpu.enqueue_dma source(%dma_start3A_51 : memref<520x128xf32, #tpu.memory_space<hbm>>) target(%dma_start3A_48 : memref<520x128xf32, #tpu.memory_space<vmem_shared>>) target_semaphore(%run_scoped3A : memref<!tpu.dma_semaphore, #tpu.memory_space<semaphore_mem>>)
          %dma_wait3A = arith.constant 9480 : i32
          %dma_wait3A_52 = arith.constant 0 : i32
          %dma_wait3A_53 = tpu.memref_slice %arg13[%dma_wait3A, %dma_wait3A_52] : memref<10112x128xf32, #tpu.memory_space<vmem_shared>> -> memref<520x128xf32, #tpu.memory_space<vmem_shared>>
          %dma_wait3A_54 = arith.constant 9480 : i32
          %dma_wait3A_55 = arith.constant 0 : i32
          %dma_wait3A_56 = tpu.memref_slice %arg2[%dma_wait3A_54, %dma_wait3A_55] : memref<10000x128xf32, #tpu.memory_space<hbm>> -> memref<520x128xf32, #tpu.memory_space<hbm>>
          tpu.wait_dma2 semaphore(%run_scoped3A : memref<!tpu.dma_semaphore, #tpu.memory_space<semaphore_mem>>) src(%dma_wait3A_56 : memref<520x128xf32, #tpu.memory_space<hbm>>) dst(%dma_wait3A_53 : memref<520x128xf32, #tpu.memory_space<vmem_shared>>)
          tpu.yield
        }) : () -> ()
      } else {
      }
    } else {
    }
    %eq3A_3 = arith.constant 1 : i32
    %eq3A_4 = arith.cmpi eq, %arg0, %eq3A_3 : i32
    %convert_element_type3A_5 = arith.extui %eq3A_4 : i1 to i32
    %cond3A_6 = arith.constant 0 : i32
    %cond3A_7 = arith.cmpi ne, %convert_element_type3A_5, %cond3A_6 : i32
    scf.if %cond3A_7 {
      %mul3A_37 = arith.constant 632 : i32
      %mul3A_38 = arith.muli %arg1, %mul3A_37 : i32
      "tpu.region"() ({
        %run_scoped3A = tpu.sem_alloc : memref<!tpu.dma_semaphore, #tpu.memory_space<semaphore_mem>>
        %dma_start3A_39 = arith.constant 0 : i32
        %dma_start3A_40 = tpu.memref_slice %arg13[%mul3A_38, %dma_start3A_39] : memref<10112x128xf32, #tpu.memory_space<vmem_shared>> -> memref<632x128xf32, #tpu.memory_space<vmem_shared>>
        tpu.enqueue_dma source(%arg5 : memref<632x128xf32, #tpu.memory_space<hbm>>) target(%dma_start3A_40 : memref<632x128xf32, #tpu.memory_space<vmem_shared>>) target_semaphore(%run_scoped3A : memref<!tpu.dma_semaphore, #tpu.memory_space<semaphore_mem>>)
        %dma_wait3A = arith.constant 0 : i32
        %dma_wait3A_41 = tpu.memref_slice %arg13[%mul3A_38, %dma_wait3A] : memref<10112x128xf32, #tpu.memory_space<vmem_shared>> -> memref<632x128xf32, #tpu.memory_space<vmem_shared>>
        tpu.wait_dma2 semaphore(%run_scoped3A : memref<!tpu.dma_semaphore, #tpu.memory_space<semaphore_mem>>) src(%arg5 : memref<632x128xf32, #tpu.memory_space<hbm>>) dst(%dma_wait3A_41 : memref<632x128xf32, #tpu.memory_space<vmem_shared>>)
        tpu.yield
      }) : () -> ()
    } else {
    }
    %barrier3A = arith.constant 0 : index
    tpu.barrier barrier_id(%barrier3A)
    "tpu.region"() ({
      %run_scoped3A = tpu.sem_alloc : memref<!tpu.dma_semaphore, #tpu.memory_space<semaphore_mem>>
      %dma_start3A_37 = arith.constant 0 : i32
      %dma_start3A_38 = arith.constant 0 : i32
      %dma_start3A_39 = tpu.memref_slice %arg3[%add3A, %dma_start3A_37, %dma_start3A_38] : memref<32x80x125xi32, #tpu.memory_space<hbm>> -> memref<1x40x125xi32, #tpu.memory_space<hbm>>
      %dma_start3A_40 = tpu.memref_squeeze %dma_start3A_39 : memref<1x40x125xi32, #tpu.memory_space<hbm>> -> memref<40x125xi32, #tpu.memory_space<hbm>>
      %dma_start3A_41 = arith.constant 0 : i32
      %dma_start3A_42 = arith.constant 0 : i32
      %dma_start3A_43 = tpu.memref_slice %arg3[%add3A, %dma_start3A_41, %dma_start3A_42] : memref<32x80x125xi32, #tpu.memory_space<hbm>> -> memref<1x40x125xi32, #tpu.memory_space<hbm>>
      %dma_start3A_44 = tpu.memref_squeeze %dma_start3A_43 : memref<1x40x125xi32, #tpu.memory_space<hbm>> -> memref<40x125xi32, #tpu.memory_space<hbm>>
      tpu.enqueue_dma source(%dma_start3A_44 : memref<40x125xi32, #tpu.memory_space<hbm>>) target(%arg7 : memref<40x125xi32, #tpu.memory_space<vmem>>) target_semaphore(%run_scoped3A : memref<!tpu.dma_semaphore, #tpu.memory_space<semaphore_mem>>)
      %dma_wait3A = arith.constant 0 : i32
      %dma_wait3A_45 = arith.constant 0 : i32
      %dma_wait3A_46 = tpu.memref_slice %arg3[%add3A, %dma_wait3A, %dma_wait3A_45] : memref<32x80x125xi32, #tpu.memory_space<hbm>> -> memref<1x40x125xi32, #tpu.memory_space<hbm>>
      %dma_wait3A_47 = tpu.memref_squeeze %dma_wait3A_46 : memref<1x40x125xi32, #tpu.memory_space<hbm>> -> memref<40x125xi32, #tpu.memory_space<hbm>>
      %dma_wait3A_48 = arith.constant 0 : i32
      %dma_wait3A_49 = arith.constant 0 : i32
      %dma_wait3A_50 = tpu.memref_slice %arg3[%add3A, %dma_wait3A_48, %dma_wait3A_49] : memref<32x80x125xi32, #tpu.memory_space<hbm>> -> memref<1x40x125xi32, #tpu.memory_space<hbm>>
      %dma_wait3A_51 = tpu.memref_squeeze %dma_wait3A_50 : memref<1x40x125xi32, #tpu.memory_space<hbm>> -> memref<40x125xi32, #tpu.memory_space<hbm>>
      tpu.wait_dma2 semaphore(%run_scoped3A : memref<!tpu.dma_semaphore, #tpu.memory_space<semaphore_mem>>) src(%dma_wait3A_51 : memref<40x125xi32, #tpu.memory_space<hbm>>) dst(%arg7 : memref<40x125xi32, #tpu.memory_space<vmem>>)
      tpu.yield
    }) : () -> ()
    "tpu.region"() ({
      %run_scoped3A = tpu.sem_alloc : memref<!tpu.dma_semaphore, #tpu.memory_space<semaphore_mem>>
      %dma_start3A_37 = arith.constant 0 : i32
      %dma_start3A_38 = arith.constant 0 : i32
      %dma_start3A_39 = tpu.memref_slice %arg4[%add3A, %dma_start3A_37, %dma_start3A_38] : memref<32x80x125xi32, #tpu.memory_space<hbm>> -> memref<1x40x125xi32, #tpu.memory_space<hbm>>
      %dma_start3A_40 = tpu.memref_squeeze %dma_start3A_39 : memref<1x40x125xi32, #tpu.memory_space<hbm>> -> memref<40x125xi32, #tpu.memory_space<hbm>>
      %dma_start3A_41 = arith.constant 0 : i32
      %dma_start3A_42 = arith.constant 0 : i32
      %dma_start3A_43 = tpu.memref_slice %arg4[%add3A, %dma_start3A_41, %dma_start3A_42] : memref<32x80x125xi32, #tpu.memory_space<hbm>> -> memref<1x40x125xi32, #tpu.memory_space<hbm>>
      %dma_start3A_44 = tpu.memref_squeeze %dma_start3A_43 : memref<1x40x125xi32, #tpu.memory_space<hbm>> -> memref<40x125xi32, #tpu.memory_space<hbm>>
      tpu.enqueue_dma source(%dma_start3A_44 : memref<40x125xi32, #tpu.memory_space<hbm>>) target(%arg8 : memref<40x125xi32, #tpu.memory_space<vmem>>) target_semaphore(%run_scoped3A : memref<!tpu.dma_semaphore, #tpu.memory_space<semaphore_mem>>)
      %dma_wait3A = arith.constant 0 : i32
      %dma_wait3A_45 = arith.constant 0 : i32
      %dma_wait3A_46 = tpu.memref_slice %arg4[%add3A, %dma_wait3A, %dma_wait3A_45] : memref<32x80x125xi32, #tpu.memory_space<hbm>> -> memref<1x40x125xi32, #tpu.memory_space<hbm>>
      %dma_wait3A_47 = tpu.memref_squeeze %dma_wait3A_46 : memref<1x40x125xi32, #tpu.memory_space<hbm>> -> memref<40x125xi32, #tpu.memory_space<hbm>>
      %dma_wait3A_48 = arith.constant 0 : i32
      %dma_wait3A_49 = arith.constant 0 : i32
      %dma_wait3A_50 = tpu.memref_slice %arg4[%add3A, %dma_wait3A_48, %dma_wait3A_49] : memref<32x80x125xi32, #tpu.memory_space<hbm>> -> memref<1x40x125xi32, #tpu.memory_space<hbm>>
      %dma_wait3A_51 = tpu.memref_squeeze %dma_wait3A_50 : memref<1x40x125xi32, #tpu.memory_space<hbm>> -> memref<40x125xi32, #tpu.memory_space<hbm>>
      tpu.wait_dma2 semaphore(%run_scoped3A : memref<!tpu.dma_semaphore, #tpu.memory_space<semaphore_mem>>) src(%dma_wait3A_51 : memref<40x125xi32, #tpu.memory_space<hbm>>) dst(%arg8 : memref<40x125xi32, #tpu.memory_space<vmem>>)
      tpu.yield
    }) : () -> ()
    %dma_start3A = arith.constant 0 : i32
    %dma_start3A_8 = arith.constant 0 : i32
    %dma_start3A_9 = tpu.memref_slice %arg7[%dma_start3A, %dma_start3A_8] : memref<40x125xi32, #tpu.memory_space<vmem>> -> memref<1x125xi32, #tpu.memory_space<vmem>>
    %dma_start3A_10 = tpu.memref_squeeze %dma_start3A_9 : memref<1x125xi32, #tpu.memory_space<vmem>> -> memref<125xi32, #tpu.memory_space<vmem>>
    %dma_start3A_11 = arith.constant 0 : i32
    %dma_start3A_12 = arith.constant 0 : i32
    %dma_start3A_13 = tpu.memref_slice %arg2[%dma_start3A_11, %dma_start3A_12] : memref<10000x128xf32, #tpu.memory_space<hbm>> -> memref<10000x128xf32, #tpu.memory_space<hbm>>
    tpu.enqueue_indirect_dma source(%dma_start3A_13 : memref<10000x128xf32, #tpu.memory_space<hbm>>) target(%arg9 : memref<125x128xf32, #tpu.memory_space<vmem>>) offsets(%dma_start3A_10 : memref<125xi32, #tpu.memory_space<vmem>>) semaphore(%arg11 : memref<!tpu.dma_semaphore, #tpu.memory_space<semaphore_mem>>)
    %scan3A = arith.constant 0 : i32
    %scan3A_14 = arith.constant 0 : i32
    %scan3A_15 = arith.constant 20 : i32
    %scan3A_16 = arith.addi %scan3A_14, %scan3A_15 : i32
    %scan3A_17 = arith.constant 1 : i32
    scf.for %scan3A_37 = %scan3A_14 to %scan3A_16 step %scan3A_17  : i32 {
      %mul3A_38 = arith.constant 2 : i32
      %mul3A_39 = arith.muli %mul3A_38, %scan3A_37 : i32
      %add3A_40 = arith.constant 1 : i32
      %add3A_41 = arith.addi %mul3A_39, %add3A_40 : i32
      %dma_wait3A = arith.constant 0 : i32
      %dma_wait3A_42 = tpu.memref_slice %arg7[%mul3A_39, %dma_wait3A] : memref<40x125xi32, #tpu.memory_space<vmem>> -> memref<1x125xi32, #tpu.memory_space<vmem>>
      %dma_wait3A_43 = tpu.memref_squeeze %dma_wait3A_42 : memref<1x125xi32, #tpu.memory_space<vmem>> -> memref<125xi32, #tpu.memory_space<vmem>>
      %dma_wait3A_44 = arith.constant 0 : i32
      %dma_wait3A_45 = arith.constant 0 : i32
      %dma_wait3A_46 = tpu.memref_slice %arg2[%dma_wait3A_44, %dma_wait3A_45] : memref<10000x128xf32, #tpu.memory_space<hbm>> -> memref<10000x128xf32, #tpu.memory_space<hbm>>
      tpu.wait_indirect_dma semaphore(%arg11 : memref<!tpu.dma_semaphore, #tpu.memory_space<semaphore_mem>>) src(%dma_wait3A_46 : memref<10000x128xf32, #tpu.memory_space<hbm>>) dst(%arg9 : memref<125x128xf32, #tpu.memory_space<vmem>>)
      %dma_start3A_47 = arith.constant 0 : i32
      %dma_start3A_48 = tpu.memref_slice %arg7[%add3A_41, %dma_start3A_47] : memref<40x125xi32, #tpu.memory_space<vmem>> -> memref<1x125xi32, #tpu.memory_space<vmem>>
      %dma_start3A_49 = tpu.memref_squeeze %dma_start3A_48 : memref<1x125xi32, #tpu.memory_space<vmem>> -> memref<125xi32, #tpu.memory_space<vmem>>
      %dma_start3A_50 = arith.constant 0 : i32
      %dma_start3A_51 = arith.constant 0 : i32
      %dma_start3A_52 = tpu.memref_slice %arg2[%dma_start3A_50, %dma_start3A_51] : memref<10000x128xf32, #tpu.memory_space<hbm>> -> memref<10000x128xf32, #tpu.memory_space<hbm>>
      tpu.enqueue_indirect_dma source(%dma_start3A_52 : memref<10000x128xf32, #tpu.memory_space<hbm>>) target(%arg10 : memref<125x128xf32, #tpu.memory_space<vmem>>) offsets(%dma_start3A_49 : memref<125xi32, #tpu.memory_space<vmem>>) semaphore(%arg12 : memref<!tpu.dma_semaphore, #tpu.memory_space<semaphore_mem>>)
      "tpu.region"() ({
        %run_scoped3A = tpu.sem_alloc : memref<!tpu.dma_semaphore, #tpu.memory_space<semaphore_mem>>
        %dma_start3A_65 = arith.constant 0 : i32
        %dma_start3A_66 = tpu.memref_slice %arg8[%mul3A_39, %dma_start3A_65] : memref<40x125xi32, #tpu.memory_space<vmem>> -> memref<1x125xi32, #tpu.memory_space<vmem>>
        %dma_start3A_67 = tpu.memref_squeeze %dma_start3A_66 : memref<1x125xi32, #tpu.memory_space<vmem>> -> memref<125xi32, #tpu.memory_space<vmem>>
        %dma_start3A_68 = arith.constant 0 : i32
        %dma_start3A_69 = arith.constant 0 : i32
        %dma_start3A_70 = tpu.memref_slice %arg13[%dma_start3A_68, %dma_start3A_69] : memref<10112x128xf32, #tpu.memory_space<vmem_shared>> -> memref<10112x128xf32, #tpu.memory_space<vmem_shared>>
        tpu.enqueue_indirect_dma source(%arg9 : memref<125x128xf32, #tpu.memory_space<vmem>>) target(%dma_start3A_70 : memref<10112x128xf32, #tpu.memory_space<vmem_shared>>) offsets(%dma_start3A_67 : memref<125xi32, #tpu.memory_space<vmem>>) semaphore(%run_scoped3A : memref<!tpu.dma_semaphore, #tpu.memory_space<semaphore_mem>>) {add = true}
        %dma_wait3A_71 = arith.constant 0 : i32
        %dma_wait3A_72 = tpu.memref_slice %arg8[%mul3A_39, %dma_wait3A_71] : memref<40x125xi32, #tpu.memory_space<vmem>> -> memref<1x125xi32, #tpu.memory_space<vmem>>
        %dma_wait3A_73 = tpu.memref_squeeze %dma_wait3A_72 : memref<1x125xi32, #tpu.memory_space<vmem>> -> memref<125xi32, #tpu.memory_space<vmem>>
        %dma_wait3A_74 = arith.constant 0 : i32
        %dma_wait3A_75 = arith.constant 0 : i32
        %dma_wait3A_76 = tpu.memref_slice %arg13[%dma_wait3A_74, %dma_wait3A_75] : memref<10112x128xf32, #tpu.memory_space<vmem_shared>> -> memref<10112x128xf32, #tpu.memory_space<vmem_shared>>
        tpu.wait_indirect_dma semaphore(%run_scoped3A : memref<!tpu.dma_semaphore, #tpu.memory_space<semaphore_mem>>) src(%arg9 : memref<125x128xf32, #tpu.memory_space<vmem>>) dst(%dma_wait3A_76 : memref<10112x128xf32, #tpu.memory_space<vmem_shared>>)
        tpu.yield
      }) : () -> ()
      %dma_wait3A_53 = arith.constant 0 : i32
      %dma_wait3A_54 = tpu.memref_slice %arg7[%add3A_41, %dma_wait3A_53] : memref<40x125xi32, #tpu.memory_space<vmem>> -> memref<1x125xi32, #tpu.memory_space<vmem>>
      %dma_wait3A_55 = tpu.memref_squeeze %dma_wait3A_54 : memref<1x125xi32, #tpu.memory_space<vmem>> -> memref<125xi32, #tpu.memory_space<vmem>>
      %dma_wait3A_56 = arith.constant 0 : i32
      %dma_wait3A_57 = arith.constant 0 : i32
      %dma_wait3A_58 = tpu.memref_slice %arg2[%dma_wait3A_56, %dma_wait3A_57] : memref<10000x128xf32, #tpu.memory_space<hbm>> -> memref<10000x128xf32, #tpu.memory_space<hbm>>
      tpu.wait_indirect_dma semaphore(%arg12 : memref<!tpu.dma_semaphore, #tpu.memory_space<semaphore_mem>>) src(%dma_wait3A_58 : memref<10000x128xf32, #tpu.memory_space<hbm>>) dst(%arg10 : memref<125x128xf32, #tpu.memory_space<vmem>>)
      %add3A_59 = arith.constant 2 : i32
      %add3A_60 = arith.addi %mul3A_39, %add3A_59 : i32
      %lt3A = arith.constant 40 : i32
      %lt3A_61 = arith.cmpi slt, %add3A_60, %lt3A : i32
      %convert_element_type3A_62 = arith.extui %lt3A_61 : i1 to i32
      %cond3A_63 = arith.constant 0 : i32
      %cond3A_64 = arith.cmpi ne, %convert_element_type3A_62, %cond3A_63 : i32
      scf.if %cond3A_64 {
        %add3A_65 = arith.constant 2 : i32
        %add3A_66 = arith.addi %mul3A_39, %add3A_65 : i32
        %dma_start3A_67 = arith.constant 0 : i32
        %dma_start3A_68 = tpu.memref_slice %arg7[%add3A_66, %dma_start3A_67] : memref<40x125xi32, #tpu.memory_space<vmem>> -> memref<1x125xi32, #tpu.memory_space<vmem>>
        %dma_start3A_69 = tpu.memref_squeeze %dma_start3A_68 : memref<1x125xi32, #tpu.memory_space<vmem>> -> memref<125xi32, #tpu.memory_space<vmem>>
        %dma_start3A_70 = arith.constant 0 : i32
        %dma_start3A_71 = arith.constant 0 : i32
        %dma_start3A_72 = tpu.memref_slice %arg2[%dma_start3A_70, %dma_start3A_71] : memref<10000x128xf32, #tpu.memory_space<hbm>> -> memref<10000x128xf32, #tpu.memory_space<hbm>>
        tpu.enqueue_indirect_dma source(%dma_start3A_72 : memref<10000x128xf32, #tpu.memory_space<hbm>>) target(%arg9 : memref<125x128xf32, #tpu.memory_space<vmem>>) offsets(%dma_start3A_69 : memref<125xi32, #tpu.memory_space<vmem>>) semaphore(%arg11 : memref<!tpu.dma_semaphore, #tpu.memory_space<semaphore_mem>>)
      } else {
      }
      "tpu.region"() ({
        %run_scoped3A = tpu.sem_alloc : memref<!tpu.dma_semaphore, #tpu.memory_space<semaphore_mem>>
        %dma_start3A_65 = arith.constant 0 : i32
        %dma_start3A_66 = tpu.memref_slice %arg8[%add3A_41, %dma_start3A_65] : memref<40x125xi32, #tpu.memory_space<vmem>> -> memref<1x125xi32, #tpu.memory_space<vmem>>
        %dma_start3A_67 = tpu.memref_squeeze %dma_start3A_66 : memref<1x125xi32, #tpu.memory_space<vmem>> -> memref<125xi32, #tpu.memory_space<vmem>>
        %dma_start3A_68 = arith.constant 0 : i32
        %dma_start3A_69 = arith.constant 0 : i32
        %dma_start3A_70 = tpu.memref_slice %arg13[%dma_start3A_68, %dma_start3A_69] : memref<10112x128xf32, #tpu.memory_space<vmem_shared>> -> memref<10112x128xf32, #tpu.memory_space<vmem_shared>>
        tpu.enqueue_indirect_dma source(%arg10 : memref<125x128xf32, #tpu.memory_space<vmem>>) target(%dma_start3A_70 : memref<10112x128xf32, #tpu.memory_space<vmem_shared>>) offsets(%dma_start3A_67 : memref<125xi32, #tpu.memory_space<vmem>>) semaphore(%run_scoped3A : memref<!tpu.dma_semaphore, #tpu.memory_space<semaphore_mem>>) {add = true}
        %dma_wait3A_71 = arith.constant 0 : i32
        %dma_wait3A_72 = tpu.memref_slice %arg8[%add3A_41, %dma_wait3A_71] : memref<40x125xi32, #tpu.memory_space<vmem>> -> memref<1x125xi32, #tpu.memory_space<vmem>>
        %dma_wait3A_73 = tpu.memref_squeeze %dma_wait3A_72 : memref<1x125xi32, #tpu.memory_space<vmem>> -> memref<125xi32, #tpu.memory_space<vmem>>
        %dma_wait3A_74 = arith.constant 0 : i32
        %dma_wait3A_75 = arith.constant 0 : i32
        %dma_wait3A_76 = tpu.memref_slice %arg13[%dma_wait3A_74, %dma_wait3A_75] : memref<10112x128xf32, #tpu.memory_space<vmem_shared>> -> memref<10112x128xf32, #tpu.memory_space<vmem_shared>>
        tpu.wait_indirect_dma semaphore(%run_scoped3A : memref<!tpu.dma_semaphore, #tpu.memory_space<semaphore_mem>>) src(%arg10 : memref<125x128xf32, #tpu.memory_space<vmem>>) dst(%dma_wait3A_76 : memref<10112x128xf32, #tpu.memory_space<vmem_shared>>)
        tpu.yield
      }) : () -> ()
    }
    %scan3A_18 = arith.constant 20 : i32
    "tpu.region"() ({
      %run_scoped3A = tpu.sem_alloc : memref<!tpu.dma_semaphore, #tpu.memory_space<semaphore_mem>>
      %dma_start3A_37 = arith.constant 40 : i32
      %dma_start3A_38 = arith.constant 0 : i32
      %dma_start3A_39 = tpu.memref_slice %arg3[%add3A, %dma_start3A_37, %dma_start3A_38] : memref<32x80x125xi32, #tpu.memory_space<hbm>> -> memref<1x40x125xi32, #tpu.memory_space<hbm>>
      %dma_start3A_40 = tpu.memref_squeeze %dma_start3A_39 : memref<1x40x125xi32, #tpu.memory_space<hbm>> -> memref<40x125xi32, #tpu.memory_space<hbm>>
      %dma_start3A_41 = arith.constant 40 : i32
      %dma_start3A_42 = arith.constant 0 : i32
      %dma_start3A_43 = tpu.memref_slice %arg3[%add3A, %dma_start3A_41, %dma_start3A_42] : memref<32x80x125xi32, #tpu.memory_space<hbm>> -> memref<1x40x125xi32, #tpu.memory_space<hbm>>
      %dma_start3A_44 = tpu.memref_squeeze %dma_start3A_43 : memref<1x40x125xi32, #tpu.memory_space<hbm>> -> memref<40x125xi32, #tpu.memory_space<hbm>>
      tpu.enqueue_dma source(%dma_start3A_44 : memref<40x125xi32, #tpu.memory_space<hbm>>) target(%arg7 : memref<40x125xi32, #tpu.memory_space<vmem>>) target_semaphore(%run_scoped3A : memref<!tpu.dma_semaphore, #tpu.memory_space<semaphore_mem>>)
      %dma_wait3A = arith.constant 40 : i32
      %dma_wait3A_45 = arith.constant 0 : i32
      %dma_wait3A_46 = tpu.memref_slice %arg3[%add3A, %dma_wait3A, %dma_wait3A_45] : memref<32x80x125xi32, #tpu.memory_space<hbm>> -> memref<1x40x125xi32, #tpu.memory_space<hbm>>
      %dma_wait3A_47 = tpu.memref_squeeze %dma_wait3A_46 : memref<1x40x125xi32, #tpu.memory_space<hbm>> -> memref<40x125xi32, #tpu.memory_space<hbm>>
      %dma_wait3A_48 = arith.constant 40 : i32
      %dma_wait3A_49 = arith.constant 0 : i32
      %dma_wait3A_50 = tpu.memref_slice %arg3[%add3A, %dma_wait3A_48, %dma_wait3A_49] : memref<32x80x125xi32, #tpu.memory_space<hbm>> -> memref<1x40x125xi32, #tpu.memory_space<hbm>>
      %dma_wait3A_51 = tpu.memref_squeeze %dma_wait3A_50 : memref<1x40x125xi32, #tpu.memory_space<hbm>> -> memref<40x125xi32, #tpu.memory_space<hbm>>
      tpu.wait_dma2 semaphore(%run_scoped3A : memref<!tpu.dma_semaphore, #tpu.memory_space<semaphore_mem>>) src(%dma_wait3A_51 : memref<40x125xi32, #tpu.memory_space<hbm>>) dst(%arg7 : memref<40x125xi32, #tpu.memory_space<vmem>>)
      tpu.yield
    }) : () -> ()
    "tpu.region"() ({
      %run_scoped3A = tpu.sem_alloc : memref<!tpu.dma_semaphore, #tpu.memory_space<semaphore_mem>>
      %dma_start3A_37 = arith.constant 40 : i32
      %dma_start3A_38 = arith.constant 0 : i32
      %dma_start3A_39 = tpu.memref_slice %arg4[%add3A, %dma_start3A_37, %dma_start3A_38] : memref<32x80x125xi32, #tpu.memory_space<hbm>> -> memref<1x40x125xi32, #tpu.memory_space<hbm>>
      %dma_start3A_40 = tpu.memref_squeeze %dma_start3A_39 : memref<1x40x125xi32, #tpu.memory_space<hbm>> -> memref<40x125xi32, #tpu.memory_space<hbm>>
      %dma_start3A_41 = arith.constant 40 : i32
      %dma_start3A_42 = arith.constant 0 : i32
      %dma_start3A_43 = tpu.memref_slice %arg4[%add3A, %dma_start3A_41, %dma_start3A_42] : memref<32x80x125xi32, #tpu.memory_space<hbm>> -> memref<1x40x125xi32, #tpu.memory_space<hbm>>
      %dma_start3A_44 = tpu.memref_squeeze %dma_start3A_43 : memref<1x40x125xi32, #tpu.memory_space<hbm>> -> memref<40x125xi32, #tpu.memory_space<hbm>>
      tpu.enqueue_dma source(%dma_start3A_44 : memref<40x125xi32, #tpu.memory_space<hbm>>) target(%arg8 : memref<40x125xi32, #tpu.memory_space<vmem>>) target_semaphore(%run_scoped3A : memref<!tpu.dma_semaphore, #tpu.memory_space<semaphore_mem>>)
      %dma_wait3A = arith.constant 40 : i32
      %dma_wait3A_45 = arith.constant 0 : i32
      %dma_wait3A_46 = tpu.memref_slice %arg4[%add3A, %dma_wait3A, %dma_wait3A_45] : memref<32x80x125xi32, #tpu.memory_space<hbm>> -> memref<1x40x125xi32, #tpu.memory_space<hbm>>
      %dma_wait3A_47 = tpu.memref_squeeze %dma_wait3A_46 : memref<1x40x125xi32, #tpu.memory_space<hbm>> -> memref<40x125xi32, #tpu.memory_space<hbm>>
      %dma_wait3A_48 = arith.constant 40 : i32
      %dma_wait3A_49 = arith.constant 0 : i32
      %dma_wait3A_50 = tpu.memref_slice %arg4[%add3A, %dma_wait3A_48, %dma_wait3A_49] : memref<32x80x125xi32, #tpu.memory_space<hbm>> -> memref<1x40x125xi32, #tpu.memory_space<hbm>>
      %dma_wait3A_51 = tpu.memref_squeeze %dma_wait3A_50 : memref<1x40x125xi32, #tpu.memory_space<hbm>> -> memref<40x125xi32, #tpu.memory_space<hbm>>
      tpu.wait_dma2 semaphore(%run_scoped3A : memref<!tpu.dma_semaphore, #tpu.memory_space<semaphore_mem>>) src(%dma_wait3A_51 : memref<40x125xi32, #tpu.memory_space<hbm>>) dst(%arg8 : memref<40x125xi32, #tpu.memory_space<vmem>>)
      tpu.yield
    }) : () -> ()
    %dma_start3A_19 = arith.constant 0 : i32
    %dma_start3A_20 = arith.constant 0 : i32
    %dma_start3A_21 = tpu.memref_slice %arg7[%dma_start3A_19, %dma_start3A_20] : memref<40x125xi32, #tpu.memory_space<vmem>> -> memref<1x125xi32, #tpu.memory_space<vmem>>
    %dma_start3A_22 = tpu.memref_squeeze %dma_start3A_21 : memref<1x125xi32, #tpu.memory_space<vmem>> -> memref<125xi32, #tpu.memory_space<vmem>>
    %dma_start3A_23 = arith.constant 0 : i32
    %dma_start3A_24 = arith.constant 0 : i32
    %dma_start3A_25 = tpu.memref_slice %arg2[%dma_start3A_23, %dma_start3A_24] : memref<10000x128xf32, #tpu.memory_space<hbm>> -> memref<10000x128xf32, #tpu.memory_space<hbm>>
    tpu.enqueue_indirect_dma source(%dma_start3A_25 : memref<10000x128xf32, #tpu.memory_space<hbm>>) target(%arg9 : memref<125x128xf32, #tpu.memory_space<vmem>>) offsets(%dma_start3A_22 : memref<125xi32, #tpu.memory_space<vmem>>) semaphore(%arg11 : memref<!tpu.dma_semaphore, #tpu.memory_space<semaphore_mem>>)
    %scan3A_26 = arith.constant 0 : i32
    %scan3A_27 = arith.constant 0 : i32
    %scan3A_28 = arith.constant 20 : i32
    %scan3A_29 = arith.addi %scan3A_27, %scan3A_28 : i32
    %scan3A_30 = arith.constant 1 : i32
    scf.for %scan3A_37 = %scan3A_27 to %scan3A_29 step %scan3A_30  : i32 {
      %mul3A_38 = arith.constant 2 : i32
      %mul3A_39 = arith.muli %mul3A_38, %scan3A_37 : i32
      %add3A_40 = arith.constant 1 : i32
      %add3A_41 = arith.addi %mul3A_39, %add3A_40 : i32
      %dma_wait3A = arith.constant 0 : i32
      %dma_wait3A_42 = tpu.memref_slice %arg7[%mul3A_39, %dma_wait3A] : memref<40x125xi32, #tpu.memory_space<vmem>> -> memref<1x125xi32, #tpu.memory_space<vmem>>
      %dma_wait3A_43 = tpu.memref_squeeze %dma_wait3A_42 : memref<1x125xi32, #tpu.memory_space<vmem>> -> memref<125xi32, #tpu.memory_space<vmem>>
      %dma_wait3A_44 = arith.constant 0 : i32
      %dma_wait3A_45 = arith.constant 0 : i32
      %dma_wait3A_46 = tpu.memref_slice %arg2[%dma_wait3A_44, %dma_wait3A_45] : memref<10000x128xf32, #tpu.memory_space<hbm>> -> memref<10000x128xf32, #tpu.memory_space<hbm>>
      tpu.wait_indirect_dma semaphore(%arg11 : memref<!tpu.dma_semaphore, #tpu.memory_space<semaphore_mem>>) src(%dma_wait3A_46 : memref<10000x128xf32, #tpu.memory_space<hbm>>) dst(%arg9 : memref<125x128xf32, #tpu.memory_space<vmem>>)
      %dma_start3A_47 = arith.constant 0 : i32
      %dma_start3A_48 = tpu.memref_slice %arg7[%add3A_41, %dma_start3A_47] : memref<40x125xi32, #tpu.memory_space<vmem>> -> memref<1x125xi32, #tpu.memory_space<vmem>>
      %dma_start3A_49 = tpu.memref_squeeze %dma_start3A_48 : memref<1x125xi32, #tpu.memory_space<vmem>> -> memref<125xi32, #tpu.memory_space<vmem>>
      %dma_start3A_50 = arith.constant 0 : i32
      %dma_start3A_51 = arith.constant 0 : i32
      %dma_start3A_52 = tpu.memref_slice %arg2[%dma_start3A_50, %dma_start3A_51] : memref<10000x128xf32, #tpu.memory_space<hbm>> -> memref<10000x128xf32, #tpu.memory_space<hbm>>
      tpu.enqueue_indirect_dma source(%dma_start3A_52 : memref<10000x128xf32, #tpu.memory_space<hbm>>) target(%arg10 : memref<125x128xf32, #tpu.memory_space<vmem>>) offsets(%dma_start3A_49 : memref<125xi32, #tpu.memory_space<vmem>>) semaphore(%arg12 : memref<!tpu.dma_semaphore, #tpu.memory_space<semaphore_mem>>)
      "tpu.region"() ({
        %run_scoped3A = tpu.sem_alloc : memref<!tpu.dma_semaphore, #tpu.memory_space<semaphore_mem>>
        %dma_start3A_65 = arith.constant 0 : i32
        %dma_start3A_66 = tpu.memref_slice %arg8[%mul3A_39, %dma_start3A_65] : memref<40x125xi32, #tpu.memory_space<vmem>> -> memref<1x125xi32, #tpu.memory_space<vmem>>
        %dma_start3A_67 = tpu.memref_squeeze %dma_start3A_66 : memref<1x125xi32, #tpu.memory_space<vmem>> -> memref<125xi32, #tpu.memory_space<vmem>>
        %dma_start3A_68 = arith.constant 0 : i32
        %dma_start3A_69 = arith.constant 0 : i32
        %dma_start3A_70 = tpu.memref_slice %arg13[%dma_start3A_68, %dma_start3A_69] : memref<10112x128xf32, #tpu.memory_space<vmem_shared>> -> memref<10112x128xf32, #tpu.memory_space<vmem_shared>>
        tpu.enqueue_indirect_dma source(%arg9 : memref<125x128xf32, #tpu.memory_space<vmem>>) target(%dma_start3A_70 : memref<10112x128xf32, #tpu.memory_space<vmem_shared>>) offsets(%dma_start3A_67 : memref<125xi32, #tpu.memory_space<vmem>>) semaphore(%run_scoped3A : memref<!tpu.dma_semaphore, #tpu.memory_space<semaphore_mem>>) {add = true}
        %dma_wait3A_71 = arith.constant 0 : i32
        %dma_wait3A_72 = tpu.memref_slice %arg8[%mul3A_39, %dma_wait3A_71] : memref<40x125xi32, #tpu.memory_space<vmem>> -> memref<1x125xi32, #tpu.memory_space<vmem>>
        %dma_wait3A_73 = tpu.memref_squeeze %dma_wait3A_72 : memref<1x125xi32, #tpu.memory_space<vmem>> -> memref<125xi32, #tpu.memory_space<vmem>>
        %dma_wait3A_74 = arith.constant 0 : i32
        %dma_wait3A_75 = arith.constant 0 : i32
        %dma_wait3A_76 = tpu.memref_slice %arg13[%dma_wait3A_74, %dma_wait3A_75] : memref<10112x128xf32, #tpu.memory_space<vmem_shared>> -> memref<10112x128xf32, #tpu.memory_space<vmem_shared>>
        tpu.wait_indirect_dma semaphore(%run_scoped3A : memref<!tpu.dma_semaphore, #tpu.memory_space<semaphore_mem>>) src(%arg9 : memref<125x128xf32, #tpu.memory_space<vmem>>) dst(%dma_wait3A_76 : memref<10112x128xf32, #tpu.memory_space<vmem_shared>>)
        tpu.yield
      }) : () -> ()
      %dma_wait3A_53 = arith.constant 0 : i32
      %dma_wait3A_54 = tpu.memref_slice %arg7[%add3A_41, %dma_wait3A_53] : memref<40x125xi32, #tpu.memory_space<vmem>> -> memref<1x125xi32, #tpu.memory_space<vmem>>
      %dma_wait3A_55 = tpu.memref_squeeze %dma_wait3A_54 : memref<1x125xi32, #tpu.memory_space<vmem>> -> memref<125xi32, #tpu.memory_space<vmem>>
      %dma_wait3A_56 = arith.constant 0 : i32
      %dma_wait3A_57 = arith.constant 0 : i32
      %dma_wait3A_58 = tpu.memref_slice %arg2[%dma_wait3A_56, %dma_wait3A_57] : memref<10000x128xf32, #tpu.memory_space<hbm>> -> memref<10000x128xf32, #tpu.memory_space<hbm>>
      tpu.wait_indirect_dma semaphore(%arg12 : memref<!tpu.dma_semaphore, #tpu.memory_space<semaphore_mem>>) src(%dma_wait3A_58 : memref<10000x128xf32, #tpu.memory_space<hbm>>) dst(%arg10 : memref<125x128xf32, #tpu.memory_space<vmem>>)
      %add3A_59 = arith.constant 2 : i32
      %add3A_60 = arith.addi %mul3A_39, %add3A_59 : i32
      %lt3A = arith.constant 40 : i32
      %lt3A_61 = arith.cmpi slt, %add3A_60, %lt3A : i32
      %convert_element_type3A_62 = arith.extui %lt3A_61 : i1 to i32
      %cond3A_63 = arith.constant 0 : i32
      %cond3A_64 = arith.cmpi ne, %convert_element_type3A_62, %cond3A_63 : i32
      scf.if %cond3A_64 {
        %add3A_65 = arith.constant 2 : i32
        %add3A_66 = arith.addi %mul3A_39, %add3A_65 : i32
        %dma_start3A_67 = arith.constant 0 : i32
        %dma_start3A_68 = tpu.memref_slice %arg7[%add3A_66, %dma_start3A_67] : memref<40x125xi32, #tpu.memory_space<vmem>> -> memref<1x125xi32, #tpu.memory_space<vmem>>
        %dma_start3A_69 = tpu.memref_squeeze %dma_start3A_68 : memref<1x125xi32, #tpu.memory_space<vmem>> -> memref<125xi32, #tpu.memory_space<vmem>>
        %dma_start3A_70 = arith.constant 0 : i32
        %dma_start3A_71 = arith.constant 0 : i32
        %dma_start3A_72 = tpu.memref_slice %arg2[%dma_start3A_70, %dma_start3A_71] : memref<10000x128xf32, #tpu.memory_space<hbm>> -> memref<10000x128xf32, #tpu.memory_space<hbm>>
        tpu.enqueue_indirect_dma source(%dma_start3A_72 : memref<10000x128xf32, #tpu.memory_space<hbm>>) target(%arg9 : memref<125x128xf32, #tpu.memory_space<vmem>>) offsets(%dma_start3A_69 : memref<125xi32, #tpu.memory_space<vmem>>) semaphore(%arg11 : memref<!tpu.dma_semaphore, #tpu.memory_space<semaphore_mem>>)
      } else {
      }
      "tpu.region"() ({
        %run_scoped3A = tpu.sem_alloc : memref<!tpu.dma_semaphore, #tpu.memory_space<semaphore_mem>>
        %dma_start3A_65 = arith.constant 0 : i32
        %dma_start3A_66 = tpu.memref_slice %arg8[%add3A_41, %dma_start3A_65] : memref<40x125xi32, #tpu.memory_space<vmem>> -> memref<1x125xi32, #tpu.memory_space<vmem>>
        %dma_start3A_67 = tpu.memref_squeeze %dma_start3A_66 : memref<1x125xi32, #tpu.memory_space<vmem>> -> memref<125xi32, #tpu.memory_space<vmem>>
        %dma_start3A_68 = arith.constant 0 : i32
        %dma_start3A_69 = arith.constant 0 : i32
        %dma_start3A_70 = tpu.memref_slice %arg13[%dma_start3A_68, %dma_start3A_69] : memref<10112x128xf32, #tpu.memory_space<vmem_shared>> -> memref<10112x128xf32, #tpu.memory_space<vmem_shared>>
        tpu.enqueue_indirect_dma source(%arg10 : memref<125x128xf32, #tpu.memory_space<vmem>>) target(%dma_start3A_70 : memref<10112x128xf32, #tpu.memory_space<vmem_shared>>) offsets(%dma_start3A_67 : memref<125xi32, #tpu.memory_space<vmem>>) semaphore(%run_scoped3A : memref<!tpu.dma_semaphore, #tpu.memory_space<semaphore_mem>>) {add = true}
        %dma_wait3A_71 = arith.constant 0 : i32
        %dma_wait3A_72 = tpu.memref_slice %arg8[%add3A_41, %dma_wait3A_71] : memref<40x125xi32, #tpu.memory_space<vmem>> -> memref<1x125xi32, #tpu.memory_space<vmem>>
        %dma_wait3A_73 = tpu.memref_squeeze %dma_wait3A_72 : memref<1x125xi32, #tpu.memory_space<vmem>> -> memref<125xi32, #tpu.memory_space<vmem>>
        %dma_wait3A_74 = arith.constant 0 : i32
        %dma_wait3A_75 = arith.constant 0 : i32
        %dma_wait3A_76 = tpu.memref_slice %arg13[%dma_wait3A_74, %dma_wait3A_75] : memref<10112x128xf32, #tpu.memory_space<vmem_shared>> -> memref<10112x128xf32, #tpu.memory_space<vmem_shared>>
        tpu.wait_indirect_dma semaphore(%run_scoped3A : memref<!tpu.dma_semaphore, #tpu.memory_space<semaphore_mem>>) src(%arg10 : memref<125x128xf32, #tpu.memory_space<vmem>>) dst(%dma_wait3A_76 : memref<10112x128xf32, #tpu.memory_space<vmem_shared>>)
        tpu.yield
      }) : () -> ()
    }
    %scan3A_31 = arith.constant 20 : i32
    %barrier3A_32 = arith.constant 0 : index
    tpu.barrier barrier_id(%barrier3A_32)
    %mul3A_33 = arith.constant 632 : i32
    %mul3A_34 = arith.muli %arg1, %mul3A_33 : i32
    %mul3A_35 = arith.constant 632 : i32
    %mul3A_36 = arith.muli %arg1, %mul3A_35 : i32
    "tpu.region"() ({
      %run_scoped3A = tpu.sem_alloc : memref<!tpu.dma_semaphore, #tpu.memory_space<semaphore_mem>>
      %dma_start3A_37 = arith.constant 0 : i32
      %dma_start3A_38 = tpu.memref_slice %arg6[%arg0, %mul3A_36, %dma_start3A_37] : memref<2x10112x128xf32, #tpu.memory_space<hbm>> -> memref<1x632x128xf32, #tpu.memory_space<hbm>>
      %dma_start3A_39 = tpu.memref_squeeze %dma_start3A_38 : memref<1x632x128xf32, #tpu.memory_space<hbm>> -> memref<632x128xf32, #tpu.memory_space<hbm>>
      %dma_start3A_40 = arith.constant 0 : i32
      %dma_start3A_41 = tpu.memref_slice %arg13[%mul3A_34, %dma_start3A_40] : memref<10112x128xf32, #tpu.memory_space<vmem_shared>> -> memref<632x128xf32, #tpu.memory_space<vmem_shared>>
      tpu.enqueue_dma source(%dma_start3A_41 : memref<632x128xf32, #tpu.memory_space<vmem_shared>>) target(%dma_start3A_39 : memref<632x128xf32, #tpu.memory_space<hbm>>) target_semaphore(%run_scoped3A : memref<!tpu.dma_semaphore, #tpu.memory_space<semaphore_mem>>)
      %dma_wait3A = arith.constant 0 : i32
      %dma_wait3A_42 = tpu.memref_slice %arg6[%arg0, %mul3A_36, %dma_wait3A] : memref<2x10112x128xf32, #tpu.memory_space<hbm>> -> memref<1x632x128xf32, #tpu.memory_space<hbm>>
      %dma_wait3A_43 = tpu.memref_squeeze %dma_wait3A_42 : memref<1x632x128xf32, #tpu.memory_space<hbm>> -> memref<632x128xf32, #tpu.memory_space<hbm>>
      %dma_wait3A_44 = arith.constant 0 : i32
      %dma_wait3A_45 = tpu.memref_slice %arg13[%mul3A_34, %dma_wait3A_44] : memref<10112x128xf32, #tpu.memory_space<vmem_shared>> -> memref<632x128xf32, #tpu.memory_space<vmem_shared>>
      tpu.wait_dma2 semaphore(%run_scoped3A : memref<!tpu.dma_semaphore, #tpu.memory_space<semaphore_mem>>) src(%dma_wait3A_45 : memref<632x128xf32, #tpu.memory_space<vmem_shared>>) dst(%dma_wait3A_43 : memref<632x128xf32, #tpu.memory_space<hbm>>)
      tpu.yield
    }) : () -> ()
    return
  }
}

#map = affine_map<(d0, d1) -> (0, 0)>
#map1 = affine_map<(d0, d1) -> (0)>
#map2 = affine_map<(d0, d1) -> (0, 0, 0)>
module attributes {stable_mosaic.version = 14 : i64} {
  func.func @deg_kernel(%arg0: i32, %arg1: i32, %arg2: memref<32x10000xi32, #tpu.memory_space<hbm>>, %arg3: memref<80xi32, #tpu.memory_space<hbm>>, %arg4: memref<80x128xf32, #tpu.memory_space<hbm>>, %arg5: memref<2x80x128xf32, #tpu.memory_space<hbm>>, %arg6: memref<10000xi32, #tpu.memory_space<vmem>>, %arg7: memref<10240xf32, #tpu.memory_space<vmem>>, %arg8: memref<80x128xf32, #tpu.memory_space<vmem>>, %arg9: memref<80xi32, #tpu.memory_space<vmem>>, %arg10: memref<80x128xf32, #tpu.memory_space<vmem_shared>>) attributes {dimension_semantics = [#tpu.dimension_semantics<core_parallel>, #tpu.dimension_semantics<subcore_parallel>], iteration_bounds = array<i64: 2, 16>, scalar_prefetch = 0 : i64, scratch_operands = 5 : i64, tpu.core_type = #tpu.core_type<sc_vector_subcore>, window_params = [{transform_indices = #map}, {transform_indices = #map1}, {transform_indices = #map}, {transform_indices = #map2}]} {
    %mul3A = arith.constant 2 : i32
    %mul3A_0 = arith.muli %arg1, %mul3A : i32
    %add3A = arith.addi %mul3A_0, %arg0 : i32
    "tpu.region"() ({
      %run_scoped3A = tpu.sem_alloc : memref<!tpu.dma_semaphore, #tpu.memory_space<semaphore_mem>>
      %dma_start3A = arith.constant 0 : i32
      %dma_start3A_29 = tpu.memref_slice %arg2[%add3A, %dma_start3A] : memref<32x10000xi32, #tpu.memory_space<hbm>> -> memref<1x10000xi32, #tpu.memory_space<hbm>>
      %dma_start3A_30 = tpu.memref_squeeze %dma_start3A_29 : memref<1x10000xi32, #tpu.memory_space<hbm>> -> memref<10000xi32, #tpu.memory_space<hbm>>
      %dma_start3A_31 = arith.constant 0 : i32
      %dma_start3A_32 = tpu.memref_slice %arg2[%add3A, %dma_start3A_31] : memref<32x10000xi32, #tpu.memory_space<hbm>> -> memref<1x10000xi32, #tpu.memory_space<hbm>>
      %dma_start3A_33 = tpu.memref_squeeze %dma_start3A_32 : memref<1x10000xi32, #tpu.memory_space<hbm>> -> memref<10000xi32, #tpu.memory_space<hbm>>
      tpu.enqueue_dma source(%dma_start3A_33 : memref<10000xi32, #tpu.memory_space<hbm>>) target(%arg6 : memref<10000xi32, #tpu.memory_space<vmem>>) target_semaphore(%run_scoped3A : memref<!tpu.dma_semaphore, #tpu.memory_space<semaphore_mem>>)
      %dma_wait3A = arith.constant 0 : i32
      %dma_wait3A_34 = tpu.memref_slice %arg2[%add3A, %dma_wait3A] : memref<32x10000xi32, #tpu.memory_space<hbm>> -> memref<1x10000xi32, #tpu.memory_space<hbm>>
      %dma_wait3A_35 = tpu.memref_squeeze %dma_wait3A_34 : memref<1x10000xi32, #tpu.memory_space<hbm>> -> memref<10000xi32, #tpu.memory_space<hbm>>
      %dma_wait3A_36 = arith.constant 0 : i32
      %dma_wait3A_37 = tpu.memref_slice %arg2[%add3A, %dma_wait3A_36] : memref<32x10000xi32, #tpu.memory_space<hbm>> -> memref<1x10000xi32, #tpu.memory_space<hbm>>
      %dma_wait3A_38 = tpu.memref_squeeze %dma_wait3A_37 : memref<1x10000xi32, #tpu.memory_space<hbm>> -> memref<10000xi32, #tpu.memory_space<hbm>>
      tpu.wait_dma2 semaphore(%run_scoped3A : memref<!tpu.dma_semaphore, #tpu.memory_space<semaphore_mem>>) src(%dma_wait3A_38 : memref<10000xi32, #tpu.memory_space<hbm>>) dst(%arg6 : memref<10000xi32, #tpu.memory_space<vmem>>)
      tpu.yield
    }) : () -> ()
    "tpu.region"() ({
      %run_scoped3A = tpu.sem_alloc : memref<!tpu.dma_semaphore, #tpu.memory_space<semaphore_mem>>
      tpu.enqueue_dma source(%arg3 : memref<80xi32, #tpu.memory_space<hbm>>) target(%arg9 : memref<80xi32, #tpu.memory_space<vmem>>) target_semaphore(%run_scoped3A : memref<!tpu.dma_semaphore, #tpu.memory_space<semaphore_mem>>)
      tpu.wait_dma2 semaphore(%run_scoped3A : memref<!tpu.dma_semaphore, #tpu.memory_space<semaphore_mem>>) src(%arg3 : memref<80xi32, #tpu.memory_space<hbm>>) dst(%arg9 : memref<80xi32, #tpu.memory_space<vmem>>)
      tpu.yield
    }) : () -> ()
    %eq3A = arith.constant 0 : i32
    %eq3A_1 = arith.cmpi eq, %arg1, %eq3A : i32
    %convert_element_type3A = arith.extui %eq3A_1 : i1 to i32
    %cond3A = arith.constant 0 : i32
    %cond3A_2 = arith.cmpi ne, %convert_element_type3A, %cond3A : i32
    scf.if %cond3A_2 {
      "tpu.region"() ({
        %run_scoped3A = tpu.sem_alloc : memref<!tpu.dma_semaphore, #tpu.memory_space<semaphore_mem>>
        tpu.enqueue_dma source(%arg4 : memref<80x128xf32, #tpu.memory_space<hbm>>) target(%arg10 : memref<80x128xf32, #tpu.memory_space<vmem_shared>>) target_semaphore(%run_scoped3A : memref<!tpu.dma_semaphore, #tpu.memory_space<semaphore_mem>>)
        tpu.wait_dma2 semaphore(%run_scoped3A : memref<!tpu.dma_semaphore, #tpu.memory_space<semaphore_mem>>) src(%arg4 : memref<80x128xf32, #tpu.memory_space<hbm>>) dst(%arg10 : memref<80x128xf32, #tpu.memory_space<vmem_shared>>)
        tpu.yield
      }) : () -> ()
    } else {
    }
    %broadcast_in_dim3A = arith.constant 0.000000e+00 : f32
    %broadcast_in_dim3A_3 = vector.broadcast %broadcast_in_dim3A : f32 to vector<16xf32>
    %scan3A = arith.constant 0 : i32
    %scan3A_4 = arith.constant 0 : i32
    %scan3A_5 = arith.constant 640 : i32
    %scan3A_6 = arith.addi %scan3A_4, %scan3A_5 : i32
    %scan3A_7 = arith.constant 1 : i32
    scf.for %scan3A_29 = %scan3A_4 to %scan3A_6 step %scan3A_7  : i32 {
      %mul3A_30 = arith.constant 16 : i32
      %mul3A_31 = arith.muli %scan3A_29, %mul3A_30 : i32
      %swap3A = arith.index_cast %mul3A_31 : i32 to index
      %swap3A_32 = tpu.vector_load %arg7[%swap3A] {strides = array<i32>} : memref<10240xf32, #tpu.memory_space<vmem>>, vector<16xf32>,
      tpu.vector_store %arg7[%swap3A], %broadcast_in_dim3A_3 {strides = array<i32>} : memref<10240xf32, #tpu.memory_space<vmem>>, vector<16xf32>,
    }
    %scan3A_8 = arith.constant 640 : i32
    %broadcast_in_dim3A_9 = arith.constant 1.000000e+00 : f32
    %broadcast_in_dim3A_10 = vector.broadcast %broadcast_in_dim3A_9 : f32 to vector<16xf32>
    %scan3A_11 = arith.constant 0 : i32
    %scan3A_12 = arith.constant 0 : i32
    %scan3A_13 = arith.constant 625 : i32
    %scan3A_14 = arith.addi %scan3A_12, %scan3A_13 : i32
    %scan3A_15 = arith.constant 1 : i32
    scf.for %scan3A_29 = %scan3A_12 to %scan3A_14 step %scan3A_15  : i32 {
      %mul3A_30 = arith.constant 16 : i32
      %mul3A_31 = arith.muli %scan3A_29, %mul3A_30 : i32
      %get3A = arith.index_cast %mul3A_31 : i32 to index
      %get3A_32 = tpu.vector_load %arg6[%get3A] {strides = array<i32>} : memref<10000xi32, #tpu.memory_space<vmem>>, vector<16xi32>,
      tpu.vector_store_idx %arg7[%get3A_32], %broadcast_in_dim3A_10 {add = true} : memref<10240xf32, #tpu.memory_space<vmem>>[vector<16xi32>], vector<16xf32>,
    }
    %scan3A_16 = arith.constant 625 : i32
    %scan3A_17 = arith.constant 0 : i32
    %scan3A_18 = arith.constant 0 : i32
    %scan3A_19 = arith.constant 80 : i32
    %scan3A_20 = arith.addi %scan3A_18, %scan3A_19 : i32
    %scan3A_21 = arith.constant 1 : i32
    scf.for %scan3A_29 = %scan3A_18 to %scan3A_20 step %scan3A_21  : i32 {
      %mul3A_30 = arith.constant 128 : i32
      %mul3A_31 = arith.muli %scan3A_29, %mul3A_30 : i32
      %add3A_32 = arith.constant 0 : i32
      %add3A_33 = arith.addi %mul3A_31, %add3A_32 : i32
      %get3A = arith.index_cast %add3A_33 : i32 to index
      %get3A_34 = tpu.vector_load %arg7[%get3A] {strides = array<i32>} : memref<10240xf32, #tpu.memory_space<vmem>>, vector<16xf32>,
      %swap3A = arith.index_cast %scan3A_29 : i32 to index
      %swap3A_35 = arith.constant 0 : index
      %swap3A_36 = tpu.vector_load %arg8[%swap3A, %swap3A_35] {strides = array<i32>} : memref<80x128xf32, #tpu.memory_space<vmem>>, vector<16xf32>,
      tpu.vector_store %arg8[%swap3A, %swap3A_35], %get3A_34 {strides = array<i32>} : memref<80x128xf32, #tpu.memory_space<vmem>>, vector<16xf32>,
      %mul3A_37 = arith.constant 128 : i32
      %mul3A_38 = arith.muli %scan3A_29, %mul3A_37 : i32
      %add3A_39 = arith.constant 16 : i32
      %add3A_40 = arith.addi %mul3A_38, %add3A_39 : i32
      %get3A_41 = arith.index_cast %add3A_40 : i32 to index
      %get3A_42 = tpu.vector_load %arg7[%get3A_41] {strides = array<i32>} : memref<10240xf32, #tpu.memory_space<vmem>>, vector<16xf32>,
      %swap3A_43 = arith.index_cast %scan3A_29 : i32 to index
      %swap3A_44 = arith.constant 16 : index
      %swap3A_45 = tpu.vector_load %arg8[%swap3A_43, %swap3A_44] {strides = array<i32>} : memref<80x128xf32, #tpu.memory_space<vmem>>, vector<16xf32>,
      tpu.vector_store %arg8[%swap3A_43, %swap3A_44], %get3A_42 {strides = array<i32>} : memref<80x128xf32, #tpu.memory_space<vmem>>, vector<16xf32>,
      %mul3A_46 = arith.constant 128 : i32
      %mul3A_47 = arith.muli %scan3A_29, %mul3A_46 : i32
      %add3A_48 = arith.constant 32 : i32
      %add3A_49 = arith.addi %mul3A_47, %add3A_48 : i32
      %get3A_50 = arith.index_cast %add3A_49 : i32 to index
      %get3A_51 = tpu.vector_load %arg7[%get3A_50] {strides = array<i32>} : memref<10240xf32, #tpu.memory_space<vmem>>, vector<16xf32>,
      %swap3A_52 = arith.index_cast %scan3A_29 : i32 to index
      %swap3A_53 = arith.constant 32 : index
      %swap3A_54 = tpu.vector_load %arg8[%swap3A_52, %swap3A_53] {strides = array<i32>} : memref<80x128xf32, #tpu.memory_space<vmem>>, vector<16xf32>,
      tpu.vector_store %arg8[%swap3A_52, %swap3A_53], %get3A_51 {strides = array<i32>} : memref<80x128xf32, #tpu.memory_space<vmem>>, vector<16xf32>,
      %mul3A_55 = arith.constant 128 : i32
      %mul3A_56 = arith.muli %scan3A_29, %mul3A_55 : i32
      %add3A_57 = arith.constant 48 : i32
      %add3A_58 = arith.addi %mul3A_56, %add3A_57 : i32
      %get3A_59 = arith.index_cast %add3A_58 : i32 to index
      %get3A_60 = tpu.vector_load %arg7[%get3A_59] {strides = array<i32>} : memref<10240xf32, #tpu.memory_space<vmem>>, vector<16xf32>,
      %swap3A_61 = arith.index_cast %scan3A_29 : i32 to index
      %swap3A_62 = arith.constant 48 : index
      %swap3A_63 = tpu.vector_load %arg8[%swap3A_61, %swap3A_62] {strides = array<i32>} : memref<80x128xf32, #tpu.memory_space<vmem>>, vector<16xf32>,
      tpu.vector_store %arg8[%swap3A_61, %swap3A_62], %get3A_60 {strides = array<i32>} : memref<80x128xf32, #tpu.memory_space<vmem>>, vector<16xf32>,
      %mul3A_64 = arith.constant 128 : i32
      %mul3A_65 = arith.muli %scan3A_29, %mul3A_64 : i32
      %add3A_66 = arith.constant 64 : i32
      %add3A_67 = arith.addi %mul3A_65, %add3A_66 : i32
      %get3A_68 = arith.index_cast %add3A_67 : i32 to index
      %get3A_69 = tpu.vector_load %arg7[%get3A_68] {strides = array<i32>} : memref<10240xf32, #tpu.memory_space<vmem>>, vector<16xf32>,
      %swap3A_70 = arith.index_cast %scan3A_29 : i32 to index
      %swap3A_71 = arith.constant 64 : index
      %swap3A_72 = tpu.vector_load %arg8[%swap3A_70, %swap3A_71] {strides = array<i32>} : memref<80x128xf32, #tpu.memory_space<vmem>>, vector<16xf32>,
      tpu.vector_store %arg8[%swap3A_70, %swap3A_71], %get3A_69 {strides = array<i32>} : memref<80x128xf32, #tpu.memory_space<vmem>>, vector<16xf32>,
      %mul3A_73 = arith.constant 128 : i32
      %mul3A_74 = arith.muli %scan3A_29, %mul3A_73 : i32
      %add3A_75 = arith.constant 80 : i32
      %add3A_76 = arith.addi %mul3A_74, %add3A_75 : i32
      %get3A_77 = arith.index_cast %add3A_76 : i32 to index
      %get3A_78 = tpu.vector_load %arg7[%get3A_77] {strides = array<i32>} : memref<10240xf32, #tpu.memory_space<vmem>>, vector<16xf32>,
      %swap3A_79 = arith.index_cast %scan3A_29 : i32 to index
      %swap3A_80 = arith.constant 80 : index
      %swap3A_81 = tpu.vector_load %arg8[%swap3A_79, %swap3A_80] {strides = array<i32>} : memref<80x128xf32, #tpu.memory_space<vmem>>, vector<16xf32>,
      tpu.vector_store %arg8[%swap3A_79, %swap3A_80], %get3A_78 {strides = array<i32>} : memref<80x128xf32, #tpu.memory_space<vmem>>, vector<16xf32>,
      %mul3A_82 = arith.constant 128 : i32
      %mul3A_83 = arith.muli %scan3A_29, %mul3A_82 : i32
      %add3A_84 = arith.constant 96 : i32
      %add3A_85 = arith.addi %mul3A_83, %add3A_84 : i32
      %get3A_86 = arith.index_cast %add3A_85 : i32 to index
      %get3A_87 = tpu.vector_load %arg7[%get3A_86] {strides = array<i32>} : memref<10240xf32, #tpu.memory_space<vmem>>, vector<16xf32>,
      %swap3A_88 = arith.index_cast %scan3A_29 : i32 to index
      %swap3A_89 = arith.constant 96 : index
      %swap3A_90 = tpu.vector_load %arg8[%swap3A_88, %swap3A_89] {strides = array<i32>} : memref<80x128xf32, #tpu.memory_space<vmem>>, vector<16xf32>,
      tpu.vector_store %arg8[%swap3A_88, %swap3A_89], %get3A_87 {strides = array<i32>} : memref<80x128xf32, #tpu.memory_space<vmem>>, vector<16xf32>,
      %mul3A_91 = arith.constant 128 : i32
      %mul3A_92 = arith.muli %scan3A_29, %mul3A_91 : i32
      %add3A_93 = arith.constant 112 : i32
      %add3A_94 = arith.addi %mul3A_92, %add3A_93 : i32
      %get3A_95 = arith.index_cast %add3A_94 : i32 to index
      %get3A_96 = tpu.vector_load %arg7[%get3A_95] {strides = array<i32>} : memref<10240xf32, #tpu.memory_space<vmem>>, vector<16xf32>,
      %swap3A_97 = arith.index_cast %scan3A_29 : i32 to index
      %swap3A_98 = arith.constant 112 : index
      %swap3A_99 = tpu.vector_load %arg8[%swap3A_97, %swap3A_98] {strides = array<i32>} : memref<80x128xf32, #tpu.memory_space<vmem>>, vector<16xf32>,
      tpu.vector_store %arg8[%swap3A_97, %swap3A_98], %get3A_96 {strides = array<i32>} : memref<80x128xf32, #tpu.memory_space<vmem>>, vector<16xf32>,
    }
    %scan3A_22 = arith.constant 80 : i32
    %barrier3A = arith.constant 0 : index
    tpu.barrier barrier_id(%barrier3A)
    "tpu.region"() ({
      %run_scoped3A = tpu.sem_alloc : memref<!tpu.dma_semaphore, #tpu.memory_space<semaphore_mem>>
      %dma_start3A = arith.constant 0 : i32
      %dma_start3A_29 = arith.constant 0 : i32
      %dma_start3A_30 = tpu.memref_slice %arg10[%dma_start3A, %dma_start3A_29] : memref<80x128xf32, #tpu.memory_space<vmem_shared>> -> memref<80x128xf32, #tpu.memory_space<vmem_shared>>
      tpu.enqueue_indirect_dma source(%arg8 : memref<80x128xf32, #tpu.memory_space<vmem>>) target(%dma_start3A_30 : memref<80x128xf32, #tpu.memory_space<vmem_shared>>) offsets(%arg9 : memref<80xi32, #tpu.memory_space<vmem>>) semaphore(%run_scoped3A : memref<!tpu.dma_semaphore, #tpu.memory_space<semaphore_mem>>) {add = true}
      %dma_wait3A = arith.constant 0 : i32
      %dma_wait3A_31 = arith.constant 0 : i32
      %dma_wait3A_32 = tpu.memref_slice %arg10[%dma_wait3A, %dma_wait3A_31] : memref<80x128xf32, #tpu.memory_space<vmem_shared>> -> memref<80x128xf32, #tpu.memory_space<vmem_shared>>
      tpu.wait_indirect_dma semaphore(%run_scoped3A : memref<!tpu.dma_semaphore, #tpu.memory_space<semaphore_mem>>) src(%arg8 : memref<80x128xf32, #tpu.memory_space<vmem>>) dst(%dma_wait3A_32 : memref<80x128xf32, #tpu.memory_space<vmem_shared>>)
      tpu.yield
    }) : () -> ()
    %barrier3A_23 = arith.constant 0 : index
    tpu.barrier barrier_id(%barrier3A_23)
    %eq3A_24 = arith.constant 0 : i32
    %eq3A_25 = arith.cmpi eq, %arg1, %eq3A_24 : i32
    %convert_element_type3A_26 = arith.extui %eq3A_25 : i1 to i32
    %cond3A_27 = arith.constant 0 : i32
    %cond3A_28 = arith.cmpi ne, %convert_element_type3A_26, %cond3A_27 : i32
    scf.if %cond3A_28 {
      "tpu.region"() ({
        %run_scoped3A = tpu.sem_alloc : memref<!tpu.dma_semaphore, #tpu.memory_space<semaphore_mem>>
        %dma_start3A = arith.constant 0 : i32
        %dma_start3A_29 = arith.constant 0 : i32
        %dma_start3A_30 = tpu.memref_slice %arg5[%arg0, %dma_start3A, %dma_start3A_29] : memref<2x80x128xf32, #tpu.memory_space<hbm>> -> memref<1x80x128xf32, #tpu.memory_space<hbm>>
        %dma_start3A_31 = tpu.memref_squeeze %dma_start3A_30 : memref<1x80x128xf32, #tpu.memory_space<hbm>> -> memref<80x128xf32, #tpu.memory_space<hbm>>
        tpu.enqueue_dma source(%arg10 : memref<80x128xf32, #tpu.memory_space<vmem_shared>>) target(%dma_start3A_31 : memref<80x128xf32, #tpu.memory_space<hbm>>) target_semaphore(%run_scoped3A : memref<!tpu.dma_semaphore, #tpu.memory_space<semaphore_mem>>)
        %dma_wait3A = arith.constant 0 : i32
        %dma_wait3A_32 = arith.constant 0 : i32
        %dma_wait3A_33 = tpu.memref_slice %arg5[%arg0, %dma_wait3A, %dma_wait3A_32] : memref<2x80x128xf32, #tpu.memory_space<hbm>> -> memref<1x80x128xf32, #tpu.memory_space<hbm>>
        %dma_wait3A_34 = tpu.memref_squeeze %dma_wait3A_33 : memref<1x80x128xf32, #tpu.memory_space<hbm>> -> memref<80x128xf32, #tpu.memory_space<hbm>>
        tpu.wait_dma2 semaphore(%run_scoped3A : memref<!tpu.dma_semaphore, #tpu.memory_space<semaphore_mem>>) src(%arg10 : memref<80x128xf32, #tpu.memory_space<vmem_shared>>) dst(%dma_wait3A_34 : memref<80x128xf32, #tpu.memory_space<hbm>>)
        tpu.yield
      }) : () -> ()
    } else {
    }
    return
  }
}

#map = affine_map<(d0, d1) -> (0, 0)>
#map1 = affine_map<(d0, d1) -> (0, 0, 0)>
module attributes {stable_mosaic.version = 14 : i64} {
  func.func @scat_kernel(%arg0: i32, %arg1: i32, %arg2: memref<10000x128xf32, #tpu.memory_space<hbm>>, %arg3: memref<32x80x125xi32, #tpu.memory_space<hbm>>, %arg4: memref<32x80x125xi32, #tpu.memory_space<hbm>>, %arg5: memref<632x128xf32, #tpu.memory_space<hbm>>, %arg6: memref<2x10112x128xf32, #tpu.memory_space<hbm>>, %arg7: memref<40x125xi32, #tpu.memory_space<vmem>>, %arg8: memref<40x125xi32, #tpu.memory_space<vmem>>, %arg9: memref<125x128xf32, #tpu.memory_space<vmem>>, %arg10: memref<125x128xf32, #tpu.memory_space<vmem>>, %arg11: memref<!tpu.dma_semaphore, #tpu.memory_space<semaphore_mem>>, %arg12: memref<!tpu.dma_semaphore, #tpu.memory_space<semaphore_mem>>, %arg13: memref<10112x128xf32, #tpu.memory_space<vmem_shared>>) attributes {dimension_semantics = [#tpu.dimension_semantics<core_parallel>, #tpu.dimension_semantics<subcore_parallel>], iteration_bounds = array<i64: 2, 16>, scalar_prefetch = 0 : i64, scratch_operands = 7 : i64, tpu.core_type = #tpu.core_type<sc_vector_subcore>, window_params = [{transform_indices = #map}, {transform_indices = #map1}, {transform_indices = #map1}, {transform_indices = #map}, {transform_indices = #map1}]} {
    %mul3A = arith.constant 2 : i32
    %mul3A_0 = arith.muli %arg1, %mul3A : i32
    %add3A = arith.addi %mul3A_0, %arg0 : i32
    %eq3A = arith.constant 0 : i32
    %eq3A_1 = arith.cmpi eq, %arg0, %eq3A : i32
    %convert_element_type3A = arith.extui %eq3A_1 : i1 to i32
    %cond3A = arith.constant 0 : i32
    %cond3A_2 = arith.cmpi ne, %convert_element_type3A, %cond3A : i32
    scf.if %cond3A_2 {
      %lt3A = arith.constant 15 : i32
      %lt3A_37 = arith.cmpi slt, %arg1, %lt3A : i32
      %convert_element_type3A_38 = arith.extui %lt3A_37 : i1 to i32
      %cond3A_39 = arith.constant 0 : i32
      %cond3A_40 = arith.cmpi ne, %convert_element_type3A_38, %cond3A_39 : i32
      scf.if %cond3A_40 {
        %mul3A_46 = arith.constant 632 : i32
        %mul3A_47 = arith.muli %arg1, %mul3A_46 : i32
        %mul3A_48 = arith.constant 632 : i32
        %mul3A_49 = arith.muli %arg1, %mul3A_48 : i32
        "tpu.region"() ({
          %run_scoped3A = tpu.sem_alloc : memref<!tpu.dma_semaphore, #tpu.memory_space<semaphore_mem>>
          %dma_start3A_50 = arith.constant 0 : i32
          %dma_start3A_51 = tpu.memref_slice %arg13[%mul3A_49, %dma_start3A_50] : memref<10112x128xf32, #tpu.memory_space<vmem_shared>> -> memref<632x128xf32, #tpu.memory_space<vmem_shared>>
          %dma_start3A_52 = arith.constant 0 : i32
          %dma_start3A_53 = tpu.memref_slice %arg2[%mul3A_47, %dma_start3A_52] : memref<10000x128xf32, #tpu.memory_space<hbm>> -> memref<632x128xf32, #tpu.memory_space<hbm>>
          tpu.enqueue_dma source(%dma_start3A_53 : memref<632x128xf32, #tpu.memory_space<hbm>>) target(%dma_start3A_51 : memref<632x128xf32, #tpu.memory_space<vmem_shared>>) target_semaphore(%run_scoped3A : memref<!tpu.dma_semaphore, #tpu.memory_space<semaphore_mem>>)
          %dma_wait3A = arith.constant 0 : i32
          %dma_wait3A_54 = tpu.memref_slice %arg13[%mul3A_49, %dma_wait3A] : memref<10112x128xf32, #tpu.memory_space<vmem_shared>> -> memref<632x128xf32, #tpu.memory_space<vmem_shared>>
          %dma_wait3A_55 = arith.constant 0 : i32
          %dma_wait3A_56 = tpu.memref_slice %arg2[%mul3A_47, %dma_wait3A_55] : memref<10000x128xf32, #tpu.memory_space<hbm>> -> memref<632x128xf32, #tpu.memory_space<hbm>>
          tpu.wait_dma2 semaphore(%run_scoped3A : memref<!tpu.dma_semaphore, #tpu.memory_space<semaphore_mem>>) src(%dma_wait3A_56 : memref<632x128xf32, #tpu.memory_space<hbm>>) dst(%dma_wait3A_54 : memref<632x128xf32, #tpu.memory_space<vmem_shared>>)
          tpu.yield
        }) : () -> ()
      } else {
      }
      %eq3A_41 = arith.constant 15 : i32
      %eq3A_42 = arith.cmpi eq, %arg1, %eq3A_41 : i32
      %convert_element_type3A_43 = arith.extui %eq3A_42 : i1 to i32
      %cond3A_44 = arith.constant 0 : i32
      %cond3A_45 = arith.cmpi ne, %convert_element_type3A_43, %cond3A_44 : i32
      scf.if %cond3A_45 {
        "tpu.region"() ({
          %run_scoped3A = tpu.sem_alloc : memref<!tpu.dma_semaphore, #tpu.memory_space<semaphore_mem>>
          %dma_start3A_46 = arith.constant 9480 : i32
          %dma_start3A_47 = arith.constant 0 : i32
          %dma_start3A_48 = tpu.memref_slice %arg13[%dma_start3A_46, %dma_start3A_47] : memref<10112x128xf32, #tpu.memory_space<vmem_shared>> -> memref<520x128xf32, #tpu.memory_space<vmem_shared>>
          %dma_start3A_49 = arith.constant 9480 : i32
          %dma_start3A_50 = arith.constant 0 : i32
          %dma_start3A_51 = tpu.memref_slice %arg2[%dma_start3A_49, %dma_start3A_50] : memref<10000x128xf32, #tpu.memory_space<hbm>> -> memref<520x128xf32, #tpu.memory_space<hbm>>
          tpu.enqueue_dma source(%dma_start3A_51 : memref<520x128xf32, #tpu.memory_space<hbm>>) target(%dma_start3A_48 : memref<520x128xf32, #tpu.memory_space<vmem_shared>>) target_semaphore(%run_scoped3A : memref<!tpu.dma_semaphore, #tpu.memory_space<semaphore_mem>>)
          %dma_wait3A = arith.constant 9480 : i32
          %dma_wait3A_52 = arith.constant 0 : i32
          %dma_wait3A_53 = tpu.memref_slice %arg13[%dma_wait3A, %dma_wait3A_52] : memref<10112x128xf32, #tpu.memory_space<vmem_shared>> -> memref<520x128xf32, #tpu.memory_space<vmem_shared>>
          %dma_wait3A_54 = arith.constant 9480 : i32
          %dma_wait3A_55 = arith.constant 0 : i32
          %dma_wait3A_56 = tpu.memref_slice %arg2[%dma_wait3A_54, %dma_wait3A_55] : memref<10000x128xf32, #tpu.memory_space<hbm>> -> memref<520x128xf32, #tpu.memory_space<hbm>>
          tpu.wait_dma2 semaphore(%run_scoped3A : memref<!tpu.dma_semaphore, #tpu.memory_space<semaphore_mem>>) src(%dma_wait3A_56 : memref<520x128xf32, #tpu.memory_space<hbm>>) dst(%dma_wait3A_53 : memref<520x128xf32, #tpu.memory_space<vmem_shared>>)
          tpu.yield
        }) : () -> ()
      } else {
      }
    } else {
    }
    %eq3A_3 = arith.constant 1 : i32
    %eq3A_4 = arith.cmpi eq, %arg0, %eq3A_3 : i32
    %convert_element_type3A_5 = arith.extui %eq3A_4 : i1 to i32
    %cond3A_6 = arith.constant 0 : i32
    %cond3A_7 = arith.cmpi ne, %convert_element_type3A_5, %cond3A_6 : i32
    scf.if %cond3A_7 {
      %mul3A_37 = arith.constant 632 : i32
      %mul3A_38 = arith.muli %arg1, %mul3A_37 : i32
      "tpu.region"() ({
        %run_scoped3A = tpu.sem_alloc : memref<!tpu.dma_semaphore, #tpu.memory_space<semaphore_mem>>
        %dma_start3A_39 = arith.constant 0 : i32
        %dma_start3A_40 = tpu.memref_slice %arg13[%mul3A_38, %dma_start3A_39] : memref<10112x128xf32, #tpu.memory_space<vmem_shared>> -> memref<632x128xf32, #tpu.memory_space<vmem_shared>>
        tpu.enqueue_dma source(%arg5 : memref<632x128xf32, #tpu.memory_space<hbm>>) target(%dma_start3A_40 : memref<632x128xf32, #tpu.memory_space<vmem_shared>>) target_semaphore(%run_scoped3A : memref<!tpu.dma_semaphore, #tpu.memory_space<semaphore_mem>>)
        %dma_wait3A = arith.constant 0 : i32
        %dma_wait3A_41 = tpu.memref_slice %arg13[%mul3A_38, %dma_wait3A] : memref<10112x128xf32, #tpu.memory_space<vmem_shared>> -> memref<632x128xf32, #tpu.memory_space<vmem_shared>>
        tpu.wait_dma2 semaphore(%run_scoped3A : memref<!tpu.dma_semaphore, #tpu.memory_space<semaphore_mem>>) src(%arg5 : memref<632x128xf32, #tpu.memory_space<hbm>>) dst(%dma_wait3A_41 : memref<632x128xf32, #tpu.memory_space<vmem_shared>>)
        tpu.yield
      }) : () -> ()
    } else {
    }
    %barrier3A = arith.constant 0 : index
    tpu.barrier barrier_id(%barrier3A)
    "tpu.region"() ({
      %run_scoped3A = tpu.sem_alloc : memref<!tpu.dma_semaphore, #tpu.memory_space<semaphore_mem>>
      %dma_start3A_37 = arith.constant 0 : i32
      %dma_start3A_38 = arith.constant 0 : i32
      %dma_start3A_39 = tpu.memref_slice %arg3[%add3A, %dma_start3A_37, %dma_start3A_38] : memref<32x80x125xi32, #tpu.memory_space<hbm>> -> memref<1x40x125xi32, #tpu.memory_space<hbm>>
      %dma_start3A_40 = tpu.memref_squeeze %dma_start3A_39 : memref<1x40x125xi32, #tpu.memory_space<hbm>> -> memref<40x125xi32, #tpu.memory_space<hbm>>
      %dma_start3A_41 = arith.constant 0 : i32
      %dma_start3A_42 = arith.constant 0 : i32
      %dma_start3A_43 = tpu.memref_slice %arg3[%add3A, %dma_start3A_41, %dma_start3A_42] : memref<32x80x125xi32, #tpu.memory_space<hbm>> -> memref<1x40x125xi32, #tpu.memory_space<hbm>>
      %dma_start3A_44 = tpu.memref_squeeze %dma_start3A_43 : memref<1x40x125xi32, #tpu.memory_space<hbm>> -> memref<40x125xi32, #tpu.memory_space<hbm>>
      tpu.enqueue_dma source(%dma_start3A_44 : memref<40x125xi32, #tpu.memory_space<hbm>>) target(%arg7 : memref<40x125xi32, #tpu.memory_space<vmem>>) target_semaphore(%run_scoped3A : memref<!tpu.dma_semaphore, #tpu.memory_space<semaphore_mem>>)
      %dma_wait3A = arith.constant 0 : i32
      %dma_wait3A_45 = arith.constant 0 : i32
      %dma_wait3A_46 = tpu.memref_slice %arg3[%add3A, %dma_wait3A, %dma_wait3A_45] : memref<32x80x125xi32, #tpu.memory_space<hbm>> -> memref<1x40x125xi32, #tpu.memory_space<hbm>>
      %dma_wait3A_47 = tpu.memref_squeeze %dma_wait3A_46 : memref<1x40x125xi32, #tpu.memory_space<hbm>> -> memref<40x125xi32, #tpu.memory_space<hbm>>
      %dma_wait3A_48 = arith.constant 0 : i32
      %dma_wait3A_49 = arith.constant 0 : i32
      %dma_wait3A_50 = tpu.memref_slice %arg3[%add3A, %dma_wait3A_48, %dma_wait3A_49] : memref<32x80x125xi32, #tpu.memory_space<hbm>> -> memref<1x40x125xi32, #tpu.memory_space<hbm>>
      %dma_wait3A_51 = tpu.memref_squeeze %dma_wait3A_50 : memref<1x40x125xi32, #tpu.memory_space<hbm>> -> memref<40x125xi32, #tpu.memory_space<hbm>>
      tpu.wait_dma2 semaphore(%run_scoped3A : memref<!tpu.dma_semaphore, #tpu.memory_space<semaphore_mem>>) src(%dma_wait3A_51 : memref<40x125xi32, #tpu.memory_space<hbm>>) dst(%arg7 : memref<40x125xi32, #tpu.memory_space<vmem>>)
      tpu.yield
    }) : () -> ()
    "tpu.region"() ({
      %run_scoped3A = tpu.sem_alloc : memref<!tpu.dma_semaphore, #tpu.memory_space<semaphore_mem>>
      %dma_start3A_37 = arith.constant 0 : i32
      %dma_start3A_38 = arith.constant 0 : i32
      %dma_start3A_39 = tpu.memref_slice %arg4[%add3A, %dma_start3A_37, %dma_start3A_38] : memref<32x80x125xi32, #tpu.memory_space<hbm>> -> memref<1x40x125xi32, #tpu.memory_space<hbm>>
      %dma_start3A_40 = tpu.memref_squeeze %dma_start3A_39 : memref<1x40x125xi32, #tpu.memory_space<hbm>> -> memref<40x125xi32, #tpu.memory_space<hbm>>
      %dma_start3A_41 = arith.constant 0 : i32
      %dma_start3A_42 = arith.constant 0 : i32
      %dma_start3A_43 = tpu.memref_slice %arg4[%add3A, %dma_start3A_41, %dma_start3A_42] : memref<32x80x125xi32, #tpu.memory_space<hbm>> -> memref<1x40x125xi32, #tpu.memory_space<hbm>>
      %dma_start3A_44 = tpu.memref_squeeze %dma_start3A_43 : memref<1x40x125xi32, #tpu.memory_space<hbm>> -> memref<40x125xi32, #tpu.memory_space<hbm>>
      tpu.enqueue_dma source(%dma_start3A_44 : memref<40x125xi32, #tpu.memory_space<hbm>>) target(%arg8 : memref<40x125xi32, #tpu.memory_space<vmem>>) target_semaphore(%run_scoped3A : memref<!tpu.dma_semaphore, #tpu.memory_space<semaphore_mem>>)
      %dma_wait3A = arith.constant 0 : i32
      %dma_wait3A_45 = arith.constant 0 : i32
      %dma_wait3A_46 = tpu.memref_slice %arg4[%add3A, %dma_wait3A, %dma_wait3A_45] : memref<32x80x125xi32, #tpu.memory_space<hbm>> -> memref<1x40x125xi32, #tpu.memory_space<hbm>>
      %dma_wait3A_47 = tpu.memref_squeeze %dma_wait3A_46 : memref<1x40x125xi32, #tpu.memory_space<hbm>> -> memref<40x125xi32, #tpu.memory_space<hbm>>
      %dma_wait3A_48 = arith.constant 0 : i32
      %dma_wait3A_49 = arith.constant 0 : i32
      %dma_wait3A_50 = tpu.memref_slice %arg4[%add3A, %dma_wait3A_48, %dma_wait3A_49] : memref<32x80x125xi32, #tpu.memory_space<hbm>> -> memref<1x40x125xi32, #tpu.memory_space<hbm>>
      %dma_wait3A_51 = tpu.memref_squeeze %dma_wait3A_50 : memref<1x40x125xi32, #tpu.memory_space<hbm>> -> memref<40x125xi32, #tpu.memory_space<hbm>>
      tpu.wait_dma2 semaphore(%run_scoped3A : memref<!tpu.dma_semaphore, #tpu.memory_space<semaphore_mem>>) src(%dma_wait3A_51 : memref<40x125xi32, #tpu.memory_space<hbm>>) dst(%arg8 : memref<40x125xi32, #tpu.memory_space<vmem>>)
      tpu.yield
    }) : () -> ()
    %dma_start3A = arith.constant 0 : i32
    %dma_start3A_8 = arith.constant 0 : i32
    %dma_start3A_9 = tpu.memref_slice %arg7[%dma_start3A, %dma_start3A_8] : memref<40x125xi32, #tpu.memory_space<vmem>> -> memref<1x125xi32, #tpu.memory_space<vmem>>
    %dma_start3A_10 = tpu.memref_squeeze %dma_start3A_9 : memref<1x125xi32, #tpu.memory_space<vmem>> -> memref<125xi32, #tpu.memory_space<vmem>>
    %dma_start3A_11 = arith.constant 0 : i32
    %dma_start3A_12 = arith.constant 0 : i32
    %dma_start3A_13 = tpu.memref_slice %arg2[%dma_start3A_11, %dma_start3A_12] : memref<10000x128xf32, #tpu.memory_space<hbm>> -> memref<10000x128xf32, #tpu.memory_space<hbm>>
    tpu.enqueue_indirect_dma source(%dma_start3A_13 : memref<10000x128xf32, #tpu.memory_space<hbm>>) target(%arg9 : memref<125x128xf32, #tpu.memory_space<vmem>>) offsets(%dma_start3A_10 : memref<125xi32, #tpu.memory_space<vmem>>) semaphore(%arg11 : memref<!tpu.dma_semaphore, #tpu.memory_space<semaphore_mem>>)
    %scan3A = arith.constant 0 : i32
    %scan3A_14 = arith.constant 0 : i32
    %scan3A_15 = arith.constant 20 : i32
    %scan3A_16 = arith.addi %scan3A_14, %scan3A_15 : i32
    %scan3A_17 = arith.constant 1 : i32
    scf.for %scan3A_37 = %scan3A_14 to %scan3A_16 step %scan3A_17  : i32 {
      %mul3A_38 = arith.constant 2 : i32
      %mul3A_39 = arith.muli %mul3A_38, %scan3A_37 : i32
      %add3A_40 = arith.constant 1 : i32
      %add3A_41 = arith.addi %mul3A_39, %add3A_40 : i32
      %dma_wait3A = arith.constant 0 : i32
      %dma_wait3A_42 = tpu.memref_slice %arg7[%mul3A_39, %dma_wait3A] : memref<40x125xi32, #tpu.memory_space<vmem>> -> memref<1x125xi32, #tpu.memory_space<vmem>>
      %dma_wait3A_43 = tpu.memref_squeeze %dma_wait3A_42 : memref<1x125xi32, #tpu.memory_space<vmem>> -> memref<125xi32, #tpu.memory_space<vmem>>
      %dma_wait3A_44 = arith.constant 0 : i32
      %dma_wait3A_45 = arith.constant 0 : i32
      %dma_wait3A_46 = tpu.memref_slice %arg2[%dma_wait3A_44, %dma_wait3A_45] : memref<10000x128xf32, #tpu.memory_space<hbm>> -> memref<10000x128xf32, #tpu.memory_space<hbm>>
      tpu.wait_indirect_dma semaphore(%arg11 : memref<!tpu.dma_semaphore, #tpu.memory_space<semaphore_mem>>) src(%dma_wait3A_46 : memref<10000x128xf32, #tpu.memory_space<hbm>>) dst(%arg9 : memref<125x128xf32, #tpu.memory_space<vmem>>)
      %dma_start3A_47 = arith.constant 0 : i32
      %dma_start3A_48 = tpu.memref_slice %arg7[%add3A_41, %dma_start3A_47] : memref<40x125xi32, #tpu.memory_space<vmem>> -> memref<1x125xi32, #tpu.memory_space<vmem>>
      %dma_start3A_49 = tpu.memref_squeeze %dma_start3A_48 : memref<1x125xi32, #tpu.memory_space<vmem>> -> memref<125xi32, #tpu.memory_space<vmem>>
      %dma_start3A_50 = arith.constant 0 : i32
      %dma_start3A_51 = arith.constant 0 : i32
      %dma_start3A_52 = tpu.memref_slice %arg2[%dma_start3A_50, %dma_start3A_51] : memref<10000x128xf32, #tpu.memory_space<hbm>> -> memref<10000x128xf32, #tpu.memory_space<hbm>>
      tpu.enqueue_indirect_dma source(%dma_start3A_52 : memref<10000x128xf32, #tpu.memory_space<hbm>>) target(%arg10 : memref<125x128xf32, #tpu.memory_space<vmem>>) offsets(%dma_start3A_49 : memref<125xi32, #tpu.memory_space<vmem>>) semaphore(%arg12 : memref<!tpu.dma_semaphore, #tpu.memory_space<semaphore_mem>>)
      "tpu.region"() ({
        %run_scoped3A = tpu.sem_alloc : memref<!tpu.dma_semaphore, #tpu.memory_space<semaphore_mem>>
        %dma_start3A_65 = arith.constant 0 : i32
        %dma_start3A_66 = tpu.memref_slice %arg8[%mul3A_39, %dma_start3A_65] : memref<40x125xi32, #tpu.memory_space<vmem>> -> memref<1x125xi32, #tpu.memory_space<vmem>>
        %dma_start3A_67 = tpu.memref_squeeze %dma_start3A_66 : memref<1x125xi32, #tpu.memory_space<vmem>> -> memref<125xi32, #tpu.memory_space<vmem>>
        %dma_start3A_68 = arith.constant 0 : i32
        %dma_start3A_69 = arith.constant 0 : i32
        %dma_start3A_70 = tpu.memref_slice %arg13[%dma_start3A_68, %dma_start3A_69] : memref<10112x128xf32, #tpu.memory_space<vmem_shared>> -> memref<10112x128xf32, #tpu.memory_space<vmem_shared>>
        tpu.enqueue_indirect_dma source(%arg9 : memref<125x128xf32, #tpu.memory_space<vmem>>) target(%dma_start3A_70 : memref<10112x128xf32, #tpu.memory_space<vmem_shared>>) offsets(%dma_start3A_67 : memref<125xi32, #tpu.memory_space<vmem>>) semaphore(%run_scoped3A : memref<!tpu.dma_semaphore, #tpu.memory_space<semaphore_mem>>) {add = true}
        %dma_wait3A_71 = arith.constant 0 : i32
        %dma_wait3A_72 = tpu.memref_slice %arg8[%mul3A_39, %dma_wait3A_71] : memref<40x125xi32, #tpu.memory_space<vmem>> -> memref<1x125xi32, #tpu.memory_space<vmem>>
        %dma_wait3A_73 = tpu.memref_squeeze %dma_wait3A_72 : memref<1x125xi32, #tpu.memory_space<vmem>> -> memref<125xi32, #tpu.memory_space<vmem>>
        %dma_wait3A_74 = arith.constant 0 : i32
        %dma_wait3A_75 = arith.constant 0 : i32
        %dma_wait3A_76 = tpu.memref_slice %arg13[%dma_wait3A_74, %dma_wait3A_75] : memref<10112x128xf32, #tpu.memory_space<vmem_shared>> -> memref<10112x128xf32, #tpu.memory_space<vmem_shared>>
        tpu.wait_indirect_dma semaphore(%run_scoped3A : memref<!tpu.dma_semaphore, #tpu.memory_space<semaphore_mem>>) src(%arg9 : memref<125x128xf32, #tpu.memory_space<vmem>>) dst(%dma_wait3A_76 : memref<10112x128xf32, #tpu.memory_space<vmem_shared>>)
        tpu.yield
      }) : () -> ()
      %dma_wait3A_53 = arith.constant 0 : i32
      %dma_wait3A_54 = tpu.memref_slice %arg7[%add3A_41, %dma_wait3A_53] : memref<40x125xi32, #tpu.memory_space<vmem>> -> memref<1x125xi32, #tpu.memory_space<vmem>>
      %dma_wait3A_55 = tpu.memref_squeeze %dma_wait3A_54 : memref<1x125xi32, #tpu.memory_space<vmem>> -> memref<125xi32, #tpu.memory_space<vmem>>
      %dma_wait3A_56 = arith.constant 0 : i32
      %dma_wait3A_57 = arith.constant 0 : i32
      %dma_wait3A_58 = tpu.memref_slice %arg2[%dma_wait3A_56, %dma_wait3A_57] : memref<10000x128xf32, #tpu.memory_space<hbm>> -> memref<10000x128xf32, #tpu.memory_space<hbm>>
      tpu.wait_indirect_dma semaphore(%arg12 : memref<!tpu.dma_semaphore, #tpu.memory_space<semaphore_mem>>) src(%dma_wait3A_58 : memref<10000x128xf32, #tpu.memory_space<hbm>>) dst(%arg10 : memref<125x128xf32, #tpu.memory_space<vmem>>)
      %add3A_59 = arith.constant 2 : i32
      %add3A_60 = arith.addi %mul3A_39, %add3A_59 : i32
      %lt3A = arith.constant 40 : i32
      %lt3A_61 = arith.cmpi slt, %add3A_60, %lt3A : i32
      %convert_element_type3A_62 = arith.extui %lt3A_61 : i1 to i32
      %cond3A_63 = arith.constant 0 : i32
      %cond3A_64 = arith.cmpi ne, %convert_element_type3A_62, %cond3A_63 : i32
      scf.if %cond3A_64 {
        %add3A_65 = arith.constant 2 : i32
        %add3A_66 = arith.addi %mul3A_39, %add3A_65 : i32
        %dma_start3A_67 = arith.constant 0 : i32
        %dma_start3A_68 = tpu.memref_slice %arg7[%add3A_66, %dma_start3A_67] : memref<40x125xi32, #tpu.memory_space<vmem>> -> memref<1x125xi32, #tpu.memory_space<vmem>>
        %dma_start3A_69 = tpu.memref_squeeze %dma_start3A_68 : memref<1x125xi32, #tpu.memory_space<vmem>> -> memref<125xi32, #tpu.memory_space<vmem>>
        %dma_start3A_70 = arith.constant 0 : i32
        %dma_start3A_71 = arith.constant 0 : i32
        %dma_start3A_72 = tpu.memref_slice %arg2[%dma_start3A_70, %dma_start3A_71] : memref<10000x128xf32, #tpu.memory_space<hbm>> -> memref<10000x128xf32, #tpu.memory_space<hbm>>
        tpu.enqueue_indirect_dma source(%dma_start3A_72 : memref<10000x128xf32, #tpu.memory_space<hbm>>) target(%arg9 : memref<125x128xf32, #tpu.memory_space<vmem>>) offsets(%dma_start3A_69 : memref<125xi32, #tpu.memory_space<vmem>>) semaphore(%arg11 : memref<!tpu.dma_semaphore, #tpu.memory_space<semaphore_mem>>)
      } else {
      }
      "tpu.region"() ({
        %run_scoped3A = tpu.sem_alloc : memref<!tpu.dma_semaphore, #tpu.memory_space<semaphore_mem>>
        %dma_start3A_65 = arith.constant 0 : i32
        %dma_start3A_66 = tpu.memref_slice %arg8[%add3A_41, %dma_start3A_65] : memref<40x125xi32, #tpu.memory_space<vmem>> -> memref<1x125xi32, #tpu.memory_space<vmem>>
        %dma_start3A_67 = tpu.memref_squeeze %dma_start3A_66 : memref<1x125xi32, #tpu.memory_space<vmem>> -> memref<125xi32, #tpu.memory_space<vmem>>
        %dma_start3A_68 = arith.constant 0 : i32
        %dma_start3A_69 = arith.constant 0 : i32
        %dma_start3A_70 = tpu.memref_slice %arg13[%dma_start3A_68, %dma_start3A_69] : memref<10112x128xf32, #tpu.memory_space<vmem_shared>> -> memref<10112x128xf32, #tpu.memory_space<vmem_shared>>
        tpu.enqueue_indirect_dma source(%arg10 : memref<125x128xf32, #tpu.memory_space<vmem>>) target(%dma_start3A_70 : memref<10112x128xf32, #tpu.memory_space<vmem_shared>>) offsets(%dma_start3A_67 : memref<125xi32, #tpu.memory_space<vmem>>) semaphore(%run_scoped3A : memref<!tpu.dma_semaphore, #tpu.memory_space<semaphore_mem>>) {add = true}
        %dma_wait3A_71 = arith.constant 0 : i32
        %dma_wait3A_72 = tpu.memref_slice %arg8[%add3A_41, %dma_wait3A_71] : memref<40x125xi32, #tpu.memory_space<vmem>> -> memref<1x125xi32, #tpu.memory_space<vmem>>
        %dma_wait3A_73 = tpu.memref_squeeze %dma_wait3A_72 : memref<1x125xi32, #tpu.memory_space<vmem>> -> memref<125xi32, #tpu.memory_space<vmem>>
        %dma_wait3A_74 = arith.constant 0 : i32
        %dma_wait3A_75 = arith.constant 0 : i32
        %dma_wait3A_76 = tpu.memref_slice %arg13[%dma_wait3A_74, %dma_wait3A_75] : memref<10112x128xf32, #tpu.memory_space<vmem_shared>> -> memref<10112x128xf32, #tpu.memory_space<vmem_shared>>
        tpu.wait_indirect_dma semaphore(%run_scoped3A : memref<!tpu.dma_semaphore, #tpu.memory_space<semaphore_mem>>) src(%arg10 : memref<125x128xf32, #tpu.memory_space<vmem>>) dst(%dma_wait3A_76 : memref<10112x128xf32, #tpu.memory_space<vmem_shared>>)
        tpu.yield
      }) : () -> ()
    }
    %scan3A_18 = arith.constant 20 : i32
    "tpu.region"() ({
      %run_scoped3A = tpu.sem_alloc : memref<!tpu.dma_semaphore, #tpu.memory_space<semaphore_mem>>
      %dma_start3A_37 = arith.constant 40 : i32
      %dma_start3A_38 = arith.constant 0 : i32
      %dma_start3A_39 = tpu.memref_slice %arg3[%add3A, %dma_start3A_37, %dma_start3A_38] : memref<32x80x125xi32, #tpu.memory_space<hbm>> -> memref<1x40x125xi32, #tpu.memory_space<hbm>>
      %dma_start3A_40 = tpu.memref_squeeze %dma_start3A_39 : memref<1x40x125xi32, #tpu.memory_space<hbm>> -> memref<40x125xi32, #tpu.memory_space<hbm>>
      %dma_start3A_41 = arith.constant 40 : i32
      %dma_start3A_42 = arith.constant 0 : i32
      %dma_start3A_43 = tpu.memref_slice %arg3[%add3A, %dma_start3A_41, %dma_start3A_42] : memref<32x80x125xi32, #tpu.memory_space<hbm>> -> memref<1x40x125xi32, #tpu.memory_space<hbm>>
      %dma_start3A_44 = tpu.memref_squeeze %dma_start3A_43 : memref<1x40x125xi32, #tpu.memory_space<hbm>> -> memref<40x125xi32, #tpu.memory_space<hbm>>
      tpu.enqueue_dma source(%dma_start3A_44 : memref<40x125xi32, #tpu.memory_space<hbm>>) target(%arg7 : memref<40x125xi32, #tpu.memory_space<vmem>>) target_semaphore(%run_scoped3A : memref<!tpu.dma_semaphore, #tpu.memory_space<semaphore_mem>>)
      %dma_wait3A = arith.constant 40 : i32
      %dma_wait3A_45 = arith.constant 0 : i32
      %dma_wait3A_46 = tpu.memref_slice %arg3[%add3A, %dma_wait3A, %dma_wait3A_45] : memref<32x80x125xi32, #tpu.memory_space<hbm>> -> memref<1x40x125xi32, #tpu.memory_space<hbm>>
      %dma_wait3A_47 = tpu.memref_squeeze %dma_wait3A_46 : memref<1x40x125xi32, #tpu.memory_space<hbm>> -> memref<40x125xi32, #tpu.memory_space<hbm>>
      %dma_wait3A_48 = arith.constant 40 : i32
      %dma_wait3A_49 = arith.constant 0 : i32
      %dma_wait3A_50 = tpu.memref_slice %arg3[%add3A, %dma_wait3A_48, %dma_wait3A_49] : memref<32x80x125xi32, #tpu.memory_space<hbm>> -> memref<1x40x125xi32, #tpu.memory_space<hbm>>
      %dma_wait3A_51 = tpu.memref_squeeze %dma_wait3A_50 : memref<1x40x125xi32, #tpu.memory_space<hbm>> -> memref<40x125xi32, #tpu.memory_space<hbm>>
      tpu.wait_dma2 semaphore(%run_scoped3A : memref<!tpu.dma_semaphore, #tpu.memory_space<semaphore_mem>>) src(%dma_wait3A_51 : memref<40x125xi32, #tpu.memory_space<hbm>>) dst(%arg7 : memref<40x125xi32, #tpu.memory_space<vmem>>)
      tpu.yield
    }) : () -> ()
    "tpu.region"() ({
      %run_scoped3A = tpu.sem_alloc : memref<!tpu.dma_semaphore, #tpu.memory_space<semaphore_mem>>
      %dma_start3A_37 = arith.constant 40 : i32
      %dma_start3A_38 = arith.constant 0 : i32
      %dma_start3A_39 = tpu.memref_slice %arg4[%add3A, %dma_start3A_37, %dma_start3A_38] : memref<32x80x125xi32, #tpu.memory_space<hbm>> -> memref<1x40x125xi32, #tpu.memory_space<hbm>>
      %dma_start3A_40 = tpu.memref_squeeze %dma_start3A_39 : memref<1x40x125xi32, #tpu.memory_space<hbm>> -> memref<40x125xi32, #tpu.memory_space<hbm>>
      %dma_start3A_41 = arith.constant 40 : i32
      %dma_start3A_42 = arith.constant 0 : i32
      %dma_start3A_43 = tpu.memref_slice %arg4[%add3A, %dma_start3A_41, %dma_start3A_42] : memref<32x80x125xi32, #tpu.memory_space<hbm>> -> memref<1x40x125xi32, #tpu.memory_space<hbm>>
      %dma_start3A_44 = tpu.memref_squeeze %dma_start3A_43 : memref<1x40x125xi32, #tpu.memory_space<hbm>> -> memref<40x125xi32, #tpu.memory_space<hbm>>
      tpu.enqueue_dma source(%dma_start3A_44 : memref<40x125xi32, #tpu.memory_space<hbm>>) target(%arg8 : memref<40x125xi32, #tpu.memory_space<vmem>>) target_semaphore(%run_scoped3A : memref<!tpu.dma_semaphore, #tpu.memory_space<semaphore_mem>>)
      %dma_wait3A = arith.constant 40 : i32
      %dma_wait3A_45 = arith.constant 0 : i32
      %dma_wait3A_46 = tpu.memref_slice %arg4[%add3A, %dma_wait3A, %dma_wait3A_45] : memref<32x80x125xi32, #tpu.memory_space<hbm>> -> memref<1x40x125xi32, #tpu.memory_space<hbm>>
      %dma_wait3A_47 = tpu.memref_squeeze %dma_wait3A_46 : memref<1x40x125xi32, #tpu.memory_space<hbm>> -> memref<40x125xi32, #tpu.memory_space<hbm>>
      %dma_wait3A_48 = arith.constant 40 : i32
      %dma_wait3A_49 = arith.constant 0 : i32
      %dma_wait3A_50 = tpu.memref_slice %arg4[%add3A, %dma_wait3A_48, %dma_wait3A_49] : memref<32x80x125xi32, #tpu.memory_space<hbm>> -> memref<1x40x125xi32, #tpu.memory_space<hbm>>
      %dma_wait3A_51 = tpu.memref_squeeze %dma_wait3A_50 : memref<1x40x125xi32, #tpu.memory_space<hbm>> -> memref<40x125xi32, #tpu.memory_space<hbm>>
      tpu.wait_dma2 semaphore(%run_scoped3A : memref<!tpu.dma_semaphore, #tpu.memory_space<semaphore_mem>>) src(%dma_wait3A_51 : memref<40x125xi32, #tpu.memory_space<hbm>>) dst(%arg8 : memref<40x125xi32, #tpu.memory_space<vmem>>)
      tpu.yield
    }) : () -> ()
    %dma_start3A_19 = arith.constant 0 : i32
    %dma_start3A_20 = arith.constant 0 : i32
    %dma_start3A_21 = tpu.memref_slice %arg7[%dma_start3A_19, %dma_start3A_20] : memref<40x125xi32, #tpu.memory_space<vmem>> -> memref<1x125xi32, #tpu.memory_space<vmem>>
    %dma_start3A_22 = tpu.memref_squeeze %dma_start3A_21 : memref<1x125xi32, #tpu.memory_space<vmem>> -> memref<125xi32, #tpu.memory_space<vmem>>
    %dma_start3A_23 = arith.constant 0 : i32
    %dma_start3A_24 = arith.constant 0 : i32
    %dma_start3A_25 = tpu.memref_slice %arg2[%dma_start3A_23, %dma_start3A_24] : memref<10000x128xf32, #tpu.memory_space<hbm>> -> memref<10000x128xf32, #tpu.memory_space<hbm>>
    tpu.enqueue_indirect_dma source(%dma_start3A_25 : memref<10000x128xf32, #tpu.memory_space<hbm>>) target(%arg9 : memref<125x128xf32, #tpu.memory_space<vmem>>) offsets(%dma_start3A_22 : memref<125xi32, #tpu.memory_space<vmem>>) semaphore(%arg11 : memref<!tpu.dma_semaphore, #tpu.memory_space<semaphore_mem>>)
    %scan3A_26 = arith.constant 0 : i32
    %scan3A_27 = arith.constant 0 : i32
    %scan3A_28 = arith.constant 20 : i32
    %scan3A_29 = arith.addi %scan3A_27, %scan3A_28 : i32
    %scan3A_30 = arith.constant 1 : i32
    scf.for %scan3A_37 = %scan3A_27 to %scan3A_29 step %scan3A_30  : i32 {
      %mul3A_38 = arith.constant 2 : i32
      %mul3A_39 = arith.muli %mul3A_38, %scan3A_37 : i32
      %add3A_40 = arith.constant 1 : i32
      %add3A_41 = arith.addi %mul3A_39, %add3A_40 : i32
      %dma_wait3A = arith.constant 0 : i32
      %dma_wait3A_42 = tpu.memref_slice %arg7[%mul3A_39, %dma_wait3A] : memref<40x125xi32, #tpu.memory_space<vmem>> -> memref<1x125xi32, #tpu.memory_space<vmem>>
      %dma_wait3A_43 = tpu.memref_squeeze %dma_wait3A_42 : memref<1x125xi32, #tpu.memory_space<vmem>> -> memref<125xi32, #tpu.memory_space<vmem>>
      %dma_wait3A_44 = arith.constant 0 : i32
      %dma_wait3A_45 = arith.constant 0 : i32
      %dma_wait3A_46 = tpu.memref_slice %arg2[%dma_wait3A_44, %dma_wait3A_45] : memref<10000x128xf32, #tpu.memory_space<hbm>> -> memref<10000x128xf32, #tpu.memory_space<hbm>>
      tpu.wait_indirect_dma semaphore(%arg11 : memref<!tpu.dma_semaphore, #tpu.memory_space<semaphore_mem>>) src(%dma_wait3A_46 : memref<10000x128xf32, #tpu.memory_space<hbm>>) dst(%arg9 : memref<125x128xf32, #tpu.memory_space<vmem>>)
      %dma_start3A_47 = arith.constant 0 : i32
      %dma_start3A_48 = tpu.memref_slice %arg7[%add3A_41, %dma_start3A_47] : memref<40x125xi32, #tpu.memory_space<vmem>> -> memref<1x125xi32, #tpu.memory_space<vmem>>
      %dma_start3A_49 = tpu.memref_squeeze %dma_start3A_48 : memref<1x125xi32, #tpu.memory_space<vmem>> -> memref<125xi32, #tpu.memory_space<vmem>>
      %dma_start3A_50 = arith.constant 0 : i32
      %dma_start3A_51 = arith.constant 0 : i32
      %dma_start3A_52 = tpu.memref_slice %arg2[%dma_start3A_50, %dma_start3A_51] : memref<10000x128xf32, #tpu.memory_space<hbm>> -> memref<10000x128xf32, #tpu.memory_space<hbm>>
      tpu.enqueue_indirect_dma source(%dma_start3A_52 : memref<10000x128xf32, #tpu.memory_space<hbm>>) target(%arg10 : memref<125x128xf32, #tpu.memory_space<vmem>>) offsets(%dma_start3A_49 : memref<125xi32, #tpu.memory_space<vmem>>) semaphore(%arg12 : memref<!tpu.dma_semaphore, #tpu.memory_space<semaphore_mem>>)
      "tpu.region"() ({
        %run_scoped3A = tpu.sem_alloc : memref<!tpu.dma_semaphore, #tpu.memory_space<semaphore_mem>>
        %dma_start3A_65 = arith.constant 0 : i32
        %dma_start3A_66 = tpu.memref_slice %arg8[%mul3A_39, %dma_start3A_65] : memref<40x125xi32, #tpu.memory_space<vmem>> -> memref<1x125xi32, #tpu.memory_space<vmem>>
        %dma_start3A_67 = tpu.memref_squeeze %dma_start3A_66 : memref<1x125xi32, #tpu.memory_space<vmem>> -> memref<125xi32, #tpu.memory_space<vmem>>
        %dma_start3A_68 = arith.constant 0 : i32
        %dma_start3A_69 = arith.constant 0 : i32
        %dma_start3A_70 = tpu.memref_slice %arg13[%dma_start3A_68, %dma_start3A_69] : memref<10112x128xf32, #tpu.memory_space<vmem_shared>> -> memref<10112x128xf32, #tpu.memory_space<vmem_shared>>
        tpu.enqueue_indirect_dma source(%arg9 : memref<125x128xf32, #tpu.memory_space<vmem>>) target(%dma_start3A_70 : memref<10112x128xf32, #tpu.memory_space<vmem_shared>>) offsets(%dma_start3A_67 : memref<125xi32, #tpu.memory_space<vmem>>) semaphore(%run_scoped3A : memref<!tpu.dma_semaphore, #tpu.memory_space<semaphore_mem>>) {add = true}
        %dma_wait3A_71 = arith.constant 0 : i32
        %dma_wait3A_72 = tpu.memref_slice %arg8[%mul3A_39, %dma_wait3A_71] : memref<40x125xi32, #tpu.memory_space<vmem>> -> memref<1x125xi32, #tpu.memory_space<vmem>>
        %dma_wait3A_73 = tpu.memref_squeeze %dma_wait3A_72 : memref<1x125xi32, #tpu.memory_space<vmem>> -> memref<125xi32, #tpu.memory_space<vmem>>
        %dma_wait3A_74 = arith.constant 0 : i32
        %dma_wait3A_75 = arith.constant 0 : i32
        %dma_wait3A_76 = tpu.memref_slice %arg13[%dma_wait3A_74, %dma_wait3A_75] : memref<10112x128xf32, #tpu.memory_space<vmem_shared>> -> memref<10112x128xf32, #tpu.memory_space<vmem_shared>>
        tpu.wait_indirect_dma semaphore(%run_scoped3A : memref<!tpu.dma_semaphore, #tpu.memory_space<semaphore_mem>>) src(%arg9 : memref<125x128xf32, #tpu.memory_space<vmem>>) dst(%dma_wait3A_76 : memref<10112x128xf32, #tpu.memory_space<vmem_shared>>)
        tpu.yield
      }) : () -> ()
      %dma_wait3A_53 = arith.constant 0 : i32
      %dma_wait3A_54 = tpu.memref_slice %arg7[%add3A_41, %dma_wait3A_53] : memref<40x125xi32, #tpu.memory_space<vmem>> -> memref<1x125xi32, #tpu.memory_space<vmem>>
      %dma_wait3A_55 = tpu.memref_squeeze %dma_wait3A_54 : memref<1x125xi32, #tpu.memory_space<vmem>> -> memref<125xi32, #tpu.memory_space<vmem>>
      %dma_wait3A_56 = arith.constant 0 : i32
      %dma_wait3A_57 = arith.constant 0 : i32
      %dma_wait3A_58 = tpu.memref_slice %arg2[%dma_wait3A_56, %dma_wait3A_57] : memref<10000x128xf32, #tpu.memory_space<hbm>> -> memref<10000x128xf32, #tpu.memory_space<hbm>>
      tpu.wait_indirect_dma semaphore(%arg12 : memref<!tpu.dma_semaphore, #tpu.memory_space<semaphore_mem>>) src(%dma_wait3A_58 : memref<10000x128xf32, #tpu.memory_space<hbm>>) dst(%arg10 : memref<125x128xf32, #tpu.memory_space<vmem>>)
      %add3A_59 = arith.constant 2 : i32
      %add3A_60 = arith.addi %mul3A_39, %add3A_59 : i32
      %lt3A = arith.constant 40 : i32
      %lt3A_61 = arith.cmpi slt, %add3A_60, %lt3A : i32
      %convert_element_type3A_62 = arith.extui %lt3A_61 : i1 to i32
      %cond3A_63 = arith.constant 0 : i32
      %cond3A_64 = arith.cmpi ne, %convert_element_type3A_62, %cond3A_63 : i32
      scf.if %cond3A_64 {
        %add3A_65 = arith.constant 2 : i32
        %add3A_66 = arith.addi %mul3A_39, %add3A_65 : i32
        %dma_start3A_67 = arith.constant 0 : i32
        %dma_start3A_68 = tpu.memref_slice %arg7[%add3A_66, %dma_start3A_67] : memref<40x125xi32, #tpu.memory_space<vmem>> -> memref<1x125xi32, #tpu.memory_space<vmem>>
        %dma_start3A_69 = tpu.memref_squeeze %dma_start3A_68 : memref<1x125xi32, #tpu.memory_space<vmem>> -> memref<125xi32, #tpu.memory_space<vmem>>
        %dma_start3A_70 = arith.constant 0 : i32
        %dma_start3A_71 = arith.constant 0 : i32
        %dma_start3A_72 = tpu.memref_slice %arg2[%dma_start3A_70, %dma_start3A_71] : memref<10000x128xf32, #tpu.memory_space<hbm>> -> memref<10000x128xf32, #tpu.memory_space<hbm>>
        tpu.enqueue_indirect_dma source(%dma_start3A_72 : memref<10000x128xf32, #tpu.memory_space<hbm>>) target(%arg9 : memref<125x128xf32, #tpu.memory_space<vmem>>) offsets(%dma_start3A_69 : memref<125xi32, #tpu.memory_space<vmem>>) semaphore(%arg11 : memref<!tpu.dma_semaphore, #tpu.memory_space<semaphore_mem>>)
      } else {
      }
      "tpu.region"() ({
        %run_scoped3A = tpu.sem_alloc : memref<!tpu.dma_semaphore, #tpu.memory_space<semaphore_mem>>
        %dma_start3A_65 = arith.constant 0 : i32
        %dma_start3A_66 = tpu.memref_slice %arg8[%add3A_41, %dma_start3A_65] : memref<40x125xi32, #tpu.memory_space<vmem>> -> memref<1x125xi32, #tpu.memory_space<vmem>>
        %dma_start3A_67 = tpu.memref_squeeze %dma_start3A_66 : memref<1x125xi32, #tpu.memory_space<vmem>> -> memref<125xi32, #tpu.memory_space<vmem>>
        %dma_start3A_68 = arith.constant 0 : i32
        %dma_start3A_69 = arith.constant 0 : i32
        %dma_start3A_70 = tpu.memref_slice %arg13[%dma_start3A_68, %dma_start3A_69] : memref<10112x128xf32, #tpu.memory_space<vmem_shared>> -> memref<10112x128xf32, #tpu.memory_space<vmem_shared>>
        tpu.enqueue_indirect_dma source(%arg10 : memref<125x128xf32, #tpu.memory_space<vmem>>) target(%dma_start3A_70 : memref<10112x128xf32, #tpu.memory_space<vmem_shared>>) offsets(%dma_start3A_67 : memref<125xi32, #tpu.memory_space<vmem>>) semaphore(%run_scoped3A : memref<!tpu.dma_semaphore, #tpu.memory_space<semaphore_mem>>) {add = true}
        %dma_wait3A_71 = arith.constant 0 : i32
        %dma_wait3A_72 = tpu.memref_slice %arg8[%add3A_41, %dma_wait3A_71] : memref<40x125xi32, #tpu.memory_space<vmem>> -> memref<1x125xi32, #tpu.memory_space<vmem>>
        %dma_wait3A_73 = tpu.memref_squeeze %dma_wait3A_72 : memref<1x125xi32, #tpu.memory_space<vmem>> -> memref<125xi32, #tpu.memory_space<vmem>>
        %dma_wait3A_74 = arith.constant 0 : i32
        %dma_wait3A_75 = arith.constant 0 : i32
        %dma_wait3A_76 = tpu.memref_slice %arg13[%dma_wait3A_74, %dma_wait3A_75] : memref<10112x128xf32, #tpu.memory_space<vmem_shared>> -> memref<10112x128xf32, #tpu.memory_space<vmem_shared>>
        tpu.wait_indirect_dma semaphore(%run_scoped3A : memref<!tpu.dma_semaphore, #tpu.memory_space<semaphore_mem>>) src(%arg10 : memref<125x128xf32, #tpu.memory_space<vmem>>) dst(%dma_wait3A_76 : memref<10112x128xf32, #tpu.memory_space<vmem_shared>>)
        tpu.yield
      }) : () -> ()
    }
    %scan3A_31 = arith.constant 20 : i32
    %barrier3A_32 = arith.constant 0 : index
    tpu.barrier barrier_id(%barrier3A_32)
    %mul3A_33 = arith.constant 632 : i32
    %mul3A_34 = arith.muli %arg1, %mul3A_33 : i32
    %mul3A_35 = arith.constant 632 : i32
    %mul3A_36 = arith.muli %arg1, %mul3A_35 : i32
    "tpu.region"() ({
      %run_scoped3A = tpu.sem_alloc : memref<!tpu.dma_semaphore, #tpu.memory_space<semaphore_mem>>
      %dma_start3A_37 = arith.constant 0 : i32
      %dma_start3A_38 = tpu.memref_slice %arg6[%arg0, %mul3A_36, %dma_start3A_37] : memref<2x10112x128xf32, #tpu.memory_space<hbm>> -> memref<1x632x128xf32, #tpu.memory_space<hbm>>
      %dma_start3A_39 = tpu.memref_squeeze %dma_start3A_38 : memref<1x632x128xf32, #tpu.memory_space<hbm>> -> memref<632x128xf32, #tpu.memory_space<hbm>>
      %dma_start3A_40 = arith.constant 0 : i32
      %dma_start3A_41 = tpu.memref_slice %arg13[%mul3A_34, %dma_start3A_40] : memref<10112x128xf32, #tpu.memory_space<vmem_shared>> -> memref<632x128xf32, #tpu.memory_space<vmem_shared>>
      tpu.enqueue_dma source(%dma_start3A_41 : memref<632x128xf32, #tpu.memory_space<vmem_shared>>) target(%dma_start3A_39 : memref<632x128xf32, #tpu.memory_space<hbm>>) target_semaphore(%run_scoped3A : memref<!tpu.dma_semaphore, #tpu.memory_space<semaphore_mem>>)
      %dma_wait3A = arith.constant 0 : i32
      %dma_wait3A_42 = tpu.memref_slice %arg6[%arg0, %mul3A_36, %dma_wait3A] : memref<2x10112x128xf32, #tpu.memory_space<hbm>> -> memref<1x632x128xf32, #tpu.memory_space<hbm>>
      %dma_wait3A_43 = tpu.memref_squeeze %dma_wait3A_42 : memref<1x632x128xf32, #tpu.memory_space<hbm>> -> memref<632x128xf32, #tpu.memory_space<hbm>>
      %dma_wait3A_44 = arith.constant 0 : i32
      %dma_wait3A_45 = tpu.memref_slice %arg13[%mul3A_34, %dma_wait3A_44] : memref<10112x128xf32, #tpu.memory_space<vmem_shared>> -> memref<632x128xf32, #tpu.memory_space<vmem_shared>>
      tpu.wait_dma2 semaphore(%run_scoped3A : memref<!tpu.dma_semaphore, #tpu.memory_space<semaphore_mem>>) src(%dma_wait3A_45 : memref<632x128xf32, #tpu.memory_space<vmem_shared>>) dst(%dma_wait3A_43 : memref<632x128xf32, #tpu.memory_space<hbm>>)
      tpu.yield
    }) : () -> ()
    return
  }
}

#map = affine_map<(d0, d1) -> (0, 0)>
#map1 = affine_map<(d0, d1) -> (0, 0, 0)>
module attributes {stable_mosaic.version = 14 : i64} {
  func.func @scat_kernel(%arg0: i32, %arg1: i32, %arg2: memref<10000x128xf32, #tpu.memory_space<hbm>>, %arg3: memref<32x80x125xi32, #tpu.memory_space<hbm>>, %arg4: memref<32x80x125xi32, #tpu.memory_space<hbm>>, %arg5: memref<632x128xf32, #tpu.memory_space<hbm>>, %arg6: memref<2x10112x128xf32, #tpu.memory_space<hbm>>, %arg7: memref<40x125xi32, #tpu.memory_space<vmem>>, %arg8: memref<40x125xi32, #tpu.memory_space<vmem>>, %arg9: memref<125x128xf32, #tpu.memory_space<vmem>>, %arg10: memref<125x128xf32, #tpu.memory_space<vmem>>, %arg11: memref<!tpu.dma_semaphore, #tpu.memory_space<semaphore_mem>>, %arg12: memref<!tpu.dma_semaphore, #tpu.memory_space<semaphore_mem>>, %arg13: memref<10112x128xf32, #tpu.memory_space<vmem_shared>>) attributes {dimension_semantics = [#tpu.dimension_semantics<core_parallel>, #tpu.dimension_semantics<subcore_parallel>], iteration_bounds = array<i64: 2, 16>, scalar_prefetch = 0 : i64, scratch_operands = 7 : i64, tpu.core_type = #tpu.core_type<sc_vector_subcore>, window_params = [{transform_indices = #map}, {transform_indices = #map1}, {transform_indices = #map1}, {transform_indices = #map}, {transform_indices = #map1}]} {
    %mul3A = arith.constant 2 : i32
    %mul3A_0 = arith.muli %arg1, %mul3A : i32
    %add3A = arith.addi %mul3A_0, %arg0 : i32
    %eq3A = arith.constant 0 : i32
    %eq3A_1 = arith.cmpi eq, %arg0, %eq3A : i32
    %convert_element_type3A = arith.extui %eq3A_1 : i1 to i32
    %cond3A = arith.constant 0 : i32
    %cond3A_2 = arith.cmpi ne, %convert_element_type3A, %cond3A : i32
    scf.if %cond3A_2 {
      %lt3A = arith.constant 15 : i32
      %lt3A_37 = arith.cmpi slt, %arg1, %lt3A : i32
      %convert_element_type3A_38 = arith.extui %lt3A_37 : i1 to i32
      %cond3A_39 = arith.constant 0 : i32
      %cond3A_40 = arith.cmpi ne, %convert_element_type3A_38, %cond3A_39 : i32
      scf.if %cond3A_40 {
        %mul3A_46 = arith.constant 632 : i32
        %mul3A_47 = arith.muli %arg1, %mul3A_46 : i32
        %mul3A_48 = arith.constant 632 : i32
        %mul3A_49 = arith.muli %arg1, %mul3A_48 : i32
        "tpu.region"() ({
          %run_scoped3A = tpu.sem_alloc : memref<!tpu.dma_semaphore, #tpu.memory_space<semaphore_mem>>
          %dma_start3A_50 = arith.constant 0 : i32
          %dma_start3A_51 = tpu.memref_slice %arg13[%mul3A_49, %dma_start3A_50] : memref<10112x128xf32, #tpu.memory_space<vmem_shared>> -> memref<632x128xf32, #tpu.memory_space<vmem_shared>>
          %dma_start3A_52 = arith.constant 0 : i32
          %dma_start3A_53 = tpu.memref_slice %arg2[%mul3A_47, %dma_start3A_52] : memref<10000x128xf32, #tpu.memory_space<hbm>> -> memref<632x128xf32, #tpu.memory_space<hbm>>
          tpu.enqueue_dma source(%dma_start3A_53 : memref<632x128xf32, #tpu.memory_space<hbm>>) target(%dma_start3A_51 : memref<632x128xf32, #tpu.memory_space<vmem_shared>>) target_semaphore(%run_scoped3A : memref<!tpu.dma_semaphore, #tpu.memory_space<semaphore_mem>>)
          %dma_wait3A = arith.constant 0 : i32
          %dma_wait3A_54 = tpu.memref_slice %arg13[%mul3A_49, %dma_wait3A] : memref<10112x128xf32, #tpu.memory_space<vmem_shared>> -> memref<632x128xf32, #tpu.memory_space<vmem_shared>>
          %dma_wait3A_55 = arith.constant 0 : i32
          %dma_wait3A_56 = tpu.memref_slice %arg2[%mul3A_47, %dma_wait3A_55] : memref<10000x128xf32, #tpu.memory_space<hbm>> -> memref<632x128xf32, #tpu.memory_space<hbm>>
          tpu.wait_dma2 semaphore(%run_scoped3A : memref<!tpu.dma_semaphore, #tpu.memory_space<semaphore_mem>>) src(%dma_wait3A_56 : memref<632x128xf32, #tpu.memory_space<hbm>>) dst(%dma_wait3A_54 : memref<632x128xf32, #tpu.memory_space<vmem_shared>>)
          tpu.yield
        }) : () -> ()
      } else {
      }
      %eq3A_41 = arith.constant 15 : i32
      %eq3A_42 = arith.cmpi eq, %arg1, %eq3A_41 : i32
      %convert_element_type3A_43 = arith.extui %eq3A_42 : i1 to i32
      %cond3A_44 = arith.constant 0 : i32
      %cond3A_45 = arith.cmpi ne, %convert_element_type3A_43, %cond3A_44 : i32
      scf.if %cond3A_45 {
        "tpu.region"() ({
          %run_scoped3A = tpu.sem_alloc : memref<!tpu.dma_semaphore, #tpu.memory_space<semaphore_mem>>
          %dma_start3A_46 = arith.constant 9480 : i32
          %dma_start3A_47 = arith.constant 0 : i32
          %dma_start3A_48 = tpu.memref_slice %arg13[%dma_start3A_46, %dma_start3A_47] : memref<10112x128xf32, #tpu.memory_space<vmem_shared>> -> memref<520x128xf32, #tpu.memory_space<vmem_shared>>
          %dma_start3A_49 = arith.constant 9480 : i32
          %dma_start3A_50 = arith.constant 0 : i32
          %dma_start3A_51 = tpu.memref_slice %arg2[%dma_start3A_49, %dma_start3A_50] : memref<10000x128xf32, #tpu.memory_space<hbm>> -> memref<520x128xf32, #tpu.memory_space<hbm>>
          tpu.enqueue_dma source(%dma_start3A_51 : memref<520x128xf32, #tpu.memory_space<hbm>>) target(%dma_start3A_48 : memref<520x128xf32, #tpu.memory_space<vmem_shared>>) target_semaphore(%run_scoped3A : memref<!tpu.dma_semaphore, #tpu.memory_space<semaphore_mem>>)
          %dma_wait3A = arith.constant 9480 : i32
          %dma_wait3A_52 = arith.constant 0 : i32
          %dma_wait3A_53 = tpu.memref_slice %arg13[%dma_wait3A, %dma_wait3A_52] : memref<10112x128xf32, #tpu.memory_space<vmem_shared>> -> memref<520x128xf32, #tpu.memory_space<vmem_shared>>
          %dma_wait3A_54 = arith.constant 9480 : i32
          %dma_wait3A_55 = arith.constant 0 : i32
          %dma_wait3A_56 = tpu.memref_slice %arg2[%dma_wait3A_54, %dma_wait3A_55] : memref<10000x128xf32, #tpu.memory_space<hbm>> -> memref<520x128xf32, #tpu.memory_space<hbm>>
          tpu.wait_dma2 semaphore(%run_scoped3A : memref<!tpu.dma_semaphore, #tpu.memory_space<semaphore_mem>>) src(%dma_wait3A_56 : memref<520x128xf32, #tpu.memory_space<hbm>>) dst(%dma_wait3A_53 : memref<520x128xf32, #tpu.memory_space<vmem_shared>>)
          tpu.yield
        }) : () -> ()
      } else {
      }
    } else {
    }
    %eq3A_3 = arith.constant 1 : i32
    %eq3A_4 = arith.cmpi eq, %arg0, %eq3A_3 : i32
    %convert_element_type3A_5 = arith.extui %eq3A_4 : i1 to i32
    %cond3A_6 = arith.constant 0 : i32
    %cond3A_7 = arith.cmpi ne, %convert_element_type3A_5, %cond3A_6 : i32
    scf.if %cond3A_7 {
      %mul3A_37 = arith.constant 632 : i32
      %mul3A_38 = arith.muli %arg1, %mul3A_37 : i32
      "tpu.region"() ({
        %run_scoped3A = tpu.sem_alloc : memref<!tpu.dma_semaphore, #tpu.memory_space<semaphore_mem>>
        %dma_start3A_39 = arith.constant 0 : i32
        %dma_start3A_40 = tpu.memref_slice %arg13[%mul3A_38, %dma_start3A_39] : memref<10112x128xf32, #tpu.memory_space<vmem_shared>> -> memref<632x128xf32, #tpu.memory_space<vmem_shared>>
        tpu.enqueue_dma source(%arg5 : memref<632x128xf32, #tpu.memory_space<hbm>>) target(%dma_start3A_40 : memref<632x128xf32, #tpu.memory_space<vmem_shared>>) target_semaphore(%run_scoped3A : memref<!tpu.dma_semaphore, #tpu.memory_space<semaphore_mem>>)
        %dma_wait3A = arith.constant 0 : i32
        %dma_wait3A_41 = tpu.memref_slice %arg13[%mul3A_38, %dma_wait3A] : memref<10112x128xf32, #tpu.memory_space<vmem_shared>> -> memref<632x128xf32, #tpu.memory_space<vmem_shared>>
        tpu.wait_dma2 semaphore(%run_scoped3A : memref<!tpu.dma_semaphore, #tpu.memory_space<semaphore_mem>>) src(%arg5 : memref<632x128xf32, #tpu.memory_space<hbm>>) dst(%dma_wait3A_41 : memref<632x128xf32, #tpu.memory_space<vmem_shared>>)
        tpu.yield
      }) : () -> ()
    } else {
    }
    %barrier3A = arith.constant 0 : index
    tpu.barrier barrier_id(%barrier3A)
    "tpu.region"() ({
      %run_scoped3A = tpu.sem_alloc : memref<!tpu.dma_semaphore, #tpu.memory_space<semaphore_mem>>
      %dma_start3A_37 = arith.constant 0 : i32
      %dma_start3A_38 = arith.constant 0 : i32
      %dma_start3A_39 = tpu.memref_slice %arg3[%add3A, %dma_start3A_37, %dma_start3A_38] : memref<32x80x125xi32, #tpu.memory_space<hbm>> -> memref<1x40x125xi32, #tpu.memory_space<hbm>>
      %dma_start3A_40 = tpu.memref_squeeze %dma_start3A_39 : memref<1x40x125xi32, #tpu.memory_space<hbm>> -> memref<40x125xi32, #tpu.memory_space<hbm>>
      %dma_start3A_41 = arith.constant 0 : i32
      %dma_start3A_42 = arith.constant 0 : i32
      %dma_start3A_43 = tpu.memref_slice %arg3[%add3A, %dma_start3A_41, %dma_start3A_42] : memref<32x80x125xi32, #tpu.memory_space<hbm>> -> memref<1x40x125xi32, #tpu.memory_space<hbm>>
      %dma_start3A_44 = tpu.memref_squeeze %dma_start3A_43 : memref<1x40x125xi32, #tpu.memory_space<hbm>> -> memref<40x125xi32, #tpu.memory_space<hbm>>
      tpu.enqueue_dma source(%dma_start3A_44 : memref<40x125xi32, #tpu.memory_space<hbm>>) target(%arg7 : memref<40x125xi32, #tpu.memory_space<vmem>>) target_semaphore(%run_scoped3A : memref<!tpu.dma_semaphore, #tpu.memory_space<semaphore_mem>>)
      %dma_wait3A = arith.constant 0 : i32
      %dma_wait3A_45 = arith.constant 0 : i32
      %dma_wait3A_46 = tpu.memref_slice %arg3[%add3A, %dma_wait3A, %dma_wait3A_45] : memref<32x80x125xi32, #tpu.memory_space<hbm>> -> memref<1x40x125xi32, #tpu.memory_space<hbm>>
      %dma_wait3A_47 = tpu.memref_squeeze %dma_wait3A_46 : memref<1x40x125xi32, #tpu.memory_space<hbm>> -> memref<40x125xi32, #tpu.memory_space<hbm>>
      %dma_wait3A_48 = arith.constant 0 : i32
      %dma_wait3A_49 = arith.constant 0 : i32
      %dma_wait3A_50 = tpu.memref_slice %arg3[%add3A, %dma_wait3A_48, %dma_wait3A_49] : memref<32x80x125xi32, #tpu.memory_space<hbm>> -> memref<1x40x125xi32, #tpu.memory_space<hbm>>
      %dma_wait3A_51 = tpu.memref_squeeze %dma_wait3A_50 : memref<1x40x125xi32, #tpu.memory_space<hbm>> -> memref<40x125xi32, #tpu.memory_space<hbm>>
      tpu.wait_dma2 semaphore(%run_scoped3A : memref<!tpu.dma_semaphore, #tpu.memory_space<semaphore_mem>>) src(%dma_wait3A_51 : memref<40x125xi32, #tpu.memory_space<hbm>>) dst(%arg7 : memref<40x125xi32, #tpu.memory_space<vmem>>)
      tpu.yield
    }) : () -> ()
    "tpu.region"() ({
      %run_scoped3A = tpu.sem_alloc : memref<!tpu.dma_semaphore, #tpu.memory_space<semaphore_mem>>
      %dma_start3A_37 = arith.constant 0 : i32
      %dma_start3A_38 = arith.constant 0 : i32
      %dma_start3A_39 = tpu.memref_slice %arg4[%add3A, %dma_start3A_37, %dma_start3A_38] : memref<32x80x125xi32, #tpu.memory_space<hbm>> -> memref<1x40x125xi32, #tpu.memory_space<hbm>>
      %dma_start3A_40 = tpu.memref_squeeze %dma_start3A_39 : memref<1x40x125xi32, #tpu.memory_space<hbm>> -> memref<40x125xi32, #tpu.memory_space<hbm>>
      %dma_start3A_41 = arith.constant 0 : i32
      %dma_start3A_42 = arith.constant 0 : i32
      %dma_start3A_43 = tpu.memref_slice %arg4[%add3A, %dma_start3A_41, %dma_start3A_42] : memref<32x80x125xi32, #tpu.memory_space<hbm>> -> memref<1x40x125xi32, #tpu.memory_space<hbm>>
      %dma_start3A_44 = tpu.memref_squeeze %dma_start3A_43 : memref<1x40x125xi32, #tpu.memory_space<hbm>> -> memref<40x125xi32, #tpu.memory_space<hbm>>
      tpu.enqueue_dma source(%dma_start3A_44 : memref<40x125xi32, #tpu.memory_space<hbm>>) target(%arg8 : memref<40x125xi32, #tpu.memory_space<vmem>>) target_semaphore(%run_scoped3A : memref<!tpu.dma_semaphore, #tpu.memory_space<semaphore_mem>>)
      %dma_wait3A = arith.constant 0 : i32
      %dma_wait3A_45 = arith.constant 0 : i32
      %dma_wait3A_46 = tpu.memref_slice %arg4[%add3A, %dma_wait3A, %dma_wait3A_45] : memref<32x80x125xi32, #tpu.memory_space<hbm>> -> memref<1x40x125xi32, #tpu.memory_space<hbm>>
      %dma_wait3A_47 = tpu.memref_squeeze %dma_wait3A_46 : memref<1x40x125xi32, #tpu.memory_space<hbm>> -> memref<40x125xi32, #tpu.memory_space<hbm>>
      %dma_wait3A_48 = arith.constant 0 : i32
      %dma_wait3A_49 = arith.constant 0 : i32
      %dma_wait3A_50 = tpu.memref_slice %arg4[%add3A, %dma_wait3A_48, %dma_wait3A_49] : memref<32x80x125xi32, #tpu.memory_space<hbm>> -> memref<1x40x125xi32, #tpu.memory_space<hbm>>
      %dma_wait3A_51 = tpu.memref_squeeze %dma_wait3A_50 : memref<1x40x125xi32, #tpu.memory_space<hbm>> -> memref<40x125xi32, #tpu.memory_space<hbm>>
      tpu.wait_dma2 semaphore(%run_scoped3A : memref<!tpu.dma_semaphore, #tpu.memory_space<semaphore_mem>>) src(%dma_wait3A_51 : memref<40x125xi32, #tpu.memory_space<hbm>>) dst(%arg8 : memref<40x125xi32, #tpu.memory_space<vmem>>)
      tpu.yield
    }) : () -> ()
    %dma_start3A = arith.constant 0 : i32
    %dma_start3A_8 = arith.constant 0 : i32
    %dma_start3A_9 = tpu.memref_slice %arg7[%dma_start3A, %dma_start3A_8] : memref<40x125xi32, #tpu.memory_space<vmem>> -> memref<1x125xi32, #tpu.memory_space<vmem>>
    %dma_start3A_10 = tpu.memref_squeeze %dma_start3A_9 : memref<1x125xi32, #tpu.memory_space<vmem>> -> memref<125xi32, #tpu.memory_space<vmem>>
    %dma_start3A_11 = arith.constant 0 : i32
    %dma_start3A_12 = arith.constant 0 : i32
    %dma_start3A_13 = tpu.memref_slice %arg2[%dma_start3A_11, %dma_start3A_12] : memref<10000x128xf32, #tpu.memory_space<hbm>> -> memref<10000x128xf32, #tpu.memory_space<hbm>>
    tpu.enqueue_indirect_dma source(%dma_start3A_13 : memref<10000x128xf32, #tpu.memory_space<hbm>>) target(%arg9 : memref<125x128xf32, #tpu.memory_space<vmem>>) offsets(%dma_start3A_10 : memref<125xi32, #tpu.memory_space<vmem>>) semaphore(%arg11 : memref<!tpu.dma_semaphore, #tpu.memory_space<semaphore_mem>>)
    %scan3A = arith.constant 0 : i32
    %scan3A_14 = arith.constant 0 : i32
    %scan3A_15 = arith.constant 20 : i32
    %scan3A_16 = arith.addi %scan3A_14, %scan3A_15 : i32
    %scan3A_17 = arith.constant 1 : i32
    scf.for %scan3A_37 = %scan3A_14 to %scan3A_16 step %scan3A_17  : i32 {
      %mul3A_38 = arith.constant 2 : i32
      %mul3A_39 = arith.muli %mul3A_38, %scan3A_37 : i32
      %add3A_40 = arith.constant 1 : i32
      %add3A_41 = arith.addi %mul3A_39, %add3A_40 : i32
      %dma_wait3A = arith.constant 0 : i32
      %dma_wait3A_42 = tpu.memref_slice %arg7[%mul3A_39, %dma_wait3A] : memref<40x125xi32, #tpu.memory_space<vmem>> -> memref<1x125xi32, #tpu.memory_space<vmem>>
      %dma_wait3A_43 = tpu.memref_squeeze %dma_wait3A_42 : memref<1x125xi32, #tpu.memory_space<vmem>> -> memref<125xi32, #tpu.memory_space<vmem>>
      %dma_wait3A_44 = arith.constant 0 : i32
      %dma_wait3A_45 = arith.constant 0 : i32
      %dma_wait3A_46 = tpu.memref_slice %arg2[%dma_wait3A_44, %dma_wait3A_45] : memref<10000x128xf32, #tpu.memory_space<hbm>> -> memref<10000x128xf32, #tpu.memory_space<hbm>>
      tpu.wait_indirect_dma semaphore(%arg11 : memref<!tpu.dma_semaphore, #tpu.memory_space<semaphore_mem>>) src(%dma_wait3A_46 : memref<10000x128xf32, #tpu.memory_space<hbm>>) dst(%arg9 : memref<125x128xf32, #tpu.memory_space<vmem>>)
      %dma_start3A_47 = arith.constant 0 : i32
      %dma_start3A_48 = tpu.memref_slice %arg7[%add3A_41, %dma_start3A_47] : memref<40x125xi32, #tpu.memory_space<vmem>> -> memref<1x125xi32, #tpu.memory_space<vmem>>
      %dma_start3A_49 = tpu.memref_squeeze %dma_start3A_48 : memref<1x125xi32, #tpu.memory_space<vmem>> -> memref<125xi32, #tpu.memory_space<vmem>>
      %dma_start3A_50 = arith.constant 0 : i32
      %dma_start3A_51 = arith.constant 0 : i32
      %dma_start3A_52 = tpu.memref_slice %arg2[%dma_start3A_50, %dma_start3A_51] : memref<10000x128xf32, #tpu.memory_space<hbm>> -> memref<10000x128xf32, #tpu.memory_space<hbm>>
      tpu.enqueue_indirect_dma source(%dma_start3A_52 : memref<10000x128xf32, #tpu.memory_space<hbm>>) target(%arg10 : memref<125x128xf32, #tpu.memory_space<vmem>>) offsets(%dma_start3A_49 : memref<125xi32, #tpu.memory_space<vmem>>) semaphore(%arg12 : memref<!tpu.dma_semaphore, #tpu.memory_space<semaphore_mem>>)
      "tpu.region"() ({
        %run_scoped3A = tpu.sem_alloc : memref<!tpu.dma_semaphore, #tpu.memory_space<semaphore_mem>>
        %dma_start3A_65 = arith.constant 0 : i32
        %dma_start3A_66 = tpu.memref_slice %arg8[%mul3A_39, %dma_start3A_65] : memref<40x125xi32, #tpu.memory_space<vmem>> -> memref<1x125xi32, #tpu.memory_space<vmem>>
        %dma_start3A_67 = tpu.memref_squeeze %dma_start3A_66 : memref<1x125xi32, #tpu.memory_space<vmem>> -> memref<125xi32, #tpu.memory_space<vmem>>
        %dma_start3A_68 = arith.constant 0 : i32
        %dma_start3A_69 = arith.constant 0 : i32
        %dma_start3A_70 = tpu.memref_slice %arg13[%dma_start3A_68, %dma_start3A_69] : memref<10112x128xf32, #tpu.memory_space<vmem_shared>> -> memref<10112x128xf32, #tpu.memory_space<vmem_shared>>
        tpu.enqueue_indirect_dma source(%arg9 : memref<125x128xf32, #tpu.memory_space<vmem>>) target(%dma_start3A_70 : memref<10112x128xf32, #tpu.memory_space<vmem_shared>>) offsets(%dma_start3A_67 : memref<125xi32, #tpu.memory_space<vmem>>) semaphore(%run_scoped3A : memref<!tpu.dma_semaphore, #tpu.memory_space<semaphore_mem>>) {add = true}
        %dma_wait3A_71 = arith.constant 0 : i32
        %dma_wait3A_72 = tpu.memref_slice %arg8[%mul3A_39, %dma_wait3A_71] : memref<40x125xi32, #tpu.memory_space<vmem>> -> memref<1x125xi32, #tpu.memory_space<vmem>>
        %dma_wait3A_73 = tpu.memref_squeeze %dma_wait3A_72 : memref<1x125xi32, #tpu.memory_space<vmem>> -> memref<125xi32, #tpu.memory_space<vmem>>
        %dma_wait3A_74 = arith.constant 0 : i32
        %dma_wait3A_75 = arith.constant 0 : i32
        %dma_wait3A_76 = tpu.memref_slice %arg13[%dma_wait3A_74, %dma_wait3A_75] : memref<10112x128xf32, #tpu.memory_space<vmem_shared>> -> memref<10112x128xf32, #tpu.memory_space<vmem_shared>>
        tpu.wait_indirect_dma semaphore(%run_scoped3A : memref<!tpu.dma_semaphore, #tpu.memory_space<semaphore_mem>>) src(%arg9 : memref<125x128xf32, #tpu.memory_space<vmem>>) dst(%dma_wait3A_76 : memref<10112x128xf32, #tpu.memory_space<vmem_shared>>)
        tpu.yield
      }) : () -> ()
      %dma_wait3A_53 = arith.constant 0 : i32
      %dma_wait3A_54 = tpu.memref_slice %arg7[%add3A_41, %dma_wait3A_53] : memref<40x125xi32, #tpu.memory_space<vmem>> -> memref<1x125xi32, #tpu.memory_space<vmem>>
      %dma_wait3A_55 = tpu.memref_squeeze %dma_wait3A_54 : memref<1x125xi32, #tpu.memory_space<vmem>> -> memref<125xi32, #tpu.memory_space<vmem>>
      %dma_wait3A_56 = arith.constant 0 : i32
      %dma_wait3A_57 = arith.constant 0 : i32
      %dma_wait3A_58 = tpu.memref_slice %arg2[%dma_wait3A_56, %dma_wait3A_57] : memref<10000x128xf32, #tpu.memory_space<hbm>> -> memref<10000x128xf32, #tpu.memory_space<hbm>>
      tpu.wait_indirect_dma semaphore(%arg12 : memref<!tpu.dma_semaphore, #tpu.memory_space<semaphore_mem>>) src(%dma_wait3A_58 : memref<10000x128xf32, #tpu.memory_space<hbm>>) dst(%arg10 : memref<125x128xf32, #tpu.memory_space<vmem>>)
      %add3A_59 = arith.constant 2 : i32
      %add3A_60 = arith.addi %mul3A_39, %add3A_59 : i32
      %lt3A = arith.constant 40 : i32
      %lt3A_61 = arith.cmpi slt, %add3A_60, %lt3A : i32
      %convert_element_type3A_62 = arith.extui %lt3A_61 : i1 to i32
      %cond3A_63 = arith.constant 0 : i32
      %cond3A_64 = arith.cmpi ne, %convert_element_type3A_62, %cond3A_63 : i32
      scf.if %cond3A_64 {
        %add3A_65 = arith.constant 2 : i32
        %add3A_66 = arith.addi %mul3A_39, %add3A_65 : i32
        %dma_start3A_67 = arith.constant 0 : i32
        %dma_start3A_68 = tpu.memref_slice %arg7[%add3A_66, %dma_start3A_67] : memref<40x125xi32, #tpu.memory_space<vmem>> -> memref<1x125xi32, #tpu.memory_space<vmem>>
        %dma_start3A_69 = tpu.memref_squeeze %dma_start3A_68 : memref<1x125xi32, #tpu.memory_space<vmem>> -> memref<125xi32, #tpu.memory_space<vmem>>
        %dma_start3A_70 = arith.constant 0 : i32
        %dma_start3A_71 = arith.constant 0 : i32
        %dma_start3A_72 = tpu.memref_slice %arg2[%dma_start3A_70, %dma_start3A_71] : memref<10000x128xf32, #tpu.memory_space<hbm>> -> memref<10000x128xf32, #tpu.memory_space<hbm>>
        tpu.enqueue_indirect_dma source(%dma_start3A_72 : memref<10000x128xf32, #tpu.memory_space<hbm>>) target(%arg9 : memref<125x128xf32, #tpu.memory_space<vmem>>) offsets(%dma_start3A_69 : memref<125xi32, #tpu.memory_space<vmem>>) semaphore(%arg11 : memref<!tpu.dma_semaphore, #tpu.memory_space<semaphore_mem>>)
      } else {
      }
      "tpu.region"() ({
        %run_scoped3A = tpu.sem_alloc : memref<!tpu.dma_semaphore, #tpu.memory_space<semaphore_mem>>
        %dma_start3A_65 = arith.constant 0 : i32
        %dma_start3A_66 = tpu.memref_slice %arg8[%add3A_41, %dma_start3A_65] : memref<40x125xi32, #tpu.memory_space<vmem>> -> memref<1x125xi32, #tpu.memory_space<vmem>>
        %dma_start3A_67 = tpu.memref_squeeze %dma_start3A_66 : memref<1x125xi32, #tpu.memory_space<vmem>> -> memref<125xi32, #tpu.memory_space<vmem>>
        %dma_start3A_68 = arith.constant 0 : i32
        %dma_start3A_69 = arith.constant 0 : i32
        %dma_start3A_70 = tpu.memref_slice %arg13[%dma_start3A_68, %dma_start3A_69] : memref<10112x128xf32, #tpu.memory_space<vmem_shared>> -> memref<10112x128xf32, #tpu.memory_space<vmem_shared>>
        tpu.enqueue_indirect_dma source(%arg10 : memref<125x128xf32, #tpu.memory_space<vmem>>) target(%dma_start3A_70 : memref<10112x128xf32, #tpu.memory_space<vmem_shared>>) offsets(%dma_start3A_67 : memref<125xi32, #tpu.memory_space<vmem>>) semaphore(%run_scoped3A : memref<!tpu.dma_semaphore, #tpu.memory_space<semaphore_mem>>) {add = true}
        %dma_wait3A_71 = arith.constant 0 : i32
        %dma_wait3A_72 = tpu.memref_slice %arg8[%add3A_41, %dma_wait3A_71] : memref<40x125xi32, #tpu.memory_space<vmem>> -> memref<1x125xi32, #tpu.memory_space<vmem>>
        %dma_wait3A_73 = tpu.memref_squeeze %dma_wait3A_72 : memref<1x125xi32, #tpu.memory_space<vmem>> -> memref<125xi32, #tpu.memory_space<vmem>>
        %dma_wait3A_74 = arith.constant 0 : i32
        %dma_wait3A_75 = arith.constant 0 : i32
        %dma_wait3A_76 = tpu.memref_slice %arg13[%dma_wait3A_74, %dma_wait3A_75] : memref<10112x128xf32, #tpu.memory_space<vmem_shared>> -> memref<10112x128xf32, #tpu.memory_space<vmem_shared>>
        tpu.wait_indirect_dma semaphore(%run_scoped3A : memref<!tpu.dma_semaphore, #tpu.memory_space<semaphore_mem>>) src(%arg10 : memref<125x128xf32, #tpu.memory_space<vmem>>) dst(%dma_wait3A_76 : memref<10112x128xf32, #tpu.memory_space<vmem_shared>>)
        tpu.yield
      }) : () -> ()
    }
    %scan3A_18 = arith.constant 20 : i32
    "tpu.region"() ({
      %run_scoped3A = tpu.sem_alloc : memref<!tpu.dma_semaphore, #tpu.memory_space<semaphore_mem>>
      %dma_start3A_37 = arith.constant 40 : i32
      %dma_start3A_38 = arith.constant 0 : i32
      %dma_start3A_39 = tpu.memref_slice %arg3[%add3A, %dma_start3A_37, %dma_start3A_38] : memref<32x80x125xi32, #tpu.memory_space<hbm>> -> memref<1x40x125xi32, #tpu.memory_space<hbm>>
      %dma_start3A_40 = tpu.memref_squeeze %dma_start3A_39 : memref<1x40x125xi32, #tpu.memory_space<hbm>> -> memref<40x125xi32, #tpu.memory_space<hbm>>
      %dma_start3A_41 = arith.constant 40 : i32
      %dma_start3A_42 = arith.constant 0 : i32
      %dma_start3A_43 = tpu.memref_slice %arg3[%add3A, %dma_start3A_41, %dma_start3A_42] : memref<32x80x125xi32, #tpu.memory_space<hbm>> -> memref<1x40x125xi32, #tpu.memory_space<hbm>>
      %dma_start3A_44 = tpu.memref_squeeze %dma_start3A_43 : memref<1x40x125xi32, #tpu.memory_space<hbm>> -> memref<40x125xi32, #tpu.memory_space<hbm>>
      tpu.enqueue_dma source(%dma_start3A_44 : memref<40x125xi32, #tpu.memory_space<hbm>>) target(%arg7 : memref<40x125xi32, #tpu.memory_space<vmem>>) target_semaphore(%run_scoped3A : memref<!tpu.dma_semaphore, #tpu.memory_space<semaphore_mem>>)
      %dma_wait3A = arith.constant 40 : i32
      %dma_wait3A_45 = arith.constant 0 : i32
      %dma_wait3A_46 = tpu.memref_slice %arg3[%add3A, %dma_wait3A, %dma_wait3A_45] : memref<32x80x125xi32, #tpu.memory_space<hbm>> -> memref<1x40x125xi32, #tpu.memory_space<hbm>>
      %dma_wait3A_47 = tpu.memref_squeeze %dma_wait3A_46 : memref<1x40x125xi32, #tpu.memory_space<hbm>> -> memref<40x125xi32, #tpu.memory_space<hbm>>
      %dma_wait3A_48 = arith.constant 40 : i32
      %dma_wait3A_49 = arith.constant 0 : i32
      %dma_wait3A_50 = tpu.memref_slice %arg3[%add3A, %dma_wait3A_48, %dma_wait3A_49] : memref<32x80x125xi32, #tpu.memory_space<hbm>> -> memref<1x40x125xi32, #tpu.memory_space<hbm>>
      %dma_wait3A_51 = tpu.memref_squeeze %dma_wait3A_50 : memref<1x40x125xi32, #tpu.memory_space<hbm>> -> memref<40x125xi32, #tpu.memory_space<hbm>>
      tpu.wait_dma2 semaphore(%run_scoped3A : memref<!tpu.dma_semaphore, #tpu.memory_space<semaphore_mem>>) src(%dma_wait3A_51 : memref<40x125xi32, #tpu.memory_space<hbm>>) dst(%arg7 : memref<40x125xi32, #tpu.memory_space<vmem>>)
      tpu.yield
    }) : () -> ()
    "tpu.region"() ({
      %run_scoped3A = tpu.sem_alloc : memref<!tpu.dma_semaphore, #tpu.memory_space<semaphore_mem>>
      %dma_start3A_37 = arith.constant 40 : i32
      %dma_start3A_38 = arith.constant 0 : i32
      %dma_start3A_39 = tpu.memref_slice %arg4[%add3A, %dma_start3A_37, %dma_start3A_38] : memref<32x80x125xi32, #tpu.memory_space<hbm>> -> memref<1x40x125xi32, #tpu.memory_space<hbm>>
      %dma_start3A_40 = tpu.memref_squeeze %dma_start3A_39 : memref<1x40x125xi32, #tpu.memory_space<hbm>> -> memref<40x125xi32, #tpu.memory_space<hbm>>
      %dma_start3A_41 = arith.constant 40 : i32
      %dma_start3A_42 = arith.constant 0 : i32
      %dma_start3A_43 = tpu.memref_slice %arg4[%add3A, %dma_start3A_41, %dma_start3A_42] : memref<32x80x125xi32, #tpu.memory_space<hbm>> -> memref<1x40x125xi32, #tpu.memory_space<hbm>>
      %dma_start3A_44 = tpu.memref_squeeze %dma_start3A_43 : memref<1x40x125xi32, #tpu.memory_space<hbm>> -> memref<40x125xi32, #tpu.memory_space<hbm>>
      tpu.enqueue_dma source(%dma_start3A_44 : memref<40x125xi32, #tpu.memory_space<hbm>>) target(%arg8 : memref<40x125xi32, #tpu.memory_space<vmem>>) target_semaphore(%run_scoped3A : memref<!tpu.dma_semaphore, #tpu.memory_space<semaphore_mem>>)
      %dma_wait3A = arith.constant 40 : i32
      %dma_wait3A_45 = arith.constant 0 : i32
      %dma_wait3A_46 = tpu.memref_slice %arg4[%add3A, %dma_wait3A, %dma_wait3A_45] : memref<32x80x125xi32, #tpu.memory_space<hbm>> -> memref<1x40x125xi32, #tpu.memory_space<hbm>>
      %dma_wait3A_47 = tpu.memref_squeeze %dma_wait3A_46 : memref<1x40x125xi32, #tpu.memory_space<hbm>> -> memref<40x125xi32, #tpu.memory_space<hbm>>
      %dma_wait3A_48 = arith.constant 40 : i32
      %dma_wait3A_49 = arith.constant 0 : i32
      %dma_wait3A_50 = tpu.memref_slice %arg4[%add3A, %dma_wait3A_48, %dma_wait3A_49] : memref<32x80x125xi32, #tpu.memory_space<hbm>> -> memref<1x40x125xi32, #tpu.memory_space<hbm>>
      %dma_wait3A_51 = tpu.memref_squeeze %dma_wait3A_50 : memref<1x40x125xi32, #tpu.memory_space<hbm>> -> memref<40x125xi32, #tpu.memory_space<hbm>>
      tpu.wait_dma2 semaphore(%run_scoped3A : memref<!tpu.dma_semaphore, #tpu.memory_space<semaphore_mem>>) src(%dma_wait3A_51 : memref<40x125xi32, #tpu.memory_space<hbm>>) dst(%arg8 : memref<40x125xi32, #tpu.memory_space<vmem>>)
      tpu.yield
    }) : () -> ()
    %dma_start3A_19 = arith.constant 0 : i32
    %dma_start3A_20 = arith.constant 0 : i32
    %dma_start3A_21 = tpu.memref_slice %arg7[%dma_start3A_19, %dma_start3A_20] : memref<40x125xi32, #tpu.memory_space<vmem>> -> memref<1x125xi32, #tpu.memory_space<vmem>>
    %dma_start3A_22 = tpu.memref_squeeze %dma_start3A_21 : memref<1x125xi32, #tpu.memory_space<vmem>> -> memref<125xi32, #tpu.memory_space<vmem>>
    %dma_start3A_23 = arith.constant 0 : i32
    %dma_start3A_24 = arith.constant 0 : i32
    %dma_start3A_25 = tpu.memref_slice %arg2[%dma_start3A_23, %dma_start3A_24] : memref<10000x128xf32, #tpu.memory_space<hbm>> -> memref<10000x128xf32, #tpu.memory_space<hbm>>
    tpu.enqueue_indirect_dma source(%dma_start3A_25 : memref<10000x128xf32, #tpu.memory_space<hbm>>) target(%arg9 : memref<125x128xf32, #tpu.memory_space<vmem>>) offsets(%dma_start3A_22 : memref<125xi32, #tpu.memory_space<vmem>>) semaphore(%arg11 : memref<!tpu.dma_semaphore, #tpu.memory_space<semaphore_mem>>)
    %scan3A_26 = arith.constant 0 : i32
    %scan3A_27 = arith.constant 0 : i32
    %scan3A_28 = arith.constant 20 : i32
    %scan3A_29 = arith.addi %scan3A_27, %scan3A_28 : i32
    %scan3A_30 = arith.constant 1 : i32
    scf.for %scan3A_37 = %scan3A_27 to %scan3A_29 step %scan3A_30  : i32 {
      %mul3A_38 = arith.constant 2 : i32
      %mul3A_39 = arith.muli %mul3A_38, %scan3A_37 : i32
      %add3A_40 = arith.constant 1 : i32
      %add3A_41 = arith.addi %mul3A_39, %add3A_40 : i32
      %dma_wait3A = arith.constant 0 : i32
      %dma_wait3A_42 = tpu.memref_slice %arg7[%mul3A_39, %dma_wait3A] : memref<40x125xi32, #tpu.memory_space<vmem>> -> memref<1x125xi32, #tpu.memory_space<vmem>>
      %dma_wait3A_43 = tpu.memref_squeeze %dma_wait3A_42 : memref<1x125xi32, #tpu.memory_space<vmem>> -> memref<125xi32, #tpu.memory_space<vmem>>
      %dma_wait3A_44 = arith.constant 0 : i32
      %dma_wait3A_45 = arith.constant 0 : i32
      %dma_wait3A_46 = tpu.memref_slice %arg2[%dma_wait3A_44, %dma_wait3A_45] : memref<10000x128xf32, #tpu.memory_space<hbm>> -> memref<10000x128xf32, #tpu.memory_space<hbm>>
      tpu.wait_indirect_dma semaphore(%arg11 : memref<!tpu.dma_semaphore, #tpu.memory_space<semaphore_mem>>) src(%dma_wait3A_46 : memref<10000x128xf32, #tpu.memory_space<hbm>>) dst(%arg9 : memref<125x128xf32, #tpu.memory_space<vmem>>)
      %dma_start3A_47 = arith.constant 0 : i32
      %dma_start3A_48 = tpu.memref_slice %arg7[%add3A_41, %dma_start3A_47] : memref<40x125xi32, #tpu.memory_space<vmem>> -> memref<1x125xi32, #tpu.memory_space<vmem>>
      %dma_start3A_49 = tpu.memref_squeeze %dma_start3A_48 : memref<1x125xi32, #tpu.memory_space<vmem>> -> memref<125xi32, #tpu.memory_space<vmem>>
      %dma_start3A_50 = arith.constant 0 : i32
      %dma_start3A_51 = arith.constant 0 : i32
      %dma_start3A_52 = tpu.memref_slice %arg2[%dma_start3A_50, %dma_start3A_51] : memref<10000x128xf32, #tpu.memory_space<hbm>> -> memref<10000x128xf32, #tpu.memory_space<hbm>>
      tpu.enqueue_indirect_dma source(%dma_start3A_52 : memref<10000x128xf32, #tpu.memory_space<hbm>>) target(%arg10 : memref<125x128xf32, #tpu.memory_space<vmem>>) offsets(%dma_start3A_49 : memref<125xi32, #tpu.memory_space<vmem>>) semaphore(%arg12 : memref<!tpu.dma_semaphore, #tpu.memory_space<semaphore_mem>>)
      "tpu.region"() ({
        %run_scoped3A = tpu.sem_alloc : memref<!tpu.dma_semaphore, #tpu.memory_space<semaphore_mem>>
        %dma_start3A_65 = arith.constant 0 : i32
        %dma_start3A_66 = tpu.memref_slice %arg8[%mul3A_39, %dma_start3A_65] : memref<40x125xi32, #tpu.memory_space<vmem>> -> memref<1x125xi32, #tpu.memory_space<vmem>>
        %dma_start3A_67 = tpu.memref_squeeze %dma_start3A_66 : memref<1x125xi32, #tpu.memory_space<vmem>> -> memref<125xi32, #tpu.memory_space<vmem>>
        %dma_start3A_68 = arith.constant 0 : i32
        %dma_start3A_69 = arith.constant 0 : i32
        %dma_start3A_70 = tpu.memref_slice %arg13[%dma_start3A_68, %dma_start3A_69] : memref<10112x128xf32, #tpu.memory_space<vmem_shared>> -> memref<10112x128xf32, #tpu.memory_space<vmem_shared>>
        tpu.enqueue_indirect_dma source(%arg9 : memref<125x128xf32, #tpu.memory_space<vmem>>) target(%dma_start3A_70 : memref<10112x128xf32, #tpu.memory_space<vmem_shared>>) offsets(%dma_start3A_67 : memref<125xi32, #tpu.memory_space<vmem>>) semaphore(%run_scoped3A : memref<!tpu.dma_semaphore, #tpu.memory_space<semaphore_mem>>) {add = true}
        %dma_wait3A_71 = arith.constant 0 : i32
        %dma_wait3A_72 = tpu.memref_slice %arg8[%mul3A_39, %dma_wait3A_71] : memref<40x125xi32, #tpu.memory_space<vmem>> -> memref<1x125xi32, #tpu.memory_space<vmem>>
        %dma_wait3A_73 = tpu.memref_squeeze %dma_wait3A_72 : memref<1x125xi32, #tpu.memory_space<vmem>> -> memref<125xi32, #tpu.memory_space<vmem>>
        %dma_wait3A_74 = arith.constant 0 : i32
        %dma_wait3A_75 = arith.constant 0 : i32
        %dma_wait3A_76 = tpu.memref_slice %arg13[%dma_wait3A_74, %dma_wait3A_75] : memref<10112x128xf32, #tpu.memory_space<vmem_shared>> -> memref<10112x128xf32, #tpu.memory_space<vmem_shared>>
        tpu.wait_indirect_dma semaphore(%run_scoped3A : memref<!tpu.dma_semaphore, #tpu.memory_space<semaphore_mem>>) src(%arg9 : memref<125x128xf32, #tpu.memory_space<vmem>>) dst(%dma_wait3A_76 : memref<10112x128xf32, #tpu.memory_space<vmem_shared>>)
        tpu.yield
      }) : () -> ()
      %dma_wait3A_53 = arith.constant 0 : i32
      %dma_wait3A_54 = tpu.memref_slice %arg7[%add3A_41, %dma_wait3A_53] : memref<40x125xi32, #tpu.memory_space<vmem>> -> memref<1x125xi32, #tpu.memory_space<vmem>>
      %dma_wait3A_55 = tpu.memref_squeeze %dma_wait3A_54 : memref<1x125xi32, #tpu.memory_space<vmem>> -> memref<125xi32, #tpu.memory_space<vmem>>
      %dma_wait3A_56 = arith.constant 0 : i32
      %dma_wait3A_57 = arith.constant 0 : i32
      %dma_wait3A_58 = tpu.memref_slice %arg2[%dma_wait3A_56, %dma_wait3A_57] : memref<10000x128xf32, #tpu.memory_space<hbm>> -> memref<10000x128xf32, #tpu.memory_space<hbm>>
      tpu.wait_indirect_dma semaphore(%arg12 : memref<!tpu.dma_semaphore, #tpu.memory_space<semaphore_mem>>) src(%dma_wait3A_58 : memref<10000x128xf32, #tpu.memory_space<hbm>>) dst(%arg10 : memref<125x128xf32, #tpu.memory_space<vmem>>)
      %add3A_59 = arith.constant 2 : i32
      %add3A_60 = arith.addi %mul3A_39, %add3A_59 : i32
      %lt3A = arith.constant 40 : i32
      %lt3A_61 = arith.cmpi slt, %add3A_60, %lt3A : i32
      %convert_element_type3A_62 = arith.extui %lt3A_61 : i1 to i32
      %cond3A_63 = arith.constant 0 : i32
      %cond3A_64 = arith.cmpi ne, %convert_element_type3A_62, %cond3A_63 : i32
      scf.if %cond3A_64 {
        %add3A_65 = arith.constant 2 : i32
        %add3A_66 = arith.addi %mul3A_39, %add3A_65 : i32
        %dma_start3A_67 = arith.constant 0 : i32
        %dma_start3A_68 = tpu.memref_slice %arg7[%add3A_66, %dma_start3A_67] : memref<40x125xi32, #tpu.memory_space<vmem>> -> memref<1x125xi32, #tpu.memory_space<vmem>>
        %dma_start3A_69 = tpu.memref_squeeze %dma_start3A_68 : memref<1x125xi32, #tpu.memory_space<vmem>> -> memref<125xi32, #tpu.memory_space<vmem>>
        %dma_start3A_70 = arith.constant 0 : i32
        %dma_start3A_71 = arith.constant 0 : i32
        %dma_start3A_72 = tpu.memref_slice %arg2[%dma_start3A_70, %dma_start3A_71] : memref<10000x128xf32, #tpu.memory_space<hbm>> -> memref<10000x128xf32, #tpu.memory_space<hbm>>
        tpu.enqueue_indirect_dma source(%dma_start3A_72 : memref<10000x128xf32, #tpu.memory_space<hbm>>) target(%arg9 : memref<125x128xf32, #tpu.memory_space<vmem>>) offsets(%dma_start3A_69 : memref<125xi32, #tpu.memory_space<vmem>>) semaphore(%arg11 : memref<!tpu.dma_semaphore, #tpu.memory_space<semaphore_mem>>)
      } else {
      }
      "tpu.region"() ({
        %run_scoped3A = tpu.sem_alloc : memref<!tpu.dma_semaphore, #tpu.memory_space<semaphore_mem>>
        %dma_start3A_65 = arith.constant 0 : i32
        %dma_start3A_66 = tpu.memref_slice %arg8[%add3A_41, %dma_start3A_65] : memref<40x125xi32, #tpu.memory_space<vmem>> -> memref<1x125xi32, #tpu.memory_space<vmem>>
        %dma_start3A_67 = tpu.memref_squeeze %dma_start3A_66 : memref<1x125xi32, #tpu.memory_space<vmem>> -> memref<125xi32, #tpu.memory_space<vmem>>
        %dma_start3A_68 = arith.constant 0 : i32
        %dma_start3A_69 = arith.constant 0 : i32
        %dma_start3A_70 = tpu.memref_slice %arg13[%dma_start3A_68, %dma_start3A_69] : memref<10112x128xf32, #tpu.memory_space<vmem_shared>> -> memref<10112x128xf32, #tpu.memory_space<vmem_shared>>
        tpu.enqueue_indirect_dma source(%arg10 : memref<125x128xf32, #tpu.memory_space<vmem>>) target(%dma_start3A_70 : memref<10112x128xf32, #tpu.memory_space<vmem_shared>>) offsets(%dma_start3A_67 : memref<125xi32, #tpu.memory_space<vmem>>) semaphore(%run_scoped3A : memref<!tpu.dma_semaphore, #tpu.memory_space<semaphore_mem>>) {add = true}
        %dma_wait3A_71 = arith.constant 0 : i32
        %dma_wait3A_72 = tpu.memref_slice %arg8[%add3A_41, %dma_wait3A_71] : memref<40x125xi32, #tpu.memory_space<vmem>> -> memref<1x125xi32, #tpu.memory_space<vmem>>
        %dma_wait3A_73 = tpu.memref_squeeze %dma_wait3A_72 : memref<1x125xi32, #tpu.memory_space<vmem>> -> memref<125xi32, #tpu.memory_space<vmem>>
        %dma_wait3A_74 = arith.constant 0 : i32
        %dma_wait3A_75 = arith.constant 0 : i32
        %dma_wait3A_76 = tpu.memref_slice %arg13[%dma_wait3A_74, %dma_wait3A_75] : memref<10112x128xf32, #tpu.memory_space<vmem_shared>> -> memref<10112x128xf32, #tpu.memory_space<vmem_shared>>
        tpu.wait_indirect_dma semaphore(%run_scoped3A : memref<!tpu.dma_semaphore, #tpu.memory_space<semaphore_mem>>) src(%arg10 : memref<125x128xf32, #tpu.memory_space<vmem>>) dst(%dma_wait3A_76 : memref<10112x128xf32, #tpu.memory_space<vmem_shared>>)
        tpu.yield
      }) : () -> ()
    }
    %scan3A_31 = arith.constant 20 : i32
    %barrier3A_32 = arith.constant 0 : index
    tpu.barrier barrier_id(%barrier3A_32)
    %mul3A_33 = arith.constant 632 : i32
    %mul3A_34 = arith.muli %arg1, %mul3A_33 : i32
    %mul3A_35 = arith.constant 632 : i32
    %mul3A_36 = arith.muli %arg1, %mul3A_35 : i32
    "tpu.region"() ({
      %run_scoped3A = tpu.sem_alloc : memref<!tpu.dma_semaphore, #tpu.memory_space<semaphore_mem>>
      %dma_start3A_37 = arith.constant 0 : i32
      %dma_start3A_38 = tpu.memref_slice %arg6[%arg0, %mul3A_36, %dma_start3A_37] : memref<2x10112x128xf32, #tpu.memory_space<hbm>> -> memref<1x632x128xf32, #tpu.memory_space<hbm>>
      %dma_start3A_39 = tpu.memref_squeeze %dma_start3A_38 : memref<1x632x128xf32, #tpu.memory_space<hbm>> -> memref<632x128xf32, #tpu.memory_space<hbm>>
      %dma_start3A_40 = arith.constant 0 : i32
      %dma_start3A_41 = tpu.memref_slice %arg13[%mul3A_34, %dma_start3A_40] : memref<10112x128xf32, #tpu.memory_space<vmem_shared>> -> memref<632x128xf32, #tpu.memory_space<vmem_shared>>
      tpu.enqueue_dma source(%dma_start3A_41 : memref<632x128xf32, #tpu.memory_space<vmem_shared>>) target(%dma_start3A_39 : memref<632x128xf32, #tpu.memory_space<hbm>>) target_semaphore(%run_scoped3A : memref<!tpu.dma_semaphore, #tpu.memory_space<semaphore_mem>>)
      %dma_wait3A = arith.constant 0 : i32
      %dma_wait3A_42 = tpu.memref_slice %arg6[%arg0, %mul3A_36, %dma_wait3A] : memref<2x10112x128xf32, #tpu.memory_space<hbm>> -> memref<1x632x128xf32, #tpu.memory_space<hbm>>
      %dma_wait3A_43 = tpu.memref_squeeze %dma_wait3A_42 : memref<1x632x128xf32, #tpu.memory_space<hbm>> -> memref<632x128xf32, #tpu.memory_space<hbm>>
      %dma_wait3A_44 = arith.constant 0 : i32
      %dma_wait3A_45 = tpu.memref_slice %arg13[%mul3A_34, %dma_wait3A_44] : memref<10112x128xf32, #tpu.memory_space<vmem_shared>> -> memref<632x128xf32, #tpu.memory_space<vmem_shared>>
      tpu.wait_dma2 semaphore(%run_scoped3A : memref<!tpu.dma_semaphore, #tpu.memory_space<semaphore_mem>>) src(%dma_wait3A_45 : memref<632x128xf32, #tpu.memory_space<vmem_shared>>) dst(%dma_wait3A_43 : memref<632x128xf32, #tpu.memory_space<hbm>>)
      tpu.yield
    }) : () -> ()
    return
  }
}

module attributes {stable_mosaic.version = 14 : i64} {
  func.func @body(%arg0: i32, %arg1: memref<1000x128xf32, #tpu.memory_space<vmem>>, %arg2: memref<1000x1xf32, #tpu.memory_space<vmem>>, %arg3: memref<1000x1xf32, #tpu.memory_space<vmem>>, %arg4: memref<128x128xf32, #tpu.memory_space<vmem>>, %arg5: memref<1x128xf32, #tpu.memory_space<vmem>>, %arg6: memref<128x128xf32, #tpu.memory_space<vmem>>, %arg7: memref<1000x128xf32, #tpu.memory_space<vmem>>) attributes {dimension_semantics = [#tpu.dimension_semantics<arbitrary>], iteration_bounds = array<i64: 10>, scalar_prefetch = 0 : i64, scratch_operands = 0 : i64, tpu.core_type = #tpu.core_type<tc>, window_params = [{transform_indices = @transform_0, window_bounds = array<i64: 1000, 128>}, {transform_indices = @transform_1, window_bounds = array<i64: 1000, 1>}, {transform_indices = @transform_2, window_bounds = array<i64: 1000, 1>}, {pipeline_mode = #tpu.pipeline_mode<synchronous>, transform_indices = @transform_3, window_bounds = array<i64: 128, 128>}, {pipeline_mode = #tpu.pipeline_mode<synchronous>, transform_indices = @transform_4, window_bounds = array<i64: 1, 128>}, {pipeline_mode = #tpu.pipeline_mode<synchronous>, transform_indices = @transform_5, window_bounds = array<i64: 128, 128>}, {transform_indices = @transform_6, window_bounds = array<i64: 1000, 128>}]} {
    %get3A = arith.constant 0 : index
    %get3A_0 = arith.constant 0 : index
    %get3A_1 = vector.load %arg2[%get3A, %get3A_0] : memref<1000x1xf32, #tpu.memory_space<vmem>>, vector<1000x1xf32>
    %get3A_2 = arith.constant 0 : index
    %get3A_3 = arith.constant 0 : index
    %get3A_4 = vector.load %arg3[%get3A_2, %get3A_3] : memref<1000x1xf32, #tpu.memory_space<vmem>>, vector<1000x1xf32>
    %add3A = arith.addf %get3A_1, %get3A_4 : vector<1000x1xf32>
    %add3A_5 = arith.constant 1.000000e+00 : f32
    %add3A_6 = vector.broadcast %add3A_5 : f32 to vector<1000x1xf32>
    %add3A_7 = arith.addf %add3A, %add3A_6 : vector<1000x1xf32>
    %rsqrt3A = math.rsqrt %add3A_7 : vector<1000x1xf32>
    %get3A_8 = arith.constant 0 : index
    %get3A_9 = arith.constant 0 : index
    %get3A_10 = vector.load %arg1[%get3A_8, %get3A_9] : memref<1000x128xf32, #tpu.memory_space<vmem>>, vector<1000x128xf32>
    %get3A_11 = arith.constant 0 : index
    %get3A_12 = arith.constant 0 : index
    %get3A_13 = vector.load %arg4[%get3A_11, %get3A_12] : memref<128x128xf32, #tpu.memory_space<vmem>>, vector<128x128xf32>
    %dot_general3A = arith.constant dense<0.000000e+00> : vector<1000x128xf32>
    %dot_general3A_14 = tpu.matmul %get3A_10, %get3A_13, %dot_general3A {dimension_numbers = #tpu.dot_dimension_numbers<[1], [0], [0], [1], [0, 0, 1, 1], [], []>, transpose_lhs_hint = false} : vector<1000x128xf32>, vector<128x128xf32>, vector<1000x128xf32> -> vector<1000x128xf32>
    %get3A_15 = arith.constant 0 : index
    %get3A_16 = arith.constant 0 : index
    %get3A_17 = vector.load %arg5[%get3A_15, %get3A_16] : memref<1x128xf32, #tpu.memory_space<vmem>>, vector<1x128xf32>
    %add3A_18 = vector.broadcast %get3A_17 : vector<1x128xf32> to vector<1000x128xf32>
    %add3A_19 = arith.addf %dot_general3A_14, %add3A_18 : vector<1000x128xf32>
    %max3A = arith.constant 0.000000e+00 : f32
    %max3A_20 = vector.broadcast %max3A : f32 to vector<1000x128xf32>
    %max3A_21 = arith.maximumf %add3A_19, %max3A_20 : vector<1000x128xf32>
    %get3A_22 = arith.constant 0 : index
    %get3A_23 = arith.constant 0 : index
    %get3A_24 = vector.load %arg6[%get3A_22, %get3A_23] : memref<128x128xf32, #tpu.memory_space<vmem>>, vector<128x128xf32>
    %dot_general3A_25 = arith.constant dense<0.000000e+00> : vector<1000x128xf32>
    %dot_general3A_26 = tpu.matmul %max3A_21, %get3A_24, %dot_general3A_25 {dimension_numbers = #tpu.dot_dimension_numbers<[1], [0], [0], [1], [0, 0, 1, 1], [], []>, transpose_lhs_hint = false} : vector<1000x128xf32>, vector<128x128xf32>, vector<1000x128xf32> -> vector<1000x128xf32>
    %mul3A = vector.broadcast %rsqrt3A : vector<1000x1xf32> to vector<1000x128xf32>
    %mul3A_27 = arith.mulf %mul3A, %dot_general3A_26 : vector<1000x128xf32>
    %swap3A = arith.constant 0 : index
    %swap3A_28 = arith.constant 0 : index
    %swap3A_29 = vector.load %arg7[%swap3A, %swap3A_28] : memref<1000x128xf32, #tpu.memory_space<vmem>>, vector<1000x128xf32>
    tpu.vector_store %arg7[%swap3A, %swap3A_28], %mul3A_27 {strides = array<i32>} : memref<1000x128xf32, #tpu.memory_space<vmem>>, vector<1000x128xf32>,
    return
  }
  func.func @transform_0(%arg0: i32) -> (i32, i32) {
    %c0_i32 = arith.constant 0 : i32
    %c0_i32_0 = arith.constant 0 : i32
    return %arg0, %c0_i32 : i32, i32
  }
  func.func @transform_1(%arg0: i32) -> (i32, i32) {
    %c0_i32 = arith.constant 0 : i32
    %c0_i32_0 = arith.constant 0 : i32
    return %arg0, %c0_i32 : i32, i32
  }
  func.func @transform_2(%arg0: i32) -> (i32, i32) {
    %c0_i32 = arith.constant 0 : i32
    %c0_i32_0 = arith.constant 0 : i32
    return %arg0, %c0_i32 : i32, i32
  }
  func.func @transform_3(%arg0: i32) -> (i32, i32) {
    %c0_i32 = arith.constant 0 : i32
    %c0_i32_0 = arith.constant 0 : i32
    %c0_i32_1 = arith.constant 0 : i32
    return %c0_i32, %c0_i32_0 : i32, i32
  }
  func.func @transform_4(%arg0: i32) -> (i32, i32) {
    %c0_i32 = arith.constant 0 : i32
    %c0_i32_0 = arith.constant 0 : i32
    %c0_i32_1 = arith.constant 0 : i32
    return %c0_i32, %c0_i32_0 : i32, i32
  }
  func.func @transform_5(%arg0: i32) -> (i32, i32) {
    %c0_i32 = arith.constant 0 : i32
    %c0_i32_0 = arith.constant 0 : i32
    %c0_i32_1 = arith.constant 0 : i32
    return %c0_i32, %c0_i32_0 : i32, i32
  }
  func.func @transform_6(%arg0: i32) -> (i32, i32) {
    %c0_i32 = arith.constant 0 : i32
    %c0_i32_0 = arith.constant 0 : i32
    return %arg0, %c0_i32 : i32, i32
  }
}

module attributes {stable_mosaic.version = 14 : i64} {
  func.func @body(%arg0: i32, %arg1: memref<2x1000x128xf32, #tpu.memory_space<vmem>>, %arg2: memref<1000x1xf32, #tpu.memory_space<vmem>>, %arg3: memref<1000x1xf32, #tpu.memory_space<vmem>>, %arg4: memref<1x128xf32, #tpu.memory_space<vmem>>, %arg5: memref<128x128xf32, #tpu.memory_space<vmem>>, %arg6: memref<1000x128xf32, #tpu.memory_space<vmem>>) attributes {dimension_semantics = [#tpu.dimension_semantics<arbitrary>], iteration_bounds = array<i64: 10>, scalar_prefetch = 0 : i64, scratch_operands = 0 : i64, tpu.core_type = #tpu.core_type<tc>, window_params = [{transform_indices = @transform_0, window_bounds = array<i64: 2, 1000, 128>}, {transform_indices = @transform_1, window_bounds = array<i64: 1000, 1>}, {transform_indices = @transform_2, window_bounds = array<i64: 1000, 1>}, {pipeline_mode = #tpu.pipeline_mode<synchronous>, transform_indices = @transform_3, window_bounds = array<i64: 1, 128>}, {pipeline_mode = #tpu.pipeline_mode<synchronous>, transform_indices = @transform_4, window_bounds = array<i64: 128, 128>}, {transform_indices = @transform_5, window_bounds = array<i64: 1000, 128>}]} {
    %get3A = arith.constant 0 : index
    %get3A_0 = arith.constant 0 : index
    %get3A_1 = vector.load %arg2[%get3A, %get3A_0] : memref<1000x1xf32, #tpu.memory_space<vmem>>, vector<1000x1xf32>
    %get3A_2 = arith.constant 0 : index
    %get3A_3 = arith.constant 0 : index
    %get3A_4 = vector.load %arg3[%get3A_2, %get3A_3] : memref<1000x1xf32, #tpu.memory_space<vmem>>, vector<1000x1xf32>
    %add3A = arith.addf %get3A_1, %get3A_4 : vector<1000x1xf32>
    %add3A_5 = arith.constant 1.000000e+00 : f32
    %add3A_6 = vector.broadcast %add3A_5 : f32 to vector<1000x1xf32>
    %add3A_7 = arith.addf %add3A, %add3A_6 : vector<1000x1xf32>
    %rsqrt3A = math.rsqrt %add3A_7 : vector<1000x1xf32>
    %get3A_8 = arith.constant 0 : index
    %get3A_9 = arith.constant 0 : index
    %get3A_10 = arith.constant 0 : index
    %get3A_11 = vector.load %arg1[%get3A_8, %get3A_9, %get3A_10] : memref<2x1000x128xf32, #tpu.memory_space<vmem>>, vector<1x1000x128xf32>
    %get3A_12 = vector.shape_cast %get3A_11 : vector<1x1000x128xf32> to vector<1000x128xf32>
    %get3A_13 = arith.constant 1 : index
    %get3A_14 = arith.constant 0 : index
    %get3A_15 = arith.constant 0 : index
    %get3A_16 = vector.load %arg1[%get3A_13, %get3A_14, %get3A_15] : memref<2x1000x128xf32, #tpu.memory_space<vmem>>, vector<1x1000x128xf32>
    %get3A_17 = vector.shape_cast %get3A_16 : vector<1x1000x128xf32> to vector<1000x128xf32>
    %add3A_18 = arith.addf %get3A_12, %get3A_17 : vector<1000x128xf32>
    %mul3A = vector.broadcast %rsqrt3A : vector<1000x1xf32> to vector<1000x128xf32>
    %mul3A_19 = arith.mulf %mul3A, %add3A_18 : vector<1000x128xf32>
    %get3A_20 = arith.constant 0 : index
    %get3A_21 = arith.constant 0 : index
    %get3A_22 = vector.load %arg4[%get3A_20, %get3A_21] : memref<1x128xf32, #tpu.memory_space<vmem>>, vector<1x128xf32>
    %add3A_23 = vector.broadcast %get3A_22 : vector<1x128xf32> to vector<1000x128xf32>
    %add3A_24 = arith.addf %mul3A_19, %add3A_23 : vector<1000x128xf32>
    %max3A = arith.constant 0.000000e+00 : f32
    %max3A_25 = vector.broadcast %max3A : f32 to vector<1000x128xf32>
    %max3A_26 = arith.maximumf %add3A_24, %max3A_25 : vector<1000x128xf32>
    %get3A_27 = arith.constant 0 : index
    %get3A_28 = arith.constant 0 : index
    %get3A_29 = vector.load %arg5[%get3A_27, %get3A_28] : memref<128x128xf32, #tpu.memory_space<vmem>>, vector<128x128xf32>
    %dot_general3A = arith.constant dense<0.000000e+00> : vector<1000x128xf32>
    %dot_general3A_30 = tpu.matmul %max3A_26, %get3A_29, %dot_general3A {dimension_numbers = #tpu.dot_dimension_numbers<[1], [0], [0], [1], [0, 0, 1, 1], [], []>, transpose_lhs_hint = false} : vector<1000x128xf32>, vector<128x128xf32>, vector<1000x128xf32> -> vector<1000x128xf32>
    %mul3A_31 = vector.broadcast %rsqrt3A : vector<1000x1xf32> to vector<1000x128xf32>
    %mul3A_32 = arith.mulf %mul3A_31, %dot_general3A_30 : vector<1000x128xf32>
    %swap3A = arith.constant 0 : index
    %swap3A_33 = arith.constant 0 : index
    %swap3A_34 = vector.load %arg6[%swap3A, %swap3A_33] : memref<1000x128xf32, #tpu.memory_space<vmem>>, vector<1000x128xf32>
    tpu.vector_store %arg6[%swap3A, %swap3A_33], %mul3A_32 {strides = array<i32>} : memref<1000x128xf32, #tpu.memory_space<vmem>>, vector<1000x128xf32>,
    return
  }
  func.func @transform_0(%arg0: i32) -> (i32, i32, i32) {
    %c0_i32 = arith.constant 0 : i32
    %c0_i32_0 = arith.constant 0 : i32
    %c0_i32_1 = arith.constant 0 : i32
    return %c0_i32, %arg0, %c0_i32_0 : i32, i32, i32
  }
  func.func @transform_1(%arg0: i32) -> (i32, i32) {
    %c0_i32 = arith.constant 0 : i32
    %c0_i32_0 = arith.constant 0 : i32
    return %arg0, %c0_i32 : i32, i32
  }
  func.func @transform_2(%arg0: i32) -> (i32, i32) {
    %c0_i32 = arith.constant 0 : i32
    %c0_i32_0 = arith.constant 0 : i32
    return %arg0, %c0_i32 : i32, i32
  }
  func.func @transform_3(%arg0: i32) -> (i32, i32) {
    %c0_i32 = arith.constant 0 : i32
    %c0_i32_0 = arith.constant 0 : i32
    %c0_i32_1 = arith.constant 0 : i32
    return %c0_i32, %c0_i32_0 : i32, i32
  }
  func.func @transform_4(%arg0: i32) -> (i32, i32) {
    %c0_i32 = arith.constant 0 : i32
    %c0_i32_0 = arith.constant 0 : i32
    %c0_i32_1 = arith.constant 0 : i32
    return %c0_i32, %c0_i32_0 : i32, i32
  }
  func.func @transform_5(%arg0: i32) -> (i32, i32) {
    %c0_i32 = arith.constant 0 : i32
    %c0_i32_0 = arith.constant 0 : i32
    return %arg0, %c0_i32 : i32, i32
  }
}

module attributes {stable_mosaic.version = 14 : i64} {
  func.func @body(%arg0: i32, %arg1: memref<2x1000x128xf32, #tpu.memory_space<vmem>>, %arg2: memref<1000x1xf32, #tpu.memory_space<vmem>>, %arg3: memref<1000x1xf32, #tpu.memory_space<vmem>>, %arg4: memref<1x128xf32, #tpu.memory_space<vmem>>, %arg5: memref<1x1x1000xi32, #tpu.memory_space<vmem>>, %arg6: memref<128x128xf32, #tpu.memory_space<vmem>>, %arg7: memref<1x128xf32, #tpu.memory_space<vmem>>, %arg8: memref<64x128xf32, #tpu.memory_space<vmem>>, %arg9: memref<64x128xf32, #tpu.memory_space<vmem>>, %arg10: memref<64x128xf32, #tpu.memory_space<vmem>>) attributes {dimension_semantics = [#tpu.dimension_semantics<arbitrary>], iteration_bounds = array<i64: 10>, scalar_prefetch = 0 : i64, scratch_operands = 2 : i64, tpu.core_type = #tpu.core_type<tc>, window_params = [{transform_indices = @transform_0, window_bounds = array<i64: 2, 1000, 128>}, {transform_indices = @transform_1, window_bounds = array<i64: 1000, 1>}, {transform_indices = @transform_2, window_bounds = array<i64: 1000, 1>}, {pipeline_mode = #tpu.pipeline_mode<synchronous>, transform_indices = @transform_3, window_bounds = array<i64: 1, 128>}, {transform_indices = @transform_4, window_bounds = array<i64: 1, 1, 1000>}, {pipeline_mode = #tpu.pipeline_mode<synchronous>, transform_indices = @transform_5, window_bounds = array<i64: 128, 128>}, {pipeline_mode = #tpu.pipeline_mode<synchronous>, transform_indices = @transform_6, window_bounds = array<i64: 1, 128>}, {pipeline_mode = #tpu.pipeline_mode<synchronous>, transform_indices = @transform_7, window_bounds = array<i64: 64, 128>}]} {
    %eq3A = arith.constant 0 : i32
    %eq3A_0 = arith.cmpi eq, %arg0, %eq3A : i32
    %convert_element_type3A = arith.extui %eq3A_0 : i1 to i32
    %cond3A = arith.constant 0 : i32
    %cond3A_1 = arith.cmpi ne, %convert_element_type3A, %cond3A : i32
    scf.if %cond3A_1 {
      %broadcast_in_dim3A_60 = arith.constant 0.000000e+00 : f32
      %broadcast_in_dim3A_61 = vector.broadcast %broadcast_in_dim3A_60 : f32 to vector<64x128xf32>
      %swap3A_62 = arith.constant 0 : index
      %swap3A_63 = arith.constant 0 : index
      %swap3A_64 = vector.load %arg9[%swap3A_62, %swap3A_63] : memref<64x128xf32, #tpu.memory_space<vmem>>, vector<64x128xf32>
      tpu.vector_store %arg9[%swap3A_62, %swap3A_63], %broadcast_in_dim3A_61 {strides = array<i32>} : memref<64x128xf32, #tpu.memory_space<vmem>>, vector<64x128xf32>,
      %broadcast_in_dim3A_65 = arith.constant 0.000000e+00 : f32
      %broadcast_in_dim3A_66 = vector.broadcast %broadcast_in_dim3A_65 : f32 to vector<64x128xf32>
      %swap3A_67 = arith.constant 0 : index
      %swap3A_68 = arith.constant 0 : index
      %swap3A_69 = vector.load %arg10[%swap3A_67, %swap3A_68] : memref<64x128xf32, #tpu.memory_space<vmem>>, vector<64x128xf32>
      tpu.vector_store %arg10[%swap3A_67, %swap3A_68], %broadcast_in_dim3A_66 {strides = array<i32>} : memref<64x128xf32, #tpu.memory_space<vmem>>, vector<64x128xf32>,
    } else {
    }
    %get3A = arith.constant 0 : index
    %get3A_2 = arith.constant 0 : index
    %get3A_3 = vector.load %arg2[%get3A, %get3A_2] : memref<1000x1xf32, #tpu.memory_space<vmem>>, vector<1000x1xf32>
    %get3A_4 = arith.constant 0 : index
    %get3A_5 = arith.constant 0 : index
    %get3A_6 = vector.load %arg3[%get3A_4, %get3A_5] : memref<1000x1xf32, #tpu.memory_space<vmem>>, vector<1000x1xf32>
    %add3A = arith.addf %get3A_3, %get3A_6 : vector<1000x1xf32>
    %add3A_7 = arith.constant 1.000000e+00 : f32
    %add3A_8 = vector.broadcast %add3A_7 : f32 to vector<1000x1xf32>
    %add3A_9 = arith.addf %add3A, %add3A_8 : vector<1000x1xf32>
    %rsqrt3A = math.rsqrt %add3A_9 : vector<1000x1xf32>
    %get3A_10 = arith.constant 0 : index
    %get3A_11 = arith.constant 0 : index
    %get3A_12 = arith.constant 0 : index
    %get3A_13 = vector.load %arg1[%get3A_10, %get3A_11, %get3A_12] : memref<2x1000x128xf32, #tpu.memory_space<vmem>>, vector<1x1000x128xf32>
    %get3A_14 = vector.shape_cast %get3A_13 : vector<1x1000x128xf32> to vector<1000x128xf32>
    %get3A_15 = arith.constant 1 : index
    %get3A_16 = arith.constant 0 : index
    %get3A_17 = arith.constant 0 : index
    %get3A_18 = vector.load %arg1[%get3A_15, %get3A_16, %get3A_17] : memref<2x1000x128xf32, #tpu.memory_space<vmem>>, vector<1x1000x128xf32>
    %get3A_19 = vector.shape_cast %get3A_18 : vector<1x1000x128xf32> to vector<1000x128xf32>
    %add3A_20 = arith.addf %get3A_14, %get3A_19 : vector<1000x128xf32>
    %mul3A = vector.broadcast %rsqrt3A : vector<1000x1xf32> to vector<1000x128xf32>
    %mul3A_21 = arith.mulf %mul3A, %add3A_20 : vector<1000x128xf32>
    %get3A_22 = arith.constant 0 : index
    %get3A_23 = arith.constant 0 : index
    %get3A_24 = vector.load %arg4[%get3A_22, %get3A_23] : memref<1x128xf32, #tpu.memory_space<vmem>>, vector<1x128xf32>
    %add3A_25 = vector.broadcast %get3A_24 : vector<1x128xf32> to vector<1000x128xf32>
    %add3A_26 = arith.addf %mul3A_21, %add3A_25 : vector<1000x128xf32>
    %max3A = arith.constant 0.000000e+00 : f32
    %max3A_27 = vector.broadcast %max3A : f32 to vector<1000x128xf32>
    %max3A_28 = arith.maximumf %add3A_26, %max3A_27 : vector<1000x128xf32>
    %iota3A = tpu.iota {dimensions = array<i32: 0>} : vector<64x1000xi32>
    %get3A_29 = arith.constant 0 : index
    %get3A_30 = arith.constant 0 : index
    %get3A_31 = arith.constant 0 : index
    %get3A_32 = vector.load %arg5[%get3A_29, %get3A_30, %get3A_31] : memref<1x1x1000xi32, #tpu.memory_space<vmem>>, vector<1x1x1000xi32>
    %get3A_33 = vector.shape_cast %get3A_32 : vector<1x1x1000xi32> to vector<1x1000xi32>
    %eq3A_34 = vector.broadcast %get3A_33 : vector<1x1000xi32> to vector<64x1000xi32>
    %eq3A_35 = arith.cmpi eq, %iota3A, %eq3A_34 : vector<64x1000xi32>
    %convert_element_type3A_36 = arith.extui %eq3A_35 : vector<64x1000xi1> to vector<64x1000xi32>
    %convert_element_type3A_37 = arith.sitofp %convert_element_type3A_36 : vector<64x1000xi32> to vector<64x1000xf32>
    %get3A_38 = arith.constant 0 : index
    %get3A_39 = arith.constant 0 : index
    %get3A_40 = vector.load %arg9[%get3A_38, %get3A_39] : memref<64x128xf32, #tpu.memory_space<vmem>>, vector<64x128xf32>
    %dot_general3A = arith.constant dense<0.000000e+00> : vector<64x128xf32>
    %dot_general3A_41 = tpu.matmul %convert_element_type3A_37, %max3A_28, %dot_general3A {dimension_numbers = #tpu.dot_dimension_numbers<[1], [0], [0], [1], [0, 0, 1, 1], [], []>, transpose_lhs_hint = false} : vector<64x1000xf32>, vector<1000x128xf32>, vector<64x128xf32> -> vector<64x128xf32>
    %add3A_42 = arith.addf %get3A_40, %dot_general3A_41 : vector<64x128xf32>
    %swap3A = arith.constant 0 : index
    %swap3A_43 = arith.constant 0 : index
    %swap3A_44 = vector.load %arg9[%swap3A, %swap3A_43] : memref<64x128xf32, #tpu.memory_space<vmem>>, vector<64x128xf32>
    tpu.vector_store %arg9[%swap3A, %swap3A_43], %add3A_42 {strides = array<i32>} : memref<64x128xf32, #tpu.memory_space<vmem>>, vector<64x128xf32>,
    %get3A_45 = arith.constant 0 : index
    %get3A_46 = arith.constant 0 : index
    %get3A_47 = vector.load %arg10[%get3A_45, %get3A_46] : memref<64x128xf32, #tpu.memory_space<vmem>>, vector<64x128xf32>
    %reduce_sum3A = arith.constant dense<0.000000e+00> : vector<64xf32>
    %reduce_sum3A_48 = vector.multi_reduction <add>, %convert_element_type3A_37, %reduce_sum3A [1] : vector<64x1000xf32> to vector<64xf32>
    %broadcast_in_dim3A = vector.shape_cast %reduce_sum3A_48 : vector<64xf32> to vector<64x1xf32>
    %broadcast_in_dim3A_49 = vector.shape_cast %broadcast_in_dim3A : vector<64x1xf32> to vector<64x1xf32>
    %broadcast_in_dim3A_50 = vector.broadcast %broadcast_in_dim3A_49 : vector<64x1xf32> to vector<64x128xf32>
    %add3A_51 = arith.addf %get3A_47, %broadcast_in_dim3A_50 : vector<64x128xf32>
    %swap3A_52 = arith.constant 0 : index
    %swap3A_53 = arith.constant 0 : index
    %swap3A_54 = vector.load %arg10[%swap3A_52, %swap3A_53] : memref<64x128xf32, #tpu.memory_space<vmem>>, vector<64x128xf32>
    tpu.vector_store %arg10[%swap3A_52, %swap3A_53], %add3A_51 {strides = array<i32>} : memref<64x128xf32, #tpu.memory_space<vmem>>, vector<64x128xf32>,
    %eq3A_55 = arith.constant 9 : i32
    %eq3A_56 = arith.cmpi eq, %arg0, %eq3A_55 : i32
    %convert_element_type3A_57 = arith.extui %eq3A_56 : i1 to i32
    %cond3A_58 = arith.constant 0 : i32
    %cond3A_59 = arith.cmpi ne, %convert_element_type3A_57, %cond3A_58 : i32
    scf.if %cond3A_59 {
      %get3A_60 = arith.constant 0 : index
      %get3A_61 = arith.constant 0 : index
      %get3A_62 = vector.load %arg9[%get3A_60, %get3A_61] : memref<64x128xf32, #tpu.memory_space<vmem>>, vector<64x128xf32>
      %get3A_63 = arith.constant 0 : index
      %get3A_64 = arith.constant 0 : index
      %get3A_65 = vector.load %arg10[%get3A_63, %get3A_64] : memref<64x128xf32, #tpu.memory_space<vmem>>, vector<64x128xf32>
      %max3A_66 = arith.constant 1.000000e+00 : f32
      %max3A_67 = vector.broadcast %max3A_66 : f32 to vector<64x128xf32>
      %max3A_68 = arith.maximumf %get3A_65, %max3A_67 : vector<64x128xf32>
      %div3A = arith.divf %get3A_62, %max3A_68 : vector<64x128xf32>
      %get3A_69 = arith.constant 0 : index
      %get3A_70 = arith.constant 0 : index
      %get3A_71 = vector.load %arg6[%get3A_69, %get3A_70] : memref<128x128xf32, #tpu.memory_space<vmem>>, vector<128x128xf32>
      %dot_general3A_72 = arith.constant dense<0.000000e+00> : vector<64x128xf32>
      %dot_general3A_73 = tpu.matmul %div3A, %get3A_71, %dot_general3A_72 {dimension_numbers = #tpu.dot_dimension_numbers<[1], [0], [0], [1], [0, 0, 1, 1], [], []>, transpose_lhs_hint = false} : vector<64x128xf32>, vector<128x128xf32>, vector<64x128xf32> -> vector<64x128xf32>
      %get3A_74 = arith.constant 0 : index
      %get3A_75 = arith.constant 0 : index
      %get3A_76 = vector.load %arg7[%get3A_74, %get3A_75] : memref<1x128xf32, #tpu.memory_space<vmem>>, vector<1x128xf32>
      %add3A_77 = vector.broadcast %get3A_76 : vector<1x128xf32> to vector<64x128xf32>
      %add3A_78 = arith.addf %dot_general3A_73, %add3A_77 : vector<64x128xf32>
      %swap3A_79 = arith.constant 0 : index
      %swap3A_80 = arith.constant 0 : index
      %swap3A_81 = vector.load %arg8[%swap3A_79, %swap3A_80] : memref<64x128xf32, #tpu.memory_space<vmem>>, vector<64x128xf32>
      tpu.vector_store %arg8[%swap3A_79, %swap3A_80], %add3A_78 {strides = array<i32>} : memref<64x128xf32, #tpu.memory_space<vmem>>, vector<64x128xf32>,
    } else {
    }
    return
  }
  func.func @transform_0(%arg0: i32) -> (i32, i32, i32) {
    %c0_i32 = arith.constant 0 : i32
    %c0_i32_0 = arith.constant 0 : i32
    %c0_i32_1 = arith.constant 0 : i32
    return %c0_i32, %arg0, %c0_i32_0 : i32, i32, i32
  }
  func.func @transform_1(%arg0: i32) -> (i32, i32) {
    %c0_i32 = arith.constant 0 : i32
    %c0_i32_0 = arith.constant 0 : i32
    return %arg0, %c0_i32 : i32, i32
  }
  func.func @transform_2(%arg0: i32) -> (i32, i32) {
    %c0_i32 = arith.constant 0 : i32
    %c0_i32_0 = arith.constant 0 : i32
    return %arg0, %c0_i32 : i32, i32
  }
  func.func @transform_3(%arg0: i32) -> (i32, i32) {
    %c0_i32 = arith.constant 0 : i32
    %c0_i32_0 = arith.constant 0 : i32
    %c0_i32_1 = arith.constant 0 : i32
    return %c0_i32, %c0_i32_0 : i32, i32
  }
  func.func @transform_4(%arg0: i32) -> (i32, i32, i32) {
    %c0_i32 = arith.constant 0 : i32
    %c0_i32_0 = arith.constant 0 : i32
    %c0_i32_1 = arith.constant 0 : i32
    return %arg0, %c0_i32, %c0_i32_0 : i32, i32, i32
  }
  func.func @transform_5(%arg0: i32) -> (i32, i32) {
    %c0_i32 = arith.constant 0 : i32
    %c0_i32_0 = arith.constant 0 : i32
    %c0_i32_1 = arith.constant 0 : i32
    return %c0_i32, %c0_i32_0 : i32, i32
  }
  func.func @transform_6(%arg0: i32) -> (i32, i32) {
    %c0_i32 = arith.constant 0 : i32
    %c0_i32_0 = arith.constant 0 : i32
    %c0_i32_1 = arith.constant 0 : i32
    return %c0_i32, %c0_i32_0 : i32, i32
  }
  func.func @transform_7(%arg0: i32) -> (i32, i32) {
    %c0_i32 = arith.constant 0 : i32
    %c0_i32_0 = arith.constant 0 : i32
    %c0_i32_1 = arith.constant 0 : i32
    return %c0_i32, %c0_i32_0 : i32, i32
  }
}

</mosaic_0001>

<sc_bundles>
// kernel: kernel.10.cloned.1.call-start
scs
__scs_entry_jumppad:
0x0: {  	(pc) =	sbr.rel $0x88, $3  }
0x1: {  	(tag) =	ssettag $0x0;
	lr =	simm.s32 $0x1  }
0x2: {  	[smem:$0x3F94] =	sst lr;
	_ =	strace $0xD0000000  }
0x3: {  	_ = 	snop  }
0x4: {  	_ = 	snop  }
0x5: {  	_ = 	snop  }
0x6: {  	_ = 	snop  }
0x7: {  	_ = 	snop  }
__scs_overlays_trampoline_lowered:
0x8: {  	[smem:$0x3FA3] =	sst s0  }
0x9: {  	[smem:$0x3FA4] =	sst s1  }
0xa: {  	[smem:$0x3FA5] =	sst s2  }
0xb: {  	[smem:$0x3FA6] =	sst s3  }
0xc: {  	[smem:$0x3FA7] =	sst s4  }
0xd: {  	[smem:$0x3FA8] =	sst s5  }
0xe: {  	[smem:$0x3FA9] =	sst s6  }
0xf: {  	[smem:$0x3FAA] =	sst s7  }
0x10: {  	[smem:$0x3FAB] =	sst s8  }
0x11: {  	[smem:$0x3FAC] =	sst s9;
	s0 =	simm.s32 @!p0 $0x0  }
0x12: {  	s1 =	sld [smem:$0x3F92];
	s0 =	simm.s32 @p0 $0x1  }
0x13: {  	[smem:$0x3FAD] =	sst s0;
	s0 =	simm.s32 @!p1 $0x0  }
0x14: {  	s2 =	sld [smem:$0x3F91];
	s0 =	simm.s32 @p1 $0x1  }
0x15: {  	[smem:$0x3FAE] =	sst s0;
	s0 =	simm.s32 @!p2 $0x0  }
0x16: {  	s3 =	sld [smem:$0x3FDB];
	s0 =	simm.s32 @p2 $0x1  }
0x17: {  	s4 =	simm.s32 $0x1BF5;
	[smem:$0x3FB0] =	sst s0  }
0x18: {  	s0 =	sld [smem:$0x3F93];
	_ =	swait.ge [sflag:s4], $0x0  }
0x19: {  	s7 =	sld [smem:$0x3F94]  }
0x1a: {  	s8 =	sadd.s32 $0xFFFFE003, lr  }
0x1b: {  	s9 =	sadd.s32 $0xFFFFFEF7, lr;
	s5 =	simm.s32 $0xFFFFFFFF;
	p2 =	slt.u32 s8, $0xFFFFF086  }
0x1c: {  	p1 =	slt.u32 s9, $0xF7A;
	s5 =	simm.s32 @!p2 $0x0  }
0x1d: {  	s5 =	simm.s32 @p1 $0x1;
	p0 =	seq.s32 s7, s2  }
0x1e: {  	s7 =	smul.u32 @!p0 $0xF7A, s2;
	p2 =	seq.s32 @!p0 s5, $0x0  }
0x1f: {  	s9 =	smul.u32 $0xF7A, s1;
	s8 =	simm.s32 @!p0 $0x1BF5;
	p2 =	por !p2, p0  }
0x20: {  	[sflag:s8] =	ssyncset.s32 @!p0 $0xFFFFF086;
	s6 =	sadd.s32 @!p0 s3, s7;
	s7 =	simm.s32 @!p0 $0x108  }
0x21: {  	s3 =	sadd.s32 s3, s9;
	s6 =	sadd.s32 @!p0 $0x88, s6;
	s7 =	simm.s32 @p2 $0x1082  }
0x22: {  	[simem:s7], [sflag:s8] =	dma.local @!p0 [hbm:s6], $0xF7A  }
0x23: {  	s9 =	sor.u32 $0xD0000000, s2;
	s6 =	simm.s32 $0x108;
	_ =	swait.ge @!p0 [sflag:s8], $0x0  }
0x24: {  	s3 =	sadd.s32 $0x88, s3;
	s6 =	simm.s32 @!p1 $0x1082;
	[sflag:s4] =	ssyncset.s32 $0xFFFFF086  }
0x25: {  	[simem:s6], [sflag:s4] =	dma.local [hbm:s3], $0xF7A  }
0x26: {  	[smem:$0x3F94] =	sst s1;
	(tag) =	ssettag s2;
	_ =	strace s9  }
0x27: {  	s1 =	sld [smem:$0x3FA4]  }
0x28: {  	s2 =	sld [smem:$0x3FA5]  }
0x29: {  	s4 =	sld [smem:$0x3FA7]  }
0x2a: {  	p0 =	seq.s32 s5, $0x0;
	s5 =	sld [smem:$0x3FA8]  }
0x2b: {  	s6 =	sld [smem:$0x3FA9]  }
0x2c: {  	s7 =	sld [smem:$0x3FAA]  }
0x2d: {  	s3 =	simm.s32 $0x108;
	s8 =	sld [smem:$0x3FAB]  }
0x2e: {  	s3 =	simm.s32 @!p0 $0x1082;
	s9 =	sld [smem:$0x3FAC]  }
0x2f: {  	lr =	sadd.s32 s0, s3;
	s0 =	sld [smem:$0x3FA3]  }
0x30: {  	s3 =	sld [smem:$0x3FA6]  }
0x31: {  	[smem:$0x3FAF] =	sst s10  }
0x32: {  	s10 =	sld [smem:$0x3FAD];
	_ =	sdelay $0x3  }
0x33: {  	p0 =	seq.s32 s10, $0x1;
	s10 =	sld [smem:$0x3FAF];
	_ =	sdelay $0x3  }
0x34: {  	[smem:$0x3FAF] =	sst s10  }
0x35: {  	s10 =	sld [smem:$0x3FAE];
	_ =	sdelay $0x3  }
0x36: {  	p1 =	seq.s32 s10, $0x1;
	s10 =	sld [smem:$0x3FAF];
	_ =	sdelay $0x3  }
0x37: {  	[smem:$0x3FAF] =	sst s10  }
0x38: {  	s10 =	sld [smem:$0x3FB0]  }
0x39: {  	_ = 	snop;
	(pc) =	sbr.ind lr, $3  }
0x3a: {  	_ = 	snop  }
0x3b: {  	_ = 	snop  }
0x3c: {  	p2 =	seq.s32 s10, $0x1;
	s10 =	sld [smem:$0x3FAF]  }
0x3d: {  	_ =	shalt  }
0x3e: {  	_ =	shalt  }
0x3f: {  	_ =	shalt  }
0x40: {  	_ =	shalt  }
0x41: {  	_ =	shalt  }
0x42: {  	_ =	shalt  }
0x43: {  	_ =	shalt  }
0x44: {  	_ =	shalt  }
0x45: {  	_ =	shalt  }
0x46: {  	_ =	shalt  }
0x47: {  	_ =	shalt  }
0x48: {  	_ =	shalt  }
0x49: {  	_ =	shalt  }
0x4a: {  	_ =	shalt  }
0x4b: {  	_ =	shalt  }
0x4c: {  	_ =	shalt  }
0x4d: {  	_ =	shalt  }
0x4e: {  	_ =	shalt  }
0x4f: {  	_ =	shalt  }
0x50: {  	_ =	shalt  }
0x51: {  	_ =	shalt  }
0x52: {  	_ =	shalt  }
0x53: {  	_ =	shalt  }
0x54: {  	_ =	shalt  }
0x55: {  	_ =	shalt  }
0x56: {  	_ =	shalt  }
0x57: {  	_ =	shalt  }
0x58: {  	_ =	shalt  }
0x59: {  	_ =	shalt  }
0x5a: {  	_ =	shalt  }
0x5b: {  	_ =	shalt  }
0x5c: {  	_ =	shalt  }
0x5d: {  	_ =	shalt  }
0x5e: {  	_ =	shalt  }
0x5f: {  	_ =	shalt  }
0x60: {  	_ =	shalt  }
0x61: {  	_ =	shalt  }
0x62: {  	_ =	shalt  }
0x63: {  	_ =	shalt  }
0x64: {  	_ =	shalt  }
0x65: {  	_ =	shalt  }
0x66: {  	_ =	shalt  }
0x67: {  	_ =	shalt  }
0x68: {  	_ =	shalt  }
0x69: {  	_ =	shalt  }
0x6a: {  	_ =	shalt  }
0x6b: {  	_ =	shalt  }
0x6c: {  	_ =	shalt  }
0x6d: {  	_ =	shalt  }
0x6e: {  	_ =	shalt  }
0x6f: {  	_ =	shalt  }
0x70: {  	_ =	shalt  }
0x71: {  	_ =	shalt  }
0x72: {  	_ =	shalt  }
0x73: {  	_ =	shalt  }
0x74: {  	_ =	shalt  }
0x75: {  	_ =	shalt  }
0x76: {  	_ =	shalt  }
0x77: {  	_ =	shalt  }
0x78: {  	_ =	shalt  }
0x79: {  	_ =	shalt  }
0x7a: {  	_ =	shalt  }
0x7b: {  	_ =	shalt  }
0x7c: {  	_ =	shalt  }
0x7d: {  	_ =	shalt  }
0x7e: {  	_ =	shalt  }
0x7f: {  	_ =	shalt  }
0x80: {  	_ =	shalt  }
0x81: {  	_ =	shalt  }
0x82: {  	_ =	shalt  }
0x83: {  	_ =	shalt  }
0x84: {  	_ =	shalt  }
0x85: {  	_ =	shalt  }
0x86: {  	_ =	shalt  }
0x87: {  	_ =	shalt  }
.Lfunc_end0:
.L_simem_size_0:
called_computation_lowered:
.L_overlay_start_0:
0x88: {  	s2 =	sld [smem:$0x3FD9]  }
0x89: {  	s3 =	sld [smem:$0x3FFE];
	_ =	sdelay $0x1  }
0x8a: {  	s1 =	srdreg.scid  }
0x8b: {  	s0 =	sand.u32 $0x1, s1  }
0x8c: {  	s17 =	sshll.u32 s0, $0xA;
	s2 =	sadd.s32 s3, s2  }
0x8d: {  	s2 =	sadd.s32 s2, s17  }
0x8e: {  	[smem:$0x3FBB] =	sst s2  }
0x8f: {  	_ = 	snop  }
0x90: {  	s2 =	sld [smem:$0x3FD0];
	(tm) =	ssettm $0x1  }
0x91: {  	s18 =	sld [smem:$0x3FFB];
	_ =	sdelay $0x3  }
0x92: {  	_ =	strace s18  }
0x93: {  	s3 =	sld [smem:$0x3FFC];
	_ =	sdelay $0x3  }
0x94: {  	_ =	strace s3  }
0x95: {  	s3 =	sld [smem:$0x3FFD];
	_ =	sdelay $0x3  }
0x96: {  	_ =	strace s3  }
0x97: {  	_ =	strace $0x8FFFFFFF  }
0x98: {  	s19 =	sld [smem:$0x3FDB];
	_ =	sdelay $0x1  }
0x99: {  	s4 =	simm.s32 $_scs_section_size  }
0x9a: {  	s5 =	simm.s32 $_size__tile_overlayer_lowered;
	s6 =	simm.s32 $_tile_overlayer_lowered  }
0x9b: {  	s22 =	simm.s32 $0x1BFF;
	s21 =	sshll.u32 s6, $0x1;
	s3 =	sadd.s32 s4, s19  }
0x9c: {  	s7 =	simm.s32 $0x0;
	s20 =	sshll.u32 s5, $0x1;
	s5 =	sadd.s32 s21, s3  }
0x9d: {  	[timem:s7], [sflag:s22] =	dma.local [hbm:s5], s20  }
0x9e: {  	_ =	swait.ge [sflag:s22], s20  }
0x9f: {  	s4 =	ssub.s32 $0x0, s20;
	[sflag:s22] =	ssyncset.done $0x0  }
0xa0: {  	[sflag:s22] =	ssyncadd.s32 s4;
	_ =	sdelay $0x1  }
0xa1: {  	s23 =	simm.s32 $0x1B8B  }
0xa2: {  	_ =	swait.ge [sflag:s23], $0x1  }
0xa3: {  	[sflag:s23] =	ssyncset.done $0x0  }
0xa4: {  	s25 =	simm.s32 $0x1B8E;
	s24 =	sld [smem:$0x3FFE];
	[sflag:s23] =	ssyncadd.s32 $0xFFFFFFFF  }
0xa5: {  	s26 =	simm.s32 $execute0_lowered;
	[smem:$0x3FD2] =	sst s25  }
0xa6: {  	s5 =	sshll.u32 s26, $0x1;
	_ =	strace $0x80000046;
	[dreg:$0x1] =	wrdreg $0xFFFFFFFF  }
0xa7: {  	s28 =	simm.s32 $_size_execute0_lowered;
	s3 =	sadd.s32 s3, s5;
	[dreg:$0x0] =	wrdreg $0x0  }
0xa8: {  	s5 =	sshll.u32 s28, $0x1;
	[dreg:$0x2] =	wrdreg s3  }
0xa9: {  	[dreg:$0x3] =	wrdreg s5  }
0xaa: {  	[dreg:$0x4] =	wrdreg $0xC0  }
0xab: {  	_ =	task [dreg:s7], $0x5FFFF  }
0xac: {  	[dreg:$0x1] =	wrdreg $0xFFFFFFFF  }
0xad: {  	[dreg:$0x0] =	wrdreg $0x60  }
0xae: {  	[dreg:$0x2] =	wrdreg s24  }
0xaf: {  	[dreg:$0x3] =	wrdreg s2  }
0xb0: {  	[dreg:$0x4] =	wrdreg $0x78000  }
0xb1: {  	[dreg:$0x5] =	wrdreg $0x9  }
0xb2: {  	_ =	task.clear_ibuf [dreg:s7], $0x6FFFF;
	_ =	strace $0x90000046  }
0xb3: {  	s29 =	simm.s32 $0x9;
	_ =	strace $0x80000048  }
0xb4: {  	_ =	swait.ge [sflag:s29], $0x1  }
0xb5: {  	[sflag:s29] =	ssyncadd.s32 $0xFFFFFFFF  }
0xb6: {  	_ =	strace $0x90000048  }
0xb7: {  	_ =	sfence  }
0xb8: {  	s30 =	sld [smem:$0x0];
	_ =	sdelay $0x2  }
0xb9: {  	s31 =	sshll.u32 s1, $0xD;
	s1 =	sshrl.u32 s1, $0x2  }
0xba: {  	s3 =	sand.u32 $0x4000, s31;
	s1 =	sadd.s32 s1, s30  }
0xbb: {  	s0 =	sor.u32 s3, s0;
	s1 =	sshll.u32 s1, $0x11  }
0xbc: {  	s0 =	sor.u32 s1, s0  }
0xbd: {  	s0 =	sadd.s32 $0x8F2B, s0  }
0xbe: {  	[sflag:s0] =	ssyncadd.remote.s32 $0x1  }
0xbf: {  	_ =	sfence.sel $0xFFFF  }
0xc0: {  	[dreg:$0x0] =	wrdreg $0xFFFFFFFF;
	(pc) =	sbr.abs _section_cstart, $3  }
0xc1: {  	[dreg:$0x1] =	wrdreg $0xFFFFFFFF  }
0xc2: {  	_ =	task.clear_ibuf [dreg:s7], $0x2FFFF;
	_ =	strace $0x9FFFFFFF  }
0xc3: {  	(tm) =	ssettm $0x7FFFFFFF  }
tec
execute0_lowered:
.L_overlay_start_1:
0x0: {  	(tag) =	ssettag $0x1  }
0x1: {  	s5 =	rddreg [dreg:$0x0]  }
0x2: {  	s1 =	rddreg [dreg:$0x1]  }
0x3: {  	s2 =	rddreg [dreg:$0x2]  }
0x4: {  	s0 =	rddreg [dreg:$0x3];
	s3 =	simm.s32 $0x0  }
0x5: {  	s4 =	srdreg.scid;
	s8 =	stileid.u32;
	s11 =	simm.s32 $0x7780  }
0x6: {  	s13 =	simm.s32 $0x2780;
	s14 =	simm.s32 $0x50;
	s15 =	simm.s32 $0x4F80  }
0x7: {  	s16 =	simm.s32 $0x0;
	s4 =	sand.u32 $0x1, s4;
	s6 =	sshrl.u32 s8, $0x2  }
0x8: {  	s7 =	sshll.u32 s8, $0x8;
	[smem:$0x7FF] =	sst s3;
	p0 =	sne.s32 s8, $0x0  }
0x9: {  	s6 =	smul.u32 $0x13C00, s6;
	s9 =	sshll.u32 s4, $0x7;
	s7 =	sand.u32 $0x300, s7  }
0xa: {  	s8 =	simm.s32 $0x80;
	_ =	strace $0x80000047;
	s7 =	sor.u32 s9, s7  }
0xb: {  	s30 =	smul.u32 $0x500, s4;
	s31 =	ssub.s32 $0x2, s4;
	s6 =	sor.u32 s6, s7  }
0xc: {  	s4 =	sadd.s32 $0xCE00, s5;
	s12 =	sshrl.u32 @!p0 s2, $0x3;
	s6 =	sshrl.u32 s6, $0x3  }
0xd: {  	s10 =	sshrl.u32 s31, $0x1;
	s7 =	sadd.s32 s30, s5;
	s6 =	sadd.s32 s6, s5  }
0xe: {  	s9 =	ssub.s32 s31, s10;
	s10 =	simm.s32 $0x1;
	s5 =	sadd.s32 $0x3000, s6  }
0xf: {  	v0 =	vimm.f32 $0.0e+00;
	v1 =	vimm.f32 $1.000000000e+00;
	s6 =	sadd.s32 $0xD400, s7;
	s7 =	smax.u32 s9, $0x1;
	s9 =	simm.s32 $0x400  }
.LBB2_1:
0x10: {  	[tilespmem:s3], [sflag:$0x1] =	stream.strided.gather [hbm4b:s5+s8], $0x2780, s9, s8, $0x38;
	[tilespmem:$0x7A80] =	vst v63  }
0x11: {  	_ =	swait.ge [sflag:s10], $0x2780  }
0x12: {  	[sflag:s10] =	ssyncset.done $0x0  }
0x13: {  	[sflag:s10] =	ssyncadd.s32 $0xFFFFD880  }
0x14: {  	[tilespmem:s11], [sflag:$0x1] =	stream.linear.gather [hbm4b:s1+s3], $0x80, $0x38;
	[tilespmem:$0x7A80] =	vst v63  }
0x15: {  	_ =	swait.ge [sflag:s10], $0x80  }
0x16: {  	[sflag:s10] =	ssyncset.done $0x0  }
0x17: {  	s17 =	simm.s32 @!p0 $0x1C01;
	[sflag:s10] =	ssyncadd.s32 $0xFFFFFF80  }
0x18: {  	[spmem:s12], [sflag:s17] =	dma.local @!p0 [hbm:s4], $0x500  }
0x19: {  	s17 =	simm.s32 @!p0 $0x1  }
0x1a: {  	_ =	swait.ge @!p0 [sflag:s17], $0x500  }
0x1b: {  	[sflag:s17] =	ssyncset.done @!p0 $0x0  }
0x1c: {  	s18 =	simm.s32 $0x0;
	[sflag:s17] =	ssyncadd.s32 @!p0 $0xFFFFFB00;
	s17 =	simm.s32 $0x40  }
.LBB2_2:
0x1d: {  	p1 =	sne.s32 s17, $0x9FC0;
	[tilespmem:s18+$0x2780] =	vst v0;
	s18 =	smov.u32 s17;
	s17 =	sadd.s32 $0x40, s17  }
.Ltmp0:
0x1e: {  	(pc) =	sbr.rel @p1 .LBB2_2-.Ltmp0, $2  }
0x1f: {  	_ =	sdelay $0x2  }
0x20: {  	s18 =	sshra.s32 s18, $0x2  }
0x21: {  	[tilespmem:s18+$0x2780] =	vst v0;
	s18 =	simm.s32 $0x0;
	s17 =	simm.s32 $0x40  }
.LBB2_4:
0x22: {  	p1 =	sne.s32 s17, $0x9C00;
	v2 =	vld [tilespmem:s18+$0x0];
	_ =	sdelay $0x3  }
.Ltmp1:
0x23: {  	(pc) =	sbr.rel @p1 .LBB2_4-.Ltmp1, $2  }
0x24: {  	_ =	sdelay $0x2  }
0x25: {  	s18 =	sshra.s32 s17, $0x2;
	s17 =	sadd.s32 $0x40, s17;
	[tilespmem:v2+s13+$0x0] =	vst.idx.add.f32.msk $0xffff, v1  }
0x26: {  	v2 =	vld [tilespmem:s18+$0x0];
	_ =	sdelay $0x7  }
0x27: {  	s17 =	simm.s32 $0x0;
	[tilespmem:v2+s13+$0x0] =	vst.idx.add.f32.msk $0xffff, v1  }
0x28: {  	v5 =	vld [tilespmem:s17+$0x27F0]  }
0x29: {  	v6 =	vld [tilespmem:s17+$0x2780]  }
0x2a: {  	v7 =	vld [tilespmem:s17+$0x2790]  }
0x2b: {  	v4 =	vld [tilespmem:s17+$0x27A0]  }
0x2c: {  	v2 =	vld [tilespmem:s17+$0x27B0]  }
0x2d: {  	v3 =	vld [tilespmem:s17+$0x27C0];
	[tilespmem:s17+$0x4FF0] =	vst v5  }
0x2e: {  	[tilespmem:s17+$0x4F80] =	vst v6;
	v5 =	vld [tilespmem:s17+$0x27D0]  }
0x2f: {  	s18 =	simm.s32 $0x80;
	s19 =	simm.s32 $0x400;
	[tilespmem:s17+$0x4F90] =	vst v7;
	v6 =	vld [tilespmem:s17+$0x27E0]  }
.LBB2_6:
0x30: {  	p1 =	sne.s32 s19, $0x9E00;
	v7 =	vld [tilespmem:s18+$0x27F0];
	[tilespmem:s17+$0x4FA0] =	vst v4  }
0x31: {  	v8 =	vld [tilespmem:s18+$0x2780];
	[tilespmem:s17+$0x4FB0] =	vst v2  }
0x32: {  	v9 =	vld [tilespmem:s18+$0x2790];
	[tilespmem:s17+$0x4FC0] =	vst v3  }
.Ltmp2:
0x33: {  	v4 =	vld [tilespmem:s18+$0x27A0];
	[tilespmem:s17+$0x4FD0] =	vst v5;
	(pc) =	sbr.rel @p1 .LBB2_6-.Ltmp2, $4  }
0x34: {  	v2 =	vld [tilespmem:s18+$0x27B0];
	[tilespmem:s17+$0x4FE0] =	vst v6;
	s17 =	smov.u32 s18  }
0x35: {  	v3 =	vld [tilespmem:s17+$0x27C0];
	[tilespmem:s17+$0x4FF0] =	vst v7  }
0x36: {  	[tilespmem:s17+$0x4F80] =	vst v8;
	v5 =	vld [tilespmem:s17+$0x27D0]  }
0x37: {  	s18 =	sshra.s32 s19, $0x2;
	s19 =	sadd.s32 $0x200, s19;
	[tilespmem:s17+$0x4F90] =	vst v9;
	v6 =	vld [tilespmem:s17+$0x27E0]  }
0x38: {  	v7 =	vld [tilespmem:s18+$0x27F0];
	[tilespmem:s17+$0x4FA0] =	vst v4  }
0x39: {  	v4 =	vld [tilespmem:s18+$0x2780];
	[tilespmem:s17+$0x4FB0] =	vst v2  }
0x3a: {  	v2 =	vld [tilespmem:s18+$0x2790];
	[tilespmem:s17+$0x4FC0] =	vst v3  }
0x3b: {  	v3 =	vld [tilespmem:s18+$0x27A0];
	[tilespmem:s17+$0x4FD0] =	vst v5  }
0x3c: {  	v5 =	vld [tilespmem:s18+$0x27B0];
	[tilespmem:s17+$0x4FE0] =	vst v6  }
0x3d: {  	v6 =	vld [tilespmem:s18+$0x27C0];
	[tilespmem:s18+$0x4FF0] =	vst v7  }
0x3e: {  	v63 =	vld [tilespmem:s18+$0x27D0];
	[tilespmem:s18+$0x4F80] =	vst v4  }
0x3f: {  	[tilespmem:s18+$0x4F90] =	vst v2;
	v2 =	vld [tilespmem:s18+$0x27E0]  }
0x40: {  	[tilespmem:s18+$0x4FA0] =	vst v3  }
0x41: {  	[tilespmem:s18+$0x4FB0] =	vst v5  }
0x42: {  	[tilespmem:s18+$0x4FC0] =	vst v6  }
0x43: {  	[tilespmem:s18+$0x4FD0] =	vst v63  }
0x44: {  	[tilespmem:s18+$0x4FE0] =	vst v2  }
0x45: {  	[bflag:$0x0] =	sbarrier.arrive $0xFFFF  }
0x46: {  	[spmem:s2] =	stream.indirect.scatter.add.f32 [tilespmem:s15], [sflag:$0x1], $0x80, s11, s14, $0xb8;
	[tilespmem:$0x7A80] =	vst v63  }
0x47: {  	_ =	swait.ge [sflag:s10], $0x2800  }
0x48: {  	[sflag:s10] =	ssyncset.done $0x0  }
0x49: {  	s16 =	sadd.s32 $0x1, s16;
	[sflag:s10] =	ssyncadd.s32 $0xFFFFD800  }
0x4a: {  	p1 =	sne.s32 s16, s7;
	s17 =	simm.s32 @!p0 $0x1C01;
	[bflag:$0x0] =	sbarrier.arrive $0xFFFF  }
0x4b: {  	[hbm:s6], [sflag:s17] =	dma.local @!p0 [spmem:s12], $0x500  }
.Ltmp3:
0x4c: {  	_ = 	snop;
	(pc) =	sbr.rel @p1 .LBB2_1-.Ltmp3, $4  }
0x4d: {  	s17 =	simm.s32 @!p0 $0x1  }
0x4e: {  	_ =	swait.ge @!p0 [sflag:s17], $0x500  }
0x4f: {  	[sflag:s17] =	ssyncset.done @!p0 $0x0  }
0x50: {  	[sflag:s17] =	ssyncadd.s32 @!p0 $0xFFFFFB00  }
0x51: {  	_ =	sfence.sel $0x180000  }
0x52: {  	[bflag:$0x0] =	sbarrier.arrive $0xFFFF  }
0x53: {  	_ =	strace $0x90000047  }
0x54: {  	s0 =	sadd.s32 @!p0 $0x100000, s0;
	[bflag:$0x2] =	sbarrier.arrive $0xFFFF  }
0x55: {  	[sflag:s0] =	ssyncadd.tile.s32 @!p0 $0x1;
	_ =	shalt  }
.Lfunc_end2:
_tile_overlayer_lowered:
.L_overlay_start_2:
0x56: {  	(tag) =	ssettag $0x2  }
0x57: {  	s0 =	rddreg [dreg:$0x0];
	s2 =	stileid.u32  }
0x58: {  	s1 =	rddreg [dreg:$0x1];
	p0 =	sne.s32 s2, $0x0  }
0x59: {  	s3 =	rddreg [dreg:$0x2];
	[bflag:$0x3] =	sbarrier.arrive $0xFFFF;
	s2 =	simm.s32 @!p0 $0x1C01  }
0x5a: {  	[timem:s3], [sflag:s2] =	dma.local @!p0 [hbm:s0], s1  }
0x5b: {  	s0 =	simm.s32 @!p0 $0x1  }
0x5c: {  	_ =	swait.ge @!p0 [sflag:s0], s1  }
0x5d: {  	s1 =	ssub.s32 @!p0 $0x0, s1;
	[sflag:s0] =	ssyncset.done @!p0 $0x0  }
0x5e: {  	[sflag:s0] =	ssyncadd.s32 @!p0 s1  }
0x5f: {  	[bflag:$0x3] =	sbarrier.arrive $0xFFFF  }
0x60: {  	_ =	shalt  }

// kernel: kernel.13.cloned.1.call-start
scs
__scs_entry_jumppad:
0x0: {  	(pc) =	sbr.rel $0x88, $3  }
0x1: {  	(tag) =	ssettag $0x0;
	lr =	simm.s32 $0x1  }
0x2: {  	[smem:$0x3F94] =	sst lr;
	_ =	strace $0xD0000000  }
0x3: {  	_ = 	snop  }
0x4: {  	_ = 	snop  }
0x5: {  	_ = 	snop  }
0x6: {  	_ = 	snop  }
0x7: {  	_ = 	snop  }
__scs_overlays_trampoline_lowered:
0x8: {  	[smem:$0x3FA3] =	sst s0  }
0x9: {  	[smem:$0x3FA4] =	sst s1  }
0xa: {  	[smem:$0x3FA5] =	sst s2  }
0xb: {  	[smem:$0x3FA6] =	sst s3  }
0xc: {  	[smem:$0x3FA7] =	sst s4  }
0xd: {  	[smem:$0x3FA8] =	sst s5  }
0xe: {  	[smem:$0x3FA9] =	sst s6  }
0xf: {  	[smem:$0x3FAA] =	sst s7  }
0x10: {  	[smem:$0x3FAB] =	sst s8  }
0x11: {  	[smem:$0x3FAC] =	sst s9;
	s0 =	simm.s32 @!p0 $0x0  }
0x12: {  	s1 =	sld [smem:$0x3F92];
	s0 =	simm.s32 @p0 $0x1  }
0x13: {  	[smem:$0x3FAD] =	sst s0;
	s0 =	simm.s32 @!p1 $0x0  }
0x14: {  	s2 =	sld [smem:$0x3F91];
	s0 =	simm.s32 @p1 $0x1  }
0x15: {  	[smem:$0x3FAE] =	sst s0;
	s0 =	simm.s32 @!p2 $0x0  }
0x16: {  	s3 =	sld [smem:$0x3FDB];
	s0 =	simm.s32 @p2 $0x1  }
0x17: {  	s4 =	simm.s32 $0x1BF5;
	[smem:$0x3FB0] =	sst s0  }
0x18: {  	s0 =	sld [smem:$0x3F93];
	_ =	swait.ge [sflag:s4], $0x0  }
0x19: {  	s7 =	sld [smem:$0x3F94]  }
0x1a: {  	s8 =	sadd.s32 $0xFFFFE003, lr  }
0x1b: {  	s9 =	sadd.s32 $0xFFFFFEF7, lr;
	s5 =	simm.s32 $0xFFFFFFFF;
	p2 =	slt.u32 s8, $0xFFFFF086  }
0x1c: {  	p1 =	slt.u32 s9, $0xF7A;
	s5 =	simm.s32 @!p2 $0x0  }
0x1d: {  	s5 =	simm.s32 @p1 $0x1;
	p0 =	seq.s32 s7, s2  }
0x1e: {  	s7 =	smul.u32 @!p0 $0xF7A, s2;
	p2 =	seq.s32 @!p0 s5, $0x0  }
0x1f: {  	s9 =	smul.u32 $0xF7A, s1;
	s8 =	simm.s32 @!p0 $0x1BF5;
	p2 =	por !p2, p0  }
0x20: {  	[sflag:s8] =	ssyncset.s32 @!p0 $0xFFFFF086;
	s6 =	sadd.s32 @!p0 s3, s7;
	s7 =	simm.s32 @!p0 $0x108  }
0x21: {  	s3 =	sadd.s32 s3, s9;
	s6 =	sadd.s32 @!p0 $0x88, s6;
	s7 =	simm.s32 @p2 $0x1082  }
0x22: {  	[simem:s7], [sflag:s8] =	dma.local @!p0 [hbm:s6], $0xF7A  }
0x23: {  	s9 =	sor.u32 $0xD0000000, s2;
	s6 =	simm.s32 $0x108;
	_ =	swait.ge @!p0 [sflag:s8], $0x0  }
0x24: {  	s3 =	sadd.s32 $0x88, s3;
	s6 =	simm.s32 @!p1 $0x1082;
	[sflag:s4] =	ssyncset.s32 $0xFFFFF086  }
0x25: {  	[simem:s6], [sflag:s4] =	dma.local [hbm:s3], $0xF7A  }
0x26: {  	[smem:$0x3F94] =	sst s1;
	(tag) =	ssettag s2;
	_ =	strace s9  }
0x27: {  	s1 =	sld [smem:$0x3FA4]  }
0x28: {  	s2 =	sld [smem:$0x3FA5]  }
0x29: {  	s4 =	sld [smem:$0x3FA7]  }
0x2a: {  	p0 =	seq.s32 s5, $0x0;
	s5 =	sld [smem:$0x3FA8]  }
0x2b: {  	s6 =	sld [smem:$0x3FA9]  }
0x2c: {  	s7 =	sld [smem:$0x3FAA]  }
0x2d: {  	s3 =	simm.s32 $0x108;
	s8 =	sld [smem:$0x3FAB]  }
0x2e: {  	s3 =	simm.s32 @!p0 $0x1082;
	s9 =	sld [smem:$0x3FAC]  }
0x2f: {  	lr =	sadd.s32 s0, s3;
	s0 =	sld [smem:$0x3FA3]  }
0x30: {  	s3 =	sld [smem:$0x3FA6]  }
0x31: {  	[smem:$0x3FAF] =	sst s10  }
0x32: {  	s10 =	sld [smem:$0x3FAD];
	_ =	sdelay $0x3  }
0x33: {  	p0 =	seq.s32 s10, $0x1;
	s10 =	sld [smem:$0x3FAF];
	_ =	sdelay $0x3  }
0x34: {  	[smem:$0x3FAF] =	sst s10  }
0x35: {  	s10 =	sld [smem:$0x3FAE];
	_ =	sdelay $0x3  }
0x36: {  	p1 =	seq.s32 s10, $0x1;
	s10 =	sld [smem:$0x3FAF];
	_ =	sdelay $0x3  }
0x37: {  	[smem:$0x3FAF] =	sst s10  }
0x38: {  	s10 =	sld [smem:$0x3FB0]  }
0x39: {  	_ = 	snop;
	(pc) =	sbr.ind lr, $3  }
0x3a: {  	_ = 	snop  }
0x3b: {  	_ = 	snop  }
0x3c: {  	p2 =	seq.s32 s10, $0x1;
	s10 =	sld [smem:$0x3FAF]  }
0x3d: {  	_ =	shalt  }
0x3e: {  	_ =	shalt  }
0x3f: {  	_ =	shalt  }
0x40: {  	_ =	shalt  }
0x41: {  	_ =	shalt  }
0x42: {  	_ =	shalt  }
0x43: {  	_ =	shalt  }
0x44: {  	_ =	shalt  }
0x45: {  	_ =	shalt  }
0x46: {  	_ =	shalt  }
0x47: {  	_ =	shalt  }
0x48: {  	_ =	shalt  }
0x49: {  	_ =	shalt  }
0x4a: {  	_ =	shalt  }
0x4b: {  	_ =	shalt  }
0x4c: {  	_ =	shalt  }
0x4d: {  	_ =	shalt  }
0x4e: {  	_ =	shalt  }
0x4f: {  	_ =	shalt  }
0x50: {  	_ =	shalt  }
0x51: {  	_ =	shalt  }
0x52: {  	_ =	shalt  }
0x53: {  	_ =	shalt  }
0x54: {  	_ =	shalt  }
0x55: {  	_ =	shalt  }
0x56: {  	_ =	shalt  }
0x57: {  	_ =	shalt  }
0x58: {  	_ =	shalt  }
0x59: {  	_ =	shalt  }
0x5a: {  	_ =	shalt  }
0x5b: {  	_ =	shalt  }
0x5c: {  	_ =	shalt  }
0x5d: {  	_ =	shalt  }
0x5e: {  	_ =	shalt  }
0x5f: {  	_ =	shalt  }
0x60: {  	_ =	shalt  }
0x61: {  	_ =	shalt  }
0x62: {  	_ =	shalt  }
0x63: {  	_ =	shalt  }
0x64: {  	_ =	shalt  }
0x65: {  	_ =	shalt  }
0x66: {  	_ =	shalt  }
0x67: {  	_ =	shalt  }
0x68: {  	_ =	shalt  }
0x69: {  	_ =	shalt  }
0x6a: {  	_ =	shalt  }
0x6b: {  	_ =	shalt  }
0x6c: {  	_ =	shalt  }
0x6d: {  	_ =	shalt  }
0x6e: {  	_ =	shalt  }
0x6f: {  	_ =	shalt  }
0x70: {  	_ =	shalt  }
0x71: {  	_ =	shalt  }
0x72: {  	_ =	shalt  }
0x73: {  	_ =	shalt  }
0x74: {  	_ =	shalt  }
0x75: {  	_ =	shalt  }
0x76: {  	_ =	shalt  }
0x77: {  	_ =	shalt  }
0x78: {  	_ =	shalt  }
0x79: {  	_ =	shalt  }
0x7a: {  	_ =	shalt  }
0x7b: {  	_ =	shalt  }
0x7c: {  	_ =	shalt  }
0x7d: {  	_ =	shalt  }
0x7e: {  	_ =	shalt  }
0x7f: {  	_ =	shalt  }
0x80: {  	_ =	shalt  }
0x81: {  	_ =	shalt  }
0x82: {  	_ =	shalt  }
0x83: {  	_ =	shalt  }
0x84: {  	_ =	shalt  }
0x85: {  	_ =	shalt  }
0x86: {  	_ =	shalt  }
0x87: {  	_ =	shalt  }
.Lfunc_end0:
.L_simem_size_0:
called_computation.1_lowered:
.L_overlay_start_0:
0x88: {  	s2 =	sld [smem:$0x3FD9]  }
0x89: {  	s3 =	sld [smem:$0x3FFE];
	_ =	sdelay $0x1  }
0x8a: {  	s1 =	srdreg.scid  }
0x8b: {  	s0 =	sand.u32 $0x1, s1  }
0x8c: {  	s16 =	sshll.u32 s0, $0xA;
	s2 =	sadd.s32 s3, s2  }
0x8d: {  	s2 =	sadd.s32 s2, s16  }
0x8e: {  	[smem:$0x3FBB] =	sst s2  }
0x8f: {  	_ = 	snop  }
0x90: {  	(tm) =	ssettm $0x1  }
0x91: {  	s17 =	sld [smem:$0x3FFB];
	_ =	sdelay $0x3  }
0x92: {  	_ =	strace s17  }
0x93: {  	s2 =	sld [smem:$0x3FFC];
	_ =	sdelay $0x3  }
0x94: {  	_ =	strace s2  }
0x95: {  	s2 =	sld [smem:$0x3FFD];
	_ =	sdelay $0x3  }
0x96: {  	_ =	strace s2  }
0x97: {  	_ =	strace $0x8FFFFFFF  }
0x98: {  	s18 =	sld [smem:$0x3FDB];
	_ =	sdelay $0x1  }
0x99: {  	s19 =	simm.s32 $_scs_section_size  }
0x9a: {  	s4 =	simm.s32 $_size__tile_overlayer_lowered;
	s5 =	simm.s32 $_tile_overlayer_lowered  }
0x9b: {  	s22 =	simm.s32 $0x1BFF;
	s21 =	sshll.u32 s5, $0x1;
	s2 =	sadd.s32 s19, s18  }
0x9c: {  	s6 =	simm.s32 $0x0;
	s20 =	sshll.u32 s4, $0x1;
	s4 =	sadd.s32 s21, s2  }
0x9d: {  	[timem:s6], [sflag:s22] =	dma.local [hbm:s4], s20  }
0x9e: {  	_ =	swait.ge [sflag:s22], s20  }
0x9f: {  	s3 =	ssub.s32 $0x0, s20;
	[sflag:s22] =	ssyncset.done $0x0  }
0xa0: {  	[sflag:s22] =	ssyncadd.s32 s3;
	_ =	sdelay $0x1  }
0xa1: {  	s23 =	simm.s32 $0x1B8B  }
0xa2: {  	_ =	swait.ge [sflag:s23], $0x1  }
0xa3: {  	[sflag:s23] =	ssyncset.done $0x0  }
0xa4: {  	s25 =	simm.s32 $0x1B8E;
	s24 =	sld [smem:$0x3FFE];
	[sflag:s23] =	ssyncadd.s32 $0xFFFFFFFF  }
0xa5: {  	s26 =	simm.s32 $execute0_lowered;
	[smem:$0x3FD2] =	sst s25  }
0xa6: {  	s4 =	sshll.u32 s26, $0x1;
	_ =	strace $0x80000049;
	[dreg:$0x1] =	wrdreg $0xFFFFFFFF  }
0xa7: {  	s28 =	simm.s32 $_size_execute0_lowered;
	s2 =	sadd.s32 s2, s4;
	[dreg:$0x0] =	wrdreg $0x0  }
0xa8: {  	s4 =	sshll.u32 s28, $0x1;
	[dreg:$0x2] =	wrdreg s2  }
0xa9: {  	[dreg:$0x3] =	wrdreg s4  }
0xaa: {  	[dreg:$0x4] =	wrdreg $0xC0  }
0xab: {  	_ =	task [dreg:s6], $0x5FFFF  }
0xac: {  	[dreg:$0x1] =	wrdreg $0xFFFFFFFF  }
0xad: {  	[dreg:$0x0] =	wrdreg $0x60  }
0xae: {  	[dreg:$0x2] =	wrdreg s24  }
0xaf: {  	[dreg:$0x3] =	wrdreg $0xA8000  }
0xb0: {  	[dreg:$0x4] =	wrdreg $0x9  }
0xb1: {  	_ =	task.clear_ibuf [dreg:s6], $0x5FFFF;
	_ =	strace $0x90000049  }
0xb2: {  	s29 =	simm.s32 $0x9;
	_ =	strace $0x8000004B  }
0xb3: {  	_ =	swait.ge [sflag:s29], $0x1  }
0xb4: {  	[sflag:s29] =	ssyncadd.s32 $0xFFFFFFFF  }
0xb5: {  	_ =	strace $0x9000004B  }
0xb6: {  	_ =	sfence  }
0xb7: {  	s30 =	sld [smem:$0x0];
	_ =	sdelay $0x2  }
0xb8: {  	s31 =	sshll.u32 s1, $0xD;
	s1 =	sshrl.u32 s1, $0x2  }
0xb9: {  	s3 =	sand.u32 $0x4000, s31;
	s1 =	sadd.s32 s1, s30  }
0xba: {  	s0 =	sor.u32 s3, s0;
	s1 =	sshll.u32 s1, $0x11  }
0xbb: {  	s0 =	sor.u32 s1, s0  }
0xbc: {  	s0 =	sadd.s32 $0x8F2B, s0  }
0xbd: {  	[sflag:s0] =	ssyncadd.remote.s32 $0x1  }
0xbe: {  	_ =	sfence.sel $0xFFFF  }
0xbf: {  	[dreg:$0x0] =	wrdreg $0xFFFFFFFF;
	(pc) =	sbr.abs _section_cstart, $3  }
0xc0: {  	[dreg:$0x1] =	wrdreg $0xFFFFFFFF  }
0xc1: {  	_ =	task.clear_ibuf [dreg:s6], $0x2FFFF;
	_ =	strace $0x9FFFFFFF  }
0xc2: {  	(tm) =	ssettm $0x7FFFFFFF  }
0xc3: {  	_ =	shalt  }
tec
execute0_lowered:
.L_overlay_start_1:
0x0: {  	(tag) =	ssettag $0x1  }
0x1: {  	s0 =	rddreg [dreg:$0x0]  }
0x2: {  	s1 =	rddreg [dreg:$0x1];
	s2 =	srdreg.scid;
	s3 =	simm.s32 $0x0  }
0x3: {  	s20 =	simm.s32 $0x3;
	s21 =	simm.s32 $0x1400;
	s28 =	simm.s32 $0x1380  }
0x4: {  	s29 =	simm.s32 $0x2700;
	s30 =	simm.s32 $0x2780;
	s31 =	simm.s32 $0x0  }
0x5: {  	s6 =	sand.u32 $0x1, s2;
	s2 =	stileid.u32;
	[smem:$0x7FF] =	sst s3  }
0x6: {  	s4 =	sadd.s32 $0x21E00, s0;
	s11 =	sadd.s32 $0x17E00, s0;
	s12 =	sadd.s32 $0xDE00, s0  }
0x7: {  	s5 =	sadd.s32 $0x3000, s0;
	s17 =	sadd.s32 $0x128400, s1;
	s7 =	smul.u32 $0x13C000, s6  }
0x8: {  	s8 =	smul.u32 $0x13C00, s2;
	_ =	strace $0x8000004A;
	[dreg:$0x3] =	wrdreg s5  }
0x9: {  	s22 =	sshll.u32 s2, $0x1;
	s9 =	smul.u32 $0x4F000, s2;
	s10 =	ssub.s32 $0x2, s6  }
0xa: {  	s13 =	smul.u32 $0x2780, s2;
	p0 =	seq.s32 s6, $0x1;
	s23 =	sshrl.u32 s10, $0x1  }
0xb: {  	p2 =	seq.s32 @!p0 s2, $0xF;
	s7 =	sadd.s32 s8, s7;
	s8 =	sor.u32 s6, s22  }
0xc: {  	s15 =	ssub.s32 s10, s23;
	s24 =	sshrl.u32 s9, $0x2;
	p1 =	por p2, p0  }
0xd: {  	p2 =	por !p2, p0;
	s22 =	simm.s32 $0x7D;
	s23 =	simm.s32 $0x2800  }
0xe: {  	s7 =	sshrl.u32 s7, $0x3;
	s8 =	smul.u32 $0x2800, s8;
	s6 =	sadd.s32 s24, s1  }
0xf: {  	s17 =	sshrl.u32 @!p2 s17, $0x3;
	s24 =	simm.s32 $0x1;
	s14 =	sadd.s32 s7, s0  }
0x10: {  	s7 =	sadd.s32 s4, s13;
	s16 =	sshrl.u32 @p0 s6, $0x3;
	s19 =	sshrl.u32 @!p1 s6, $0x3  }
0x11: {  	s25 =	sshrl.u32 s8, $0x3;
	s8 =	sadd.s32 $0x46E80, s0;
	s13 =	sadd.s32 $0x49000, s14  }
0x12: {  	s14 =	smax.u32 s15, $0x1;
	s0 =	sshll.u32 @p0 s2, $0x6;
	s26 =	sadd.s32 $0x280, s25  }
0x13: {  	s9 =	sadd.s32 s11, s25;
	s10 =	sadd.s32 s12, s25;
	s15 =	sor.u32 @p0 $0x1C03, s0  }
0x14: {  	s0 =	sshll.u32 @!p1 s2, $0x6;
	s25 =	simm.s32 $0x6800;
	s11 =	sadd.s32 s11, s26  }
0x15: {  	s12 =	sadd.s32 s12, s26;
	s18 =	sor.u32 @!p1 $0x1C03, s0;
	s26 =	simm.s32 $0x2  }
.LBB2_1:
0x16: {  	s0 =	rddreg [dreg:$0x3]  }
0x17: {  	[spmem:s16], [sflag:s15] =	dma.local @p0 [hbm:s0], $0x2780  }
0x18: {  	s0 =	simm.s32 @p0 $0x3  }
0x19: {  	_ =	swait.ge @p0 [sflag:s0], $0x2780  }
0x1a: {  	[sflag:s0] =	ssyncset.done @p0 $0x0  }
0x1b: {  	[sflag:s0] =	ssyncadd.s32 @p0 $0xFFFFD880;
	s0 =	simm.s32 @!p2 $0x1FC3  }
0x1c: {  	[spmem:s17], [sflag:s0] =	dma.local @!p2 [hbm:s8], $0x2080  }
0x1d: {  	s0 =	simm.s32 @!p2 $0x3  }
0x1e: {  	_ =	swait.ge @!p2 [sflag:s0], $0x2080  }
0x1f: {  	[sflag:s0] =	ssyncset.done @!p2 $0x0  }
0x20: {  	[sflag:s0] =	ssyncadd.s32 @!p2 $0xFFFFDF80;
	s0 =	simm.s32 @!p1 $0x3  }
0x21: {  	[spmem:s19], [sflag:s18] =	dma.local @!p1 [hbm:s7], $0x2780  }
0x22: {  	_ =	swait.ge @!p1 [sflag:s0], $0x2780  }
0x23: {  	[sflag:s0] =	ssyncset.done @!p1 $0x0  }
0x24: {  	[sflag:s0] =	ssyncadd.s32 @!p1 $0xFFFFD880  }
0x25: {  	[bflag:$0x0] =	sbarrier.arrive $0xFFFF  }
0x26: {  	[tilespmem:s3], [sflag:$0x3] =	stream.linear.gather [hbm4b:s9+s3], $0x1400, $0x38;
	[tilespmem:$0x1E400] =	vst v63  }
0x27: {  	_ =	swait.ge [sflag:s20], $0x1400  }
0x28: {  	[sflag:s20] =	ssyncset.done $0x0  }
0x29: {  	[sflag:s20] =	ssyncadd.s32 $0xFFFFEC00  }
0x2a: {  	[tilespmem:s21], [sflag:$0x3] =	stream.linear.gather [hbm4b:s10+s3], $0x1400, $0x38;
	[tilespmem:$0x1E400] =	vst v63  }
0x2b: {  	_ =	swait.ge [sflag:s20], $0x1400  }
0x2c: {  	[sflag:s20] =	ssyncset.done $0x0  }
0x2d: {  	[sflag:s20] =	ssyncadd.s32 $0xFFFFEC00  }
0x2e: {  	[tilespmem:s23], [sflag:$0x1] =	stream.indirect.gather [hbm4b:s4+s22], $0x80, s3, s22, $0xb8;
	[tilespmem:$0x1E400] =	vst v63  }
0x2f: {  	_ =	swait.ge [sflag:s24], $0x3E80  }
0x30: {  	[sflag:s24] =	ssyncset.done $0x0  }
0x31: {  	s2 =	simm.s32 $0x80;
	[sflag:s24] =	ssyncadd.s32 $0xFFFFC180  }
0x32: {  	[tilespmem:s25], [sflag:$0x2] =	stream.indirect.gather [hbm4b:s4+s22], $0x80, s2, s22, $0xb8;
	[tilespmem:$0x1E400] =	vst v63  }
0x33: {  	s5 =	simm.s32 $0x1400  }
0x34: {  	[spmem:s1] =	stream.indirect.scatter.add.f32 [tilespmem:s23], [sflag:$0x3], $0x80, s5, s22, $0xb8;
	[tilespmem:$0x1E400] =	vst v63  }
0x35: {  	_ =	swait.ge [sflag:s20], $0x3E80  }
0x36: {  	[sflag:s20] =	ssyncset.done $0x0  }
0x37: {  	[sflag:s20] =	ssyncadd.s32 $0xFFFFC180  }
0x38: {  	_ =	swait.ge [sflag:s26], $0x3E80  }
0x39: {  	[sflag:s26] =	ssyncset.done $0x0  }
0x3a: {  	s2 =	simm.s32 $0x100;
	[sflag:s26] =	ssyncadd.s32 $0xFFFFC180  }
0x3b: {  	[tilespmem:s23], [sflag:$0x1] =	stream.indirect.gather [hbm4b:s4+s22], $0x80, s2, s22, $0xb8;
	[tilespmem:$0x1E400] =	vst v63  }
0x3c: {  	s5 =	simm.s32 $0x1480  }
0x3d: {  	[spmem:s1] =	stream.indirect.scatter.add.f32 [tilespmem:s25], [sflag:$0x3], $0x80, s5, s22, $0xb8;
	[tilespmem:$0x1E400] =	vst v63  }
0x3e: {  	_ =	swait.ge [sflag:s20], $0x3E80  }
0x3f: {  	s0 =	simm.s32 $0x400;
	[sflag:s20] =	ssyncset.done $0x0  }
.LBB2_2:
0x40: {  	p3 =	sne.s32 s0, $0x4800  }
0x41: {  	[sflag:s20] =	ssyncadd.s32 $0xFFFFC180;
	s2 =	smov.u32 s0;
	s0 =	sadd.s32 $0x400, s0  }
0x42: {  	_ = 	snop  }
0x43: {  	_ =	swait.ge [sflag:s24], $0x3E80  }
0x44: {  	s2 =	sshra.s32 s2, $0x2;
	[sflag:s24] =	ssyncset.done $0x0  }
0x45: {  	s5 =	sadd.s32 $0x80, s2;
	[sflag:s24] =	ssyncadd.s32 $0xFFFFC180  }
0x46: {  	[tilespmem:s25], [sflag:$0x2] =	stream.indirect.gather [hbm4b:s4+s22], $0x80, s5, s22, $0xb8;
	[tilespmem:$0x1E400] =	vst v63  }
0x47: {  	s5 =	sadd.s32 $0x1400, s2  }
0x48: {  	[spmem:s1] =	stream.indirect.scatter.add.f32 [tilespmem:s23], [sflag:$0x3], $0x80, s5, s22, $0xb8;
	[tilespmem:$0x1E400] =	vst v63  }
0x49: {  	_ =	swait.ge [sflag:s20], $0x3E80  }
0x4a: {  	[sflag:s20] =	ssyncset.done $0x0  }
0x4b: {  	[sflag:s20] =	ssyncadd.s32 $0xFFFFC180  }
0x4c: {  	_ =	swait.ge [sflag:s26], $0x3E80  }
0x4d: {  	[sflag:s26] =	ssyncset.done $0x0  }
0x4e: {  	s5 =	sadd.s32 $0x100, s2;
	[sflag:s26] =	ssyncadd.s32 $0xFFFFC180  }
0x4f: {  	[tilespmem:s23], [sflag:$0x1] =	stream.indirect.gather [hbm4b:s4+s22], $0x80, s5, s22, $0xb8;
	[tilespmem:$0x1E400] =	vst v63  }
.Ltmp0:
0x50: {  	_ = 	snop;
	(pc) =	sbr.rel @p3 .LBB2_2-.Ltmp0, $4  }
0x51: {  	s2 =	sadd.s32 $0x1480, s2  }
0x52: {  	[spmem:s1] =	stream.indirect.scatter.add.f32 [tilespmem:s25], [sflag:$0x3], $0x80, s2, s22, $0xb8;
	[tilespmem:$0x1E400] =	vst v63  }
0x53: {  	_ =	swait.ge [sflag:s20], $0x3E80  }
0x54: {  	[sflag:s20] =	ssyncset.done $0x0  }
0x55: {  	[sflag:s20] =	ssyncadd.s32 $0xFFFFC180  }
0x56: {  	_ =	swait.ge [sflag:s24], $0x3E80  }
0x57: {  	[sflag:s24] =	ssyncset.done $0x0  }
0x58: {  	[sflag:s24] =	ssyncadd.s32 $0xFFFFC180  }
0x59: {  	[tilespmem:s25], [sflag:$0x2] =	stream.indirect.gather [hbm4b:s4+s22], $0x80, s28, s22, $0xb8;
	[tilespmem:$0x1E400] =	vst v63  }
0x5a: {  	_ = 	snop  }
0x5b: {  	[spmem:s1] =	stream.indirect.scatter.add.f32 [tilespmem:s23], [sflag:$0x3], $0x80, s29, s22, $0xb8;
	[tilespmem:$0x1E400] =	vst v63  }
0x5c: {  	_ =	swait.ge [sflag:s20], $0x3E80  }
0x5d: {  	[sflag:s20] =	ssyncset.done $0x0  }
0x5e: {  	[sflag:s20] =	ssyncadd.s32 $0xFFFFC180  }
0x5f: {  	_ =	swait.ge [sflag:s26], $0x3E80  }
0x60: {  	[sflag:s26] =	ssyncset.done $0x0  }
0x61: {  	[sflag:s26] =	ssyncadd.s32 $0xFFFFC180  }
0x62: {  	[spmem:s1] =	stream.indirect.scatter.add.f32 [tilespmem:s25], [sflag:$0x3], $0x80, s30, s22, $0xb8;
	[tilespmem:$0x1E400] =	vst v63  }
0x63: {  	_ =	swait.ge [sflag:s20], $0x3E80  }
0x64: {  	[sflag:s20] =	ssyncset.done $0x0  }
0x65: {  	s0 =	simm.s32 $0x0;
	[sflag:s20] =	ssyncadd.s32 $0xFFFFC180  }
0x66: {  	[tilespmem:s0], [sflag:$0x3] =	stream.linear.gather [hbm4b:s11+s0], $0x1400, $0x38;
	[tilespmem:$0x1E400] =	vst v63  }
0x67: {  	_ =	swait.ge [sflag:s20], $0x1400  }
0x68: {  	[sflag:s20] =	ssyncset.done $0x0  }
0x69: {  	[sflag:s20] =	ssyncadd.s32 $0xFFFFEC00  }
0x6a: {  	[tilespmem:s21], [sflag:$0x3] =	stream.linear.gather [hbm4b:s12+s0], $0x1400, $0x38;
	[tilespmem:$0x1E400] =	vst v63  }
0x6b: {  	_ =	swait.ge [sflag:s20], $0x1400  }
0x6c: {  	[sflag:s20] =	ssyncset.done $0x0  }
0x6d: {  	[sflag:s20] =	ssyncadd.s32 $0xFFFFEC00  }
0x6e: {  	[tilespmem:s23], [sflag:$0x1] =	stream.indirect.gather [hbm4b:s4+s22], $0x80, s0, s22, $0xb8;
	[tilespmem:$0x1E400] =	vst v63  }
0x6f: {  	_ =	swait.ge [sflag:s24], $0x3E80  }
0x70: {  	[sflag:s24] =	ssyncset.done $0x0  }
0x71: {  	s2 =	simm.s32 $0x80;
	[sflag:s24] =	ssyncadd.s32 $0xFFFFC180  }
0x72: {  	[tilespmem:s25], [sflag:$0x2] =	stream.indirect.gather [hbm4b:s4+s22], $0x80, s2, s22, $0xb8;
	[tilespmem:$0x1E400] =	vst v63  }
0x73: {  	s5 =	simm.s32 $0x1400  }
0x74: {  	[spmem:s1] =	stream.indirect.scatter.add.f32 [tilespmem:s23], [sflag:$0x3], $0x80, s5, s22, $0xb8;
	[tilespmem:$0x1E400] =	vst v63  }
0x75: {  	_ =	swait.ge [sflag:s20], $0x3E80  }
0x76: {  	[sflag:s20] =	ssyncset.done $0x0  }
0x77: {  	[sflag:s20] =	ssyncadd.s32 $0xFFFFC180  }
0x78: {  	_ =	swait.ge [sflag:s26], $0x3E80  }
0x79: {  	[sflag:s26] =	ssyncset.done $0x0  }
0x7a: {  	s2 =	simm.s32 $0x100;
	[sflag:s26] =	ssyncadd.s32 $0xFFFFC180  }
0x7b: {  	[tilespmem:s23], [sflag:$0x1] =	stream.indirect.gather [hbm4b:s4+s22], $0x80, s2, s22, $0xb8;
	[tilespmem:$0x1E400] =	vst v63  }
0x7c: {  	s5 =	simm.s32 $0x1480  }
0x7d: {  	[spmem:s1] =	stream.indirect.scatter.add.f32 [tilespmem:s25], [sflag:$0x3], $0x80, s5, s22, $0xb8;
	[tilespmem:$0x1E400] =	vst v63  }
0x7e: {  	_ =	swait.ge [sflag:s20], $0x3E80  }
0x7f: {  	s0 =	simm.s32 $0x400;
	[sflag:s20] =	ssyncset.done $0x0  }
.LBB2_4:
0x80: {  	p3 =	sne.s32 s0, $0x4800  }
0x81: {  	[sflag:s20] =	ssyncadd.s32 $0xFFFFC180;
	s2 =	smov.u32 s0;
	s0 =	sadd.s32 $0x400, s0  }
0x82: {  	_ = 	snop  }
0x83: {  	_ =	swait.ge [sflag:s24], $0x3E80  }
0x84: {  	s2 =	sshra.s32 s2, $0x2;
	[sflag:s24] =	ssyncset.done $0x0  }
0x85: {  	s5 =	sadd.s32 $0x80, s2;
	[sflag:s24] =	ssyncadd.s32 $0xFFFFC180  }
0x86: {  	[tilespmem:s25], [sflag:$0x2] =	stream.indirect.gather [hbm4b:s4+s22], $0x80, s5, s22, $0xb8;
	[tilespmem:$0x1E400] =	vst v63  }
0x87: {  	s5 =	sadd.s32 $0x1400, s2  }
0x88: {  	[spmem:s1] =	stream.indirect.scatter.add.f32 [tilespmem:s23], [sflag:$0x3], $0x80, s5, s22, $0xb8;
	[tilespmem:$0x1E400] =	vst v63  }
0x89: {  	_ =	swait.ge [sflag:s20], $0x3E80  }
0x8a: {  	[sflag:s20] =	ssyncset.done $0x0  }
0x8b: {  	[sflag:s20] =	ssyncadd.s32 $0xFFFFC180  }
0x8c: {  	_ =	swait.ge [sflag:s26], $0x3E80  }
0x8d: {  	[sflag:s26] =	ssyncset.done $0x0  }
0x8e: {  	s5 =	sadd.s32 $0x100, s2;
	[sflag:s26] =	ssyncadd.s32 $0xFFFFC180  }
0x8f: {  	[tilespmem:s23], [sflag:$0x1] =	stream.indirect.gather [hbm4b:s4+s22], $0x80, s5, s22, $0xb8;
	[tilespmem:$0x1E400] =	vst v63  }
.Ltmp1:
0x90: {  	_ = 	snop;
	(pc) =	sbr.rel @p3 .LBB2_4-.Ltmp1, $4  }
0x91: {  	s2 =	sadd.s32 $0x1480, s2  }
0x92: {  	[spmem:s1] =	stream.indirect.scatter.add.f32 [tilespmem:s25], [sflag:$0x3], $0x80, s2, s22, $0xb8;
	[tilespmem:$0x1E400] =	vst v63  }
0x93: {  	_ =	swait.ge [sflag:s20], $0x3E80  }
0x94: {  	[sflag:s20] =	ssyncset.done $0x0  }
0x95: {  	[sflag:s20] =	ssyncadd.s32 $0xFFFFC180  }
0x96: {  	_ =	swait.ge [sflag:s24], $0x3E80  }
0x97: {  	[sflag:s24] =	ssyncset.done $0x0  }
0x98: {  	[sflag:s24] =	ssyncadd.s32 $0xFFFFC180  }
0x99: {  	[tilespmem:s25], [sflag:$0x2] =	stream.indirect.gather [hbm4b:s4+s22], $0x80, s28, s22, $0xb8;
	[tilespmem:$0x1E400] =	vst v63  }
0x9a: {  	_ = 	snop  }
0x9b: {  	[spmem:s1] =	stream.indirect.scatter.add.f32 [tilespmem:s23], [sflag:$0x3], $0x80, s29, s22, $0xb8;
	[tilespmem:$0x1E400] =	vst v63  }
0x9c: {  	_ =	swait.ge [sflag:s20], $0x3E80  }
0x9d: {  	[sflag:s20] =	ssyncset.done $0x0  }
0x9e: {  	[sflag:s20] =	ssyncadd.s32 $0xFFFFC180  }
0x9f: {  	_ =	swait.ge [sflag:s26], $0x3E80  }
0xa0: {  	[sflag:s26] =	ssyncset.done $0x0  }
0xa1: {  	[sflag:s26] =	ssyncadd.s32 $0xFFFFC180  }
0xa2: {  	[spmem:s1] =	stream.indirect.scatter.add.f32 [tilespmem:s25], [sflag:$0x3], $0x80, s30, s22, $0xb8;
	[tilespmem:$0x1E400] =	vst v63  }
0xa3: {  	s0 =	stileid.u32;
	_ =	swait.ge [sflag:s20], $0x3E80  }
0xa4: {  	s2 =	sshrl.u32 s6, $0x3;
	s31 =	sadd.s32 $0x1, s31;
	[sflag:s20] =	ssyncset.done $0x0  }
0xa5: {  	s0 =	sshll.u32 s0, $0x6;
	p3 =	sne.s32 s31, s14;
	[sflag:s20] =	ssyncadd.s32 $0xFFFFC180  }
.Ltmp2:
0xa6: {  	s0 =	sor.u32 $0x1C03, s0;
	[bflag:$0x0] =	sbarrier.arrive $0xFFFF;
	(pc) =	sbr.rel @p3 .LBB2_1-.Ltmp2, $4  }
0xa7: {  	[hbm:s13], [sflag:s0] =	dma.local [spmem:s2], $0x2780  }
0xa8: {  	_ =	swait.ge [sflag:s20], $0x2780  }
0xa9: {  	[sflag:s20] =	ssyncset.done $0x0  }
0xaa: {  	[sflag:s20] =	ssyncadd.s32 $0xFFFFD880  }
0xab: {  	_ =	sfence.sel $0x180000  }
0xac: {  	[bflag:$0x0] =	sbarrier.arrive $0xFFFF  }
0xad: {  	_ =	strace $0x9000004A  }
0xae: {  	s0 =	stileid.u32;
	[bflag:$0x2] =	sbarrier.arrive $0xFFFF  }
0xaf: {  	p0 =	sne.s32 s0, $0x0;
	s0 =	rddreg [dreg:$0x2]  }
0xb0: {  	s0 =	sadd.s32 @!p0 $0x100000, s0  }
0xb1: {  	[sflag:s0] =	ssyncadd.tile.s32 @!p0 $0x1;
	_ =	shalt  }
.Lfunc_end2:
_tile_overlayer_lowered:
.L_overlay_start_2:
0xb2: {  	(tag) =	ssettag $0x2  }
0xb3: {  	s0 =	rddreg [dreg:$0x0];
	s2 =	stileid.u32  }
0xb4: {  	s1 =	rddreg [dreg:$0x1];
	p0 =	sne.s32 s2, $0x0  }
0xb5: {  	s3 =	rddreg [dreg:$0x2];
	[bflag:$0x3] =	sbarrier.arrive $0xFFFF;
	s2 =	simm.s32 @!p0 $0x1C03  }
0xb6: {  	[timem:s3], [sflag:s2] =	dma.local @!p0 [hbm:s0], s1  }
0xb7: {  	s0 =	simm.s32 @!p0 $0x3  }
0xb8: {  	_ =	swait.ge @!p0 [sflag:s0], s1  }
0xb9: {  	s1 =	ssub.s32 @!p0 $0x0, s1;
	[sflag:s0] =	ssyncset.done @!p0 $0x0  }
0xba: {  	[sflag:s0] =	ssyncadd.s32 @!p0 s1  }
0xbb: {  	[bflag:$0x3] =	sbarrier.arrive $0xFFFF  }
0xbc: {  	_ =	shalt  }

// kernel: kernel.16.cloned.1.call-start
scs
__scs_entry_jumppad:
0x0: {  	(pc) =	sbr.rel $0x88, $3  }
0x1: {  	(tag) =	ssettag $0x0;
	lr =	simm.s32 $0x1  }
0x2: {  	[smem:$0x3F94] =	sst lr;
	_ =	strace $0xD0000000  }
0x3: {  	_ = 	snop  }
0x4: {  	_ = 	snop  }
0x5: {  	_ = 	snop  }
0x6: {  	_ = 	snop  }
0x7: {  	_ = 	snop  }
__scs_overlays_trampoline_lowered:
0x8: {  	[smem:$0x3FA3] =	sst s0  }
0x9: {  	[smem:$0x3FA4] =	sst s1  }
0xa: {  	[smem:$0x3FA5] =	sst s2  }
0xb: {  	[smem:$0x3FA6] =	sst s3  }
0xc: {  	[smem:$0x3FA7] =	sst s4  }
0xd: {  	[smem:$0x3FA8] =	sst s5  }
0xe: {  	[smem:$0x3FA9] =	sst s6  }
0xf: {  	[smem:$0x3FAA] =	sst s7  }
0x10: {  	[smem:$0x3FAB] =	sst s8  }
0x11: {  	[smem:$0x3FAC] =	sst s9;
	s0 =	simm.s32 @!p0 $0x0  }
0x12: {  	s1 =	sld [smem:$0x3F92];
	s0 =	simm.s32 @p0 $0x1  }
0x13: {  	[smem:$0x3FAD] =	sst s0;
	s0 =	simm.s32 @!p1 $0x0  }
0x14: {  	s2 =	sld [smem:$0x3F91];
	s0 =	simm.s32 @p1 $0x1  }
0x15: {  	[smem:$0x3FAE] =	sst s0;
	s0 =	simm.s32 @!p2 $0x0  }
0x16: {  	s3 =	sld [smem:$0x3FDB];
	s0 =	simm.s32 @p2 $0x1  }
0x17: {  	s4 =	simm.s32 $0x1BF5;
	[smem:$0x3FB0] =	sst s0  }
0x18: {  	s0 =	sld [smem:$0x3F93];
	_ =	swait.ge [sflag:s4], $0x0  }
0x19: {  	s7 =	sld [smem:$0x3F94]  }
0x1a: {  	s8 =	sadd.s32 $0xFFFFE003, lr  }
0x1b: {  	s9 =	sadd.s32 $0xFFFFFEF7, lr;
	s5 =	simm.s32 $0xFFFFFFFF;
	p2 =	slt.u32 s8, $0xFFFFF086  }
0x1c: {  	p1 =	slt.u32 s9, $0xF7A;
	s5 =	simm.s32 @!p2 $0x0  }
0x1d: {  	s5 =	simm.s32 @p1 $0x1;
	p0 =	seq.s32 s7, s2  }
0x1e: {  	s7 =	smul.u32 @!p0 $0xF7A, s2;
	p2 =	seq.s32 @!p0 s5, $0x0  }
0x1f: {  	s9 =	smul.u32 $0xF7A, s1;
	s8 =	simm.s32 @!p0 $0x1BF5;
	p2 =	por !p2, p0  }
0x20: {  	[sflag:s8] =	ssyncset.s32 @!p0 $0xFFFFF086;
	s6 =	sadd.s32 @!p0 s3, s7;
	s7 =	simm.s32 @!p0 $0x108  }
0x21: {  	s3 =	sadd.s32 s3, s9;
	s6 =	sadd.s32 @!p0 $0x88, s6;
	s7 =	simm.s32 @p2 $0x1082  }
0x22: {  	[simem:s7], [sflag:s8] =	dma.local @!p0 [hbm:s6], $0xF7A  }
0x23: {  	s9 =	sor.u32 $0xD0000000, s2;
	s6 =	simm.s32 $0x108;
	_ =	swait.ge @!p0 [sflag:s8], $0x0  }
0x24: {  	s3 =	sadd.s32 $0x88, s3;
	s6 =	simm.s32 @!p1 $0x1082;
	[sflag:s4] =	ssyncset.s32 $0xFFFFF086  }
0x25: {  	[simem:s6], [sflag:s4] =	dma.local [hbm:s3], $0xF7A  }
0x26: {  	[smem:$0x3F94] =	sst s1;
	(tag) =	ssettag s2;
	_ =	strace s9  }
0x27: {  	s1 =	sld [smem:$0x3FA4]  }
0x28: {  	s2 =	sld [smem:$0x3FA5]  }
0x29: {  	s4 =	sld [smem:$0x3FA7]  }
0x2a: {  	p0 =	seq.s32 s5, $0x0;
	s5 =	sld [smem:$0x3FA8]  }
0x2b: {  	s6 =	sld [smem:$0x3FA9]  }
0x2c: {  	s7 =	sld [smem:$0x3FAA]  }
0x2d: {  	s3 =	simm.s32 $0x108;
	s8 =	sld [smem:$0x3FAB]  }
0x2e: {  	s3 =	simm.s32 @!p0 $0x1082;
	s9 =	sld [smem:$0x3FAC]  }
0x2f: {  	lr =	sadd.s32 s0, s3;
	s0 =	sld [smem:$0x3FA3]  }
0x30: {  	s3 =	sld [smem:$0x3FA6]  }
0x31: {  	[smem:$0x3FAF] =	sst s10  }
0x32: {  	s10 =	sld [smem:$0x3FAD];
	_ =	sdelay $0x3  }
0x33: {  	p0 =	seq.s32 s10, $0x1;
	s10 =	sld [smem:$0x3FAF];
	_ =	sdelay $0x3  }
0x34: {  	[smem:$0x3FAF] =	sst s10  }
0x35: {  	s10 =	sld [smem:$0x3FAE];
	_ =	sdelay $0x3  }
0x36: {  	p1 =	seq.s32 s10, $0x1;
	s10 =	sld [smem:$0x3FAF];
	_ =	sdelay $0x3  }
0x37: {  	[smem:$0x3FAF] =	sst s10  }
0x38: {  	s10 =	sld [smem:$0x3FB0]  }
0x39: {  	_ = 	snop;
	(pc) =	sbr.ind lr, $3  }
0x3a: {  	_ = 	snop  }
0x3b: {  	_ = 	snop  }
0x3c: {  	p2 =	seq.s32 s10, $0x1;
	s10 =	sld [smem:$0x3FAF]  }
0x3d: {  	_ =	shalt  }
0x3e: {  	_ =	shalt  }
0x3f: {  	_ =	shalt  }
0x40: {  	_ =	shalt  }
0x41: {  	_ =	shalt  }
0x42: {  	_ =	shalt  }
0x43: {  	_ =	shalt  }
0x44: {  	_ =	shalt  }
0x45: {  	_ =	shalt  }
0x46: {  	_ =	shalt  }
0x47: {  	_ =	shalt  }
0x48: {  	_ =	shalt  }
0x49: {  	_ =	shalt  }
0x4a: {  	_ =	shalt  }
0x4b: {  	_ =	shalt  }
0x4c: {  	_ =	shalt  }
0x4d: {  	_ =	shalt  }
0x4e: {  	_ =	shalt  }
0x4f: {  	_ =	shalt  }
0x50: {  	_ =	shalt  }
0x51: {  	_ =	shalt  }
0x52: {  	_ =	shalt  }
0x53: {  	_ =	shalt  }
0x54: {  	_ =	shalt  }
0x55: {  	_ =	shalt  }
0x56: {  	_ =	shalt  }
0x57: {  	_ =	shalt  }
0x58: {  	_ =	shalt  }
0x59: {  	_ =	shalt  }
0x5a: {  	_ =	shalt  }
0x5b: {  	_ =	shalt  }
0x5c: {  	_ =	shalt  }
0x5d: {  	_ =	shalt  }
0x5e: {  	_ =	shalt  }
0x5f: {  	_ =	shalt  }
0x60: {  	_ =	shalt  }
0x61: {  	_ =	shalt  }
0x62: {  	_ =	shalt  }
0x63: {  	_ =	shalt  }
0x64: {  	_ =	shalt  }
0x65: {  	_ =	shalt  }
0x66: {  	_ =	shalt  }
0x67: {  	_ =	shalt  }
0x68: {  	_ =	shalt  }
0x69: {  	_ =	shalt  }
0x6a: {  	_ =	shalt  }
0x6b: {  	_ =	shalt  }
0x6c: {  	_ =	shalt  }
0x6d: {  	_ =	shalt  }
0x6e: {  	_ =	shalt  }
0x6f: {  	_ =	shalt  }
0x70: {  	_ =	shalt  }
0x71: {  	_ =	shalt  }
0x72: {  	_ =	shalt  }
0x73: {  	_ =	shalt  }
0x74: {  	_ =	shalt  }
0x75: {  	_ =	shalt  }
0x76: {  	_ =	shalt  }
0x77: {  	_ =	shalt  }
0x78: {  	_ =	shalt  }
0x79: {  	_ =	shalt  }
0x7a: {  	_ =	shalt  }
0x7b: {  	_ =	shalt  }
0x7c: {  	_ =	shalt  }
0x7d: {  	_ =	shalt  }
0x7e: {  	_ =	shalt  }
0x7f: {  	_ =	shalt  }
0x80: {  	_ =	shalt  }
0x81: {  	_ =	shalt  }
0x82: {  	_ =	shalt  }
0x83: {  	_ =	shalt  }
0x84: {  	_ =	shalt  }
0x85: {  	_ =	shalt  }
0x86: {  	_ =	shalt  }
0x87: {  	_ =	shalt  }
.Lfunc_end0:
.L_simem_size_0:
called_computation.2_lowered:
.L_overlay_start_0:
0x88: {  	s2 =	sld [smem:$0x3FD9]  }
0x89: {  	s3 =	sld [smem:$0x3FFE];
	_ =	sdelay $0x1  }
0x8a: {  	s1 =	srdreg.scid  }
0x8b: {  	s0 =	sand.u32 $0x1, s1  }
0x8c: {  	s16 =	sshll.u32 s0, $0xA;
	s2 =	sadd.s32 s3, s2  }
0x8d: {  	s2 =	sadd.s32 s2, s16  }
0x8e: {  	[smem:$0x3FBB] =	sst s2  }
0x8f: {  	_ = 	snop  }
0x90: {  	(tm) =	ssettm $0x1  }
0x91: {  	s17 =	sld [smem:$0x3FFB];
	_ =	sdelay $0x3  }
0x92: {  	_ =	strace s17  }
0x93: {  	s2 =	sld [smem:$0x3FFC];
	_ =	sdelay $0x3  }
0x94: {  	_ =	strace s2  }
0x95: {  	s2 =	sld [smem:$0x3FFD];
	_ =	sdelay $0x3  }
0x96: {  	_ =	strace s2  }
0x97: {  	_ =	strace $0x8FFFFFFF  }
0x98: {  	s18 =	sld [smem:$0x3FDB];
	_ =	sdelay $0x1  }
0x99: {  	s19 =	simm.s32 $_scs_section_size  }
0x9a: {  	s4 =	simm.s32 $_size__tile_overlayer_lowered;
	s5 =	simm.s32 $_tile_overlayer_lowered  }
0x9b: {  	s22 =	simm.s32 $0x1BFF;
	s21 =	sshll.u32 s5, $0x1;
	s2 =	sadd.s32 s19, s18  }
0x9c: {  	s6 =	simm.s32 $0x0;
	s20 =	sshll.u32 s4, $0x1;
	s4 =	sadd.s32 s21, s2  }
0x9d: {  	[timem:s6], [sflag:s22] =	dma.local [hbm:s4], s20  }
0x9e: {  	_ =	swait.ge [sflag:s22], s20  }
0x9f: {  	s3 =	ssub.s32 $0x0, s20;
	[sflag:s22] =	ssyncset.done $0x0  }
0xa0: {  	[sflag:s22] =	ssyncadd.s32 s3;
	_ =	sdelay $0x1  }
0xa1: {  	s23 =	simm.s32 $0x1B8B  }
0xa2: {  	_ =	swait.ge [sflag:s23], $0x1  }
0xa3: {  	[sflag:s23] =	ssyncset.done $0x0  }
0xa4: {  	s25 =	simm.s32 $0x1B8E;
	s24 =	sld [smem:$0x3FFE];
	[sflag:s23] =	ssyncadd.s32 $0xFFFFFFFF  }
0xa5: {  	s26 =	simm.s32 $execute0_lowered;
	[smem:$0x3FD2] =	sst s25  }
0xa6: {  	s4 =	sshll.u32 s26, $0x1;
	_ =	strace $0x8000004C;
	[dreg:$0x1] =	wrdreg $0xFFFFFFFF  }
0xa7: {  	s28 =	simm.s32 $_size_execute0_lowered;
	s2 =	sadd.s32 s2, s4;
	[dreg:$0x0] =	wrdreg $0x0  }
0xa8: {  	s4 =	sshll.u32 s28, $0x1;
	[dreg:$0x2] =	wrdreg s2  }
0xa9: {  	[dreg:$0x3] =	wrdreg s4  }
0xaa: {  	[dreg:$0x4] =	wrdreg $0xC0  }
0xab: {  	_ =	task [dreg:s6], $0x5FFFF  }
0xac: {  	[dreg:$0x1] =	wrdreg $0xFFFFFFFF  }
0xad: {  	[dreg:$0x0] =	wrdreg $0x60  }
0xae: {  	[dreg:$0x2] =	wrdreg s24  }
0xaf: {  	[dreg:$0x3] =	wrdreg $0xA8000  }
0xb0: {  	[dreg:$0x4] =	wrdreg $0x9  }
0xb1: {  	_ =	task.clear_ibuf [dreg:s6], $0x5FFFF;
	_ =	strace $0x9000004C  }
0xb2: {  	s29 =	simm.s32 $0x9;
	_ =	strace $0x8000004E  }
0xb3: {  	_ =	swait.ge [sflag:s29], $0x1  }
0xb4: {  	[sflag:s29] =	ssyncadd.s32 $0xFFFFFFFF  }
0xb5: {  	_ =	strace $0x9000004E  }
0xb6: {  	_ =	sfence  }
0xb7: {  	s30 =	sld [smem:$0x0];
	_ =	sdelay $0x2  }
0xb8: {  	s31 =	sshll.u32 s1, $0xD;
	s1 =	sshrl.u32 s1, $0x2  }
0xb9: {  	s3 =	sand.u32 $0x4000, s31;
	s1 =	sadd.s32 s1, s30  }
0xba: {  	s0 =	sor.u32 s3, s0;
	s1 =	sshll.u32 s1, $0x11  }
0xbb: {  	s0 =	sor.u32 s1, s0  }
0xbc: {  	s0 =	sadd.s32 $0x8F2B, s0  }
0xbd: {  	[sflag:s0] =	ssyncadd.remote.s32 $0x1  }
0xbe: {  	_ =	sfence.sel $0xFFFF  }
0xbf: {  	[dreg:$0x0] =	wrdreg $0xFFFFFFFF;
	(pc) =	sbr.abs _section_cstart, $3  }
0xc0: {  	[dreg:$0x1] =	wrdreg $0xFFFFFFFF  }
0xc1: {  	_ =	task.clear_ibuf [dreg:s6], $0x2FFFF;
	_ =	strace $0x9FFFFFFF  }
0xc2: {  	(tm) =	ssettm $0x7FFFFFFF  }
0xc3: {  	_ =	shalt  }
tec
execute0_lowered:
.L_overlay_start_1:
0x0: {  	(tag) =	ssettag $0x1  }
0x1: {  	s0 =	rddreg [dreg:$0x0]  }
0x2: {  	s1 =	rddreg [dreg:$0x1];
	s2 =	srdreg.scid;
	s3 =	simm.s32 $0x0  }
0x3: {  	s20 =	simm.s32 $0x3;
	s21 =	simm.s32 $0x1400;
	s28 =	simm.s32 $0x1380  }
0x4: {  	s29 =	simm.s32 $0x2700;
	s30 =	simm.s32 $0x2780;
	s31 =	simm.s32 $0x0  }
0x5: {  	s6 =	sand.u32 $0x1, s2;
	s2 =	stileid.u32;
	[smem:$0x7FF] =	sst s3  }
0x6: {  	s4 =	sadd.s32 $0x21E00, s0;
	s11 =	sadd.s32 $0x17E00, s0;
	s12 =	sadd.s32 $0xDE00, s0  }
0x7: {  	s5 =	sadd.s32 $0x3000, s0;
	s17 =	sadd.s32 $0x128400, s1;
	s7 =	smul.u32 $0x13C000, s6  }
0x8: {  	s8 =	smul.u32 $0x13C00, s2;
	_ =	strace $0x8000004D;
	[dreg:$0x3] =	wrdreg s5  }
0x9: {  	s22 =	sshll.u32 s2, $0x1;
	s9 =	smul.u32 $0x4F000, s2;
	s10 =	ssub.s32 $0x2, s6  }
0xa: {  	s13 =	smul.u32 $0x2780, s2;
	p0 =	seq.s32 s6, $0x1;
	s23 =	sshrl.u32 s10, $0x1  }
0xb: {  	p2 =	seq.s32 @!p0 s2, $0xF;
	s7 =	sadd.s32 s8, s7;
	s8 =	sor.u32 s6, s22  }
0xc: {  	s15 =	ssub.s32 s10, s23;
	s24 =	sshrl.u32 s9, $0x2;
	p1 =	por p2, p0  }
0xd: {  	p2 =	por !p2, p0;
	s22 =	simm.s32 $0x7D;
	s23 =	simm.s32 $0x2800  }
0xe: {  	s7 =	sshrl.u32 s7, $0x3;
	s8 =	smul.u32 $0x2800, s8;
	s6 =	sadd.s32 s24, s1  }
0xf: {  	s17 =	sshrl.u32 @!p2 s17, $0x3;
	s24 =	simm.s32 $0x1;
	s14 =	sadd.s32 s7, s0  }
0x10: {  	s7 =	sadd.s32 s4, s13;
	s16 =	sshrl.u32 @p0 s6, $0x3;
	s19 =	sshrl.u32 @!p1 s6, $0x3  }
0x11: {  	s25 =	sshrl.u32 s8, $0x3;
	s8 =	sadd.s32 $0x46E80, s0;
	s13 =	sadd.s32 $0x49000, s14  }
0x12: {  	s14 =	smax.u32 s15, $0x1;
	s0 =	sshll.u32 @p0 s2, $0x6;
	s26 =	sadd.s32 $0x280, s25  }
0x13: {  	s9 =	sadd.s32 s11, s25;
	s10 =	sadd.s32 s12, s25;
	s15 =	sor.u32 @p0 $0x1C03, s0  }
0x14: {  	s0 =	sshll.u32 @!p1 s2, $0x6;
	s25 =	simm.s32 $0x6800;
	s11 =	sadd.s32 s11, s26  }
0x15: {  	s12 =	sadd.s32 s12, s26;
	s18 =	sor.u32 @!p1 $0x1C03, s0;
	s26 =	simm.s32 $0x2  }
.LBB2_1:
0x16: {  	s0 =	rddreg [dreg:$0x3]  }
0x17: {  	[spmem:s16], [sflag:s15] =	dma.local @p0 [hbm:s0], $0x2780  }
0x18: {  	s0 =	simm.s32 @p0 $0x3  }
0x19: {  	_ =	swait.ge @p0 [sflag:s0], $0x2780  }
0x1a: {  	[sflag:s0] =	ssyncset.done @p0 $0x0  }
0x1b: {  	[sflag:s0] =	ssyncadd.s32 @p0 $0xFFFFD880;
	s0 =	simm.s32 @!p2 $0x1FC3  }
0x1c: {  	[spmem:s17], [sflag:s0] =	dma.local @!p2 [hbm:s8], $0x2080  }
0x1d: {  	s0 =	simm.s32 @!p2 $0x3  }
0x1e: {  	_ =	swait.ge @!p2 [sflag:s0], $0x2080  }
0x1f: {  	[sflag:s0] =	ssyncset.done @!p2 $0x0  }
0x20: {  	[sflag:s0] =	ssyncadd.s32 @!p2 $0xFFFFDF80;
	s0 =	simm.s32 @!p1 $0x3  }
0x21: {  	[spmem:s19], [sflag:s18] =	dma.local @!p1 [hbm:s7], $0x2780  }
0x22: {  	_ =	swait.ge @!p1 [sflag:s0], $0x2780  }
0x23: {  	[sflag:s0] =	ssyncset.done @!p1 $0x0  }
0x24: {  	[sflag:s0] =	ssyncadd.s32 @!p1 $0xFFFFD880  }
0x25: {  	[bflag:$0x0] =	sbarrier.arrive $0xFFFF  }
0x26: {  	[tilespmem:s3], [sflag:$0x3] =	stream.linear.gather [hbm4b:s9+s3], $0x1400, $0x38;
	[tilespmem:$0x1E400] =	vst v63  }
0x27: {  	_ =	swait.ge [sflag:s20], $0x1400  }
0x28: {  	[sflag:s20] =	ssyncset.done $0x0  }
0x29: {  	[sflag:s20] =	ssyncadd.s32 $0xFFFFEC00  }
0x2a: {  	[tilespmem:s21], [sflag:$0x3] =	stream.linear.gather [hbm4b:s10+s3], $0x1400, $0x38;
	[tilespmem:$0x1E400] =	vst v63  }
0x2b: {  	_ =	swait.ge [sflag:s20], $0x1400  }
0x2c: {  	[sflag:s20] =	ssyncset.done $0x0  }
0x2d: {  	[sflag:s20] =	ssyncadd.s32 $0xFFFFEC00  }
0x2e: {  	[tilespmem:s23], [sflag:$0x1] =	stream.indirect.gather [hbm4b:s4+s22], $0x80, s3, s22, $0xb8;
	[tilespmem:$0x1E400] =	vst v63  }
0x2f: {  	_ =	swait.ge [sflag:s24], $0x3E80  }
0x30: {  	[sflag:s24] =	ssyncset.done $0x0  }
0x31: {  	s2 =	simm.s32 $0x80;
	[sflag:s24] =	ssyncadd.s32 $0xFFFFC180  }
0x32: {  	[tilespmem:s25], [sflag:$0x2] =	stream.indirect.gather [hbm4b:s4+s22], $0x80, s2, s22, $0xb8;
	[tilespmem:$0x1E400] =	vst v63  }
0x33: {  	s5 =	simm.s32 $0x1400  }
0x34: {  	[spmem:s1] =	stream.indirect.scatter.add.f32 [tilespmem:s23], [sflag:$0x3], $0x80, s5, s22, $0xb8;
	[tilespmem:$0x1E400] =	vst v63  }
0x35: {  	_ =	swait.ge [sflag:s20], $0x3E80  }
0x36: {  	[sflag:s20] =	ssyncset.done $0x0  }
0x37: {  	[sflag:s20] =	ssyncadd.s32 $0xFFFFC180  }
0x38: {  	_ =	swait.ge [sflag:s26], $0x3E80  }
0x39: {  	[sflag:s26] =	ssyncset.done $0x0  }
0x3a: {  	s2 =	simm.s32 $0x100;
	[sflag:s26] =	ssyncadd.s32 $0xFFFFC180  }
0x3b: {  	[tilespmem:s23], [sflag:$0x1] =	stream.indirect.gather [hbm4b:s4+s22], $0x80, s2, s22, $0xb8;
	[tilespmem:$0x1E400] =	vst v63  }
0x3c: {  	s5 =	simm.s32 $0x1480  }
0x3d: {  	[spmem:s1] =	stream.indirect.scatter.add.f32 [tilespmem:s25], [sflag:$0x3], $0x80, s5, s22, $0xb8;
	[tilespmem:$0x1E400] =	vst v63  }
0x3e: {  	_ =	swait.ge [sflag:s20], $0x3E80  }
0x3f: {  	s0 =	simm.s32 $0x400;
	[sflag:s20] =	ssyncset.done $0x0  }
.LBB2_2:
0x40: {  	p3 =	sne.s32 s0, $0x4800  }
0x41: {  	[sflag:s20] =	ssyncadd.s32 $0xFFFFC180;
	s2 =	smov.u32 s0;
	s0 =	sadd.s32 $0x400, s0  }
0x42: {  	_ = 	snop  }
0x43: {  	_ =	swait.ge [sflag:s24], $0x3E80  }
0x44: {  	s2 =	sshra.s32 s2, $0x2;
	[sflag:s24] =	ssyncset.done $0x0  }
0x45: {  	s5 =	sadd.s32 $0x80, s2;
	[sflag:s24] =	ssyncadd.s32 $0xFFFFC180  }
0x46: {  	[tilespmem:s25], [sflag:$0x2] =	stream.indirect.gather [hbm4b:s4+s22], $0x80, s5, s22, $0xb8;
	[tilespmem:$0x1E400] =	vst v63  }
0x47: {  	s5 =	sadd.s32 $0x1400, s2  }
0x48: {  	[spmem:s1] =	stream.indirect.scatter.add.f32 [tilespmem:s23], [sflag:$0x3], $0x80, s5, s22, $0xb8;
	[tilespmem:$0x1E400] =	vst v63  }
0x49: {  	_ =	swait.ge [sflag:s20], $0x3E80  }
0x4a: {  	[sflag:s20] =	ssyncset.done $0x0  }
0x4b: {  	[sflag:s20] =	ssyncadd.s32 $0xFFFFC180  }
0x4c: {  	_ =	swait.ge [sflag:s26], $0x3E80  }
0x4d: {  	[sflag:s26] =	ssyncset.done $0x0  }
0x4e: {  	s5 =	sadd.s32 $0x100, s2;
	[sflag:s26] =	ssyncadd.s32 $0xFFFFC180  }
0x4f: {  	[tilespmem:s23], [sflag:$0x1] =	stream.indirect.gather [hbm4b:s4+s22], $0x80, s5, s22, $0xb8;
	[tilespmem:$0x1E400] =	vst v63  }
.Ltmp0:
0x50: {  	_ = 	snop;
	(pc) =	sbr.rel @p3 .LBB2_2-.Ltmp0, $4  }
0x51: {  	s2 =	sadd.s32 $0x1480, s2  }
0x52: {  	[spmem:s1] =	stream.indirect.scatter.add.f32 [tilespmem:s25], [sflag:$0x3], $0x80, s2, s22, $0xb8;
	[tilespmem:$0x1E400] =	vst v63  }
0x53: {  	_ =	swait.ge [sflag:s20], $0x3E80  }
0x54: {  	[sflag:s20] =	ssyncset.done $0x0  }
0x55: {  	[sflag:s20] =	ssyncadd.s32 $0xFFFFC180  }
0x56: {  	_ =	swait.ge [sflag:s24], $0x3E80  }
0x57: {  	[sflag:s24] =	ssyncset.done $0x0  }
0x58: {  	[sflag:s24] =	ssyncadd.s32 $0xFFFFC180  }
0x59: {  	[tilespmem:s25], [sflag:$0x2] =	stream.indirect.gather [hbm4b:s4+s22], $0x80, s28, s22, $0xb8;
	[tilespmem:$0x1E400] =	vst v63  }
0x5a: {  	_ = 	snop  }
0x5b: {  	[spmem:s1] =	stream.indirect.scatter.add.f32 [tilespmem:s23], [sflag:$0x3], $0x80, s29, s22, $0xb8;
	[tilespmem:$0x1E400] =	vst v63  }
0x5c: {  	_ =	swait.ge [sflag:s20], $0x3E80  }
0x5d: {  	[sflag:s20] =	ssyncset.done $0x0  }
0x5e: {  	[sflag:s20] =	ssyncadd.s32 $0xFFFFC180  }
0x5f: {  	_ =	swait.ge [sflag:s26], $0x3E80  }
0x60: {  	[sflag:s26] =	ssyncset.done $0x0  }
0x61: {  	[sflag:s26] =	ssyncadd.s32 $0xFFFFC180  }
0x62: {  	[spmem:s1] =	stream.indirect.scatter.add.f32 [tilespmem:s25], [sflag:$0x3], $0x80, s30, s22, $0xb8;
	[tilespmem:$0x1E400] =	vst v63  }
0x63: {  	_ =	swait.ge [sflag:s20], $0x3E80  }
0x64: {  	[sflag:s20] =	ssyncset.done $0x0  }
0x65: {  	s0 =	simm.s32 $0x0;
	[sflag:s20] =	ssyncadd.s32 $0xFFFFC180  }
0x66: {  	[tilespmem:s0], [sflag:$0x3] =	stream.linear.gather [hbm4b:s11+s0], $0x1400, $0x38;
	[tilespmem:$0x1E400] =	vst v63  }
0x67: {  	_ =	swait.ge [sflag:s20], $0x1400  }
0x68: {  	[sflag:s20] =	ssyncset.done $0x0  }
0x69: {  	[sflag:s20] =	ssyncadd.s32 $0xFFFFEC00  }
0x6a: {  	[tilespmem:s21], [sflag:$0x3] =	stream.linear.gather [hbm4b:s12+s0], $0x1400, $0x38;
	[tilespmem:$0x1E400] =	vst v63  }
0x6b: {  	_ =	swait.ge [sflag:s20], $0x1400  }
0x6c: {  	[sflag:s20] =	ssyncset.done $0x0  }
0x6d: {  	[sflag:s20] =	ssyncadd.s32 $0xFFFFEC00  }
0x6e: {  	[tilespmem:s23], [sflag:$0x1] =	stream.indirect.gather [hbm4b:s4+s22], $0x80, s0, s22, $0xb8;
	[tilespmem:$0x1E400] =	vst v63  }
0x6f: {  	_ =	swait.ge [sflag:s24], $0x3E80  }
0x70: {  	[sflag:s24] =	ssyncset.done $0x0  }
0x71: {  	s2 =	simm.s32 $0x80;
	[sflag:s24] =	ssyncadd.s32 $0xFFFFC180  }
0x72: {  	[tilespmem:s25], [sflag:$0x2] =	stream.indirect.gather [hbm4b:s4+s22], $0x80, s2, s22, $0xb8;
	[tilespmem:$0x1E400] =	vst v63  }
0x73: {  	s5 =	simm.s32 $0x1400  }
0x74: {  	[spmem:s1] =	stream.indirect.scatter.add.f32 [tilespmem:s23], [sflag:$0x3], $0x80, s5, s22, $0xb8;
	[tilespmem:$0x1E400] =	vst v63  }
0x75: {  	_ =	swait.ge [sflag:s20], $0x3E80  }
0x76: {  	[sflag:s20] =	ssyncset.done $0x0  }
0x77: {  	[sflag:s20] =	ssyncadd.s32 $0xFFFFC180  }
0x78: {  	_ =	swait.ge [sflag:s26], $0x3E80  }
0x79: {  	[sflag:s26] =	ssyncset.done $0x0  }
0x7a: {  	s2 =	simm.s32 $0x100;
	[sflag:s26] =	ssyncadd.s32 $0xFFFFC180  }
0x7b: {  	[tilespmem:s23], [sflag:$0x1] =	stream.indirect.gather [hbm4b:s4+s22], $0x80, s2, s22, $0xb8;
	[tilespmem:$0x1E400] =	vst v63  }
0x7c: {  	s5 =	simm.s32 $0x1480  }
0x7d: {  	[spmem:s1] =	stream.indirect.scatter.add.f32 [tilespmem:s25], [sflag:$0x3], $0x80, s5, s22, $0xb8;
	[tilespmem:$0x1E400] =	vst v63  }
0x7e: {  	_ =	swait.ge [sflag:s20], $0x3E80  }
0x7f: {  	s0 =	simm.s32 $0x400;
	[sflag:s20] =	ssyncset.done $0x0  }
.LBB2_4:
0x80: {  	p3 =	sne.s32 s0, $0x4800  }
0x81: {  	[sflag:s20] =	ssyncadd.s32 $0xFFFFC180;
	s2 =	smov.u32 s0;
	s0 =	sadd.s32 $0x400, s0  }
0x82: {  	_ = 	snop  }
0x83: {  	_ =	swait.ge [sflag:s24], $0x3E80  }
0x84: {  	s2 =	sshra.s32 s2, $0x2;
	[sflag:s24] =	ssyncset.done $0x0  }
0x85: {  	s5 =	sadd.s32 $0x80, s2;
	[sflag:s24] =	ssyncadd.s32 $0xFFFFC180  }
0x86: {  	[tilespmem:s25], [sflag:$0x2] =	stream.indirect.gather [hbm4b:s4+s22], $0x80, s5, s22, $0xb8;
	[tilespmem:$0x1E400] =	vst v63  }
0x87: {  	s5 =	sadd.s32 $0x1400, s2  }
0x88: {  	[spmem:s1] =	stream.indirect.scatter.add.f32 [tilespmem:s23], [sflag:$0x3], $0x80, s5, s22, $0xb8;
	[tilespmem:$0x1E400] =	vst v63  }
0x89: {  	_ =	swait.ge [sflag:s20], $0x3E80  }
0x8a: {  	[sflag:s20] =	ssyncset.done $0x0  }
0x8b: {  	[sflag:s20] =	ssyncadd.s32 $0xFFFFC180  }
0x8c: {  	_ =	swait.ge [sflag:s26], $0x3E80  }
0x8d: {  	[sflag:s26] =	ssyncset.done $0x0  }
0x8e: {  	s5 =	sadd.s32 $0x100, s2;
	[sflag:s26] =	ssyncadd.s32 $0xFFFFC180  }
0x8f: {  	[tilespmem:s23], [sflag:$0x1] =	stream.indirect.gather [hbm4b:s4+s22], $0x80, s5, s22, $0xb8;
	[tilespmem:$0x1E400] =	vst v63  }
.Ltmp1:
0x90: {  	_ = 	snop;
	(pc) =	sbr.rel @p3 .LBB2_4-.Ltmp1, $4  }
0x91: {  	s2 =	sadd.s32 $0x1480, s2  }
0x92: {  	[spmem:s1] =	stream.indirect.scatter.add.f32 [tilespmem:s25], [sflag:$0x3], $0x80, s2, s22, $0xb8;
	[tilespmem:$0x1E400] =	vst v63  }
0x93: {  	_ =	swait.ge [sflag:s20], $0x3E80  }
0x94: {  	[sflag:s20] =	ssyncset.done $0x0  }
0x95: {  	[sflag:s20] =	ssyncadd.s32 $0xFFFFC180  }
0x96: {  	_ =	swait.ge [sflag:s24], $0x3E80  }
0x97: {  	[sflag:s24] =	ssyncset.done $0x0  }
0x98: {  	[sflag:s24] =	ssyncadd.s32 $0xFFFFC180  }
0x99: {  	[tilespmem:s25], [sflag:$0x2] =	stream.indirect.gather [hbm4b:s4+s22], $0x80, s28, s22, $0xb8;
	[tilespmem:$0x1E400] =	vst v63  }
0x9a: {  	_ = 	snop  }
0x9b: {  	[spmem:s1] =	stream.indirect.scatter.add.f32 [tilespmem:s23], [sflag:$0x3], $0x80, s29, s22, $0xb8;
	[tilespmem:$0x1E400] =	vst v63  }
0x9c: {  	_ =	swait.ge [sflag:s20], $0x3E80  }
0x9d: {  	[sflag:s20] =	ssyncset.done $0x0  }
0x9e: {  	[sflag:s20] =	ssyncadd.s32 $0xFFFFC180  }
0x9f: {  	_ =	swait.ge [sflag:s26], $0x3E80  }
0xa0: {  	[sflag:s26] =	ssyncset.done $0x0  }
0xa1: {  	[sflag:s26] =	ssyncadd.s32 $0xFFFFC180  }
0xa2: {  	[spmem:s1] =	stream.indirect.scatter.add.f32 [tilespmem:s25], [sflag:$0x3], $0x80, s30, s22, $0xb8;
	[tilespmem:$0x1E400] =	vst v63  }
0xa3: {  	s0 =	stileid.u32;
	_ =	swait.ge [sflag:s20], $0x3E80  }
0xa4: {  	s2 =	sshrl.u32 s6, $0x3;
	s31 =	sadd.s32 $0x1, s31;
	[sflag:s20] =	ssyncset.done $0x0  }
0xa5: {  	s0 =	sshll.u32 s0, $0x6;
	p3 =	sne.s32 s31, s14;
	[sflag:s20] =	ssyncadd.s32 $0xFFFFC180  }
.Ltmp2:
0xa6: {  	s0 =	sor.u32 $0x1C03, s0;
	[bflag:$0x0] =	sbarrier.arrive $0xFFFF;
	(pc) =	sbr.rel @p3 .LBB2_1-.Ltmp2, $4  }
0xa7: {  	[hbm:s13], [sflag:s0] =	dma.local [spmem:s2], $0x2780  }
0xa8: {  	_ =	swait.ge [sflag:s20], $0x2780  }
0xa9: {  	[sflag:s20] =	ssyncset.done $0x0  }
0xaa: {  	[sflag:s20] =	ssyncadd.s32 $0xFFFFD880  }
0xab: {  	_ =	sfence.sel $0x180000  }
0xac: {  	[bflag:$0x0] =	sbarrier.arrive $0xFFFF  }
0xad: {  	_ =	strace $0x9000004D  }
0xae: {  	s0 =	stileid.u32;
	[bflag:$0x2] =	sbarrier.arrive $0xFFFF  }
0xaf: {  	p0 =	sne.s32 s0, $0x0;
	s0 =	rddreg [dreg:$0x2]  }
0xb0: {  	s0 =	sadd.s32 @!p0 $0x100000, s0  }
0xb1: {  	[sflag:s0] =	ssyncadd.tile.s32 @!p0 $0x1;
	_ =	shalt  }
.Lfunc_end2:
_tile_overlayer_lowered:
.L_overlay_start_2:
0xb2: {  	(tag) =	ssettag $0x2  }
0xb3: {  	s0 =	rddreg [dreg:$0x0];
	s2 =	stileid.u32  }
0xb4: {  	s1 =	rddreg [dreg:$0x1];
	p0 =	sne.s32 s2, $0x0  }
0xb5: {  	s3 =	rddreg [dreg:$0x2];
	[bflag:$0x3] =	sbarrier.arrive $0xFFFF;
	s2 =	simm.s32 @!p0 $0x1C03  }
0xb6: {  	[timem:s3], [sflag:s2] =	dma.local @!p0 [hbm:s0], s1  }
0xb7: {  	s0 =	simm.s32 @!p0 $0x3  }
0xb8: {  	_ =	swait.ge @!p0 [sflag:s0], s1  }
0xb9: {  	s1 =	ssub.s32 @!p0 $0x0, s1;
	[sflag:s0] =	ssyncset.done @!p0 $0x0  }
0xba: {  	[sflag:s0] =	ssyncadd.s32 @!p0 s1  }
0xbb: {  	[bflag:$0x3] =	sbarrier.arrive $0xFFFF  }
0xbc: {  	_ =	shalt  }

// kernel: kernel.19.cloned.1.call-start
scs
__scs_entry_jumppad:
0x0: {  	(pc) =	sbr.rel $0x88, $3  }
0x1: {  	(tag) =	ssettag $0x0;
	lr =	simm.s32 $0x1  }
0x2: {  	[smem:$0x3F94] =	sst lr;
	_ =	strace $0xD0000000  }
0x3: {  	_ = 	snop  }
0x4: {  	_ = 	snop  }
0x5: {  	_ = 	snop  }
0x6: {  	_ = 	snop  }
0x7: {  	_ = 	snop  }
__scs_overlays_trampoline_lowered:
0x8: {  	[smem:$0x3FA3] =	sst s0  }
0x9: {  	[smem:$0x3FA4] =	sst s1  }
0xa: {  	[smem:$0x3FA5] =	sst s2  }
0xb: {  	[smem:$0x3FA6] =	sst s3  }
0xc: {  	[smem:$0x3FA7] =	sst s4  }
0xd: {  	[smem:$0x3FA8] =	sst s5  }
0xe: {  	[smem:$0x3FA9] =	sst s6  }
0xf: {  	[smem:$0x3FAA] =	sst s7  }
0x10: {  	[smem:$0x3FAB] =	sst s8  }
0x11: {  	[smem:$0x3FAC] =	sst s9;
	s0 =	simm.s32 @!p0 $0x0  }
0x12: {  	s1 =	sld [smem:$0x3F92];
	s0 =	simm.s32 @p0 $0x1  }
0x13: {  	[smem:$0x3FAD] =	sst s0;
	s0 =	simm.s32 @!p1 $0x0  }
0x14: {  	s2 =	sld [smem:$0x3F91];
	s0 =	simm.s32 @p1 $0x1  }
0x15: {  	[smem:$0x3FAE] =	sst s0;
	s0 =	simm.s32 @!p2 $0x0  }
0x16: {  	s3 =	sld [smem:$0x3FDB];
	s0 =	simm.s32 @p2 $0x1  }
0x17: {  	s4 =	simm.s32 $0x1BF5;
	[smem:$0x3FB0] =	sst s0  }
0x18: {  	s0 =	sld [smem:$0x3F93];
	_ =	swait.ge [sflag:s4], $0x0  }
0x19: {  	s7 =	sld [smem:$0x3F94]  }
0x1a: {  	s8 =	sadd.s32 $0xFFFFE003, lr  }
0x1b: {  	s9 =	sadd.s32 $0xFFFFFEF7, lr;
	s5 =	simm.s32 $0xFFFFFFFF;
	p2 =	slt.u32 s8, $0xFFFFF086  }
0x1c: {  	p1 =	slt.u32 s9, $0xF7A;
	s5 =	simm.s32 @!p2 $0x0  }
0x1d: {  	s5 =	simm.s32 @p1 $0x1;
	p0 =	seq.s32 s7, s2  }
0x1e: {  	s7 =	smul.u32 @!p0 $0xF7A, s2;
	p2 =	seq.s32 @!p0 s5, $0x0  }
0x1f: {  	s9 =	smul.u32 $0xF7A, s1;
	s8 =	simm.s32 @!p0 $0x1BF5;
	p2 =	por !p2, p0  }
0x20: {  	[sflag:s8] =	ssyncset.s32 @!p0 $0xFFFFF086;
	s6 =	sadd.s32 @!p0 s3, s7;
	s7 =	simm.s32 @!p0 $0x108  }
0x21: {  	s3 =	sadd.s32 s3, s9;
	s6 =	sadd.s32 @!p0 $0x88, s6;
	s7 =	simm.s32 @p2 $0x1082  }
0x22: {  	[simem:s7], [sflag:s8] =	dma.local @!p0 [hbm:s6], $0xF7A  }
0x23: {  	s9 =	sor.u32 $0xD0000000, s2;
	s6 =	simm.s32 $0x108;
	_ =	swait.ge @!p0 [sflag:s8], $0x0  }
0x24: {  	s3 =	sadd.s32 $0x88, s3;
	s6 =	simm.s32 @!p1 $0x1082;
	[sflag:s4] =	ssyncset.s32 $0xFFFFF086  }
0x25: {  	[simem:s6], [sflag:s4] =	dma.local [hbm:s3], $0xF7A  }
0x26: {  	[smem:$0x3F94] =	sst s1;
	(tag) =	ssettag s2;
	_ =	strace s9  }
0x27: {  	s1 =	sld [smem:$0x3FA4]  }
0x28: {  	s2 =	sld [smem:$0x3FA5]  }
0x29: {  	s4 =	sld [smem:$0x3FA7]  }
0x2a: {  	p0 =	seq.s32 s5, $0x0;
	s5 =	sld [smem:$0x3FA8]  }
0x2b: {  	s6 =	sld [smem:$0x3FA9]  }
0x2c: {  	s7 =	sld [smem:$0x3FAA]  }
0x2d: {  	s3 =	simm.s32 $0x108;
	s8 =	sld [smem:$0x3FAB]  }
0x2e: {  	s3 =	simm.s32 @!p0 $0x1082;
	s9 =	sld [smem:$0x3FAC]  }
0x2f: {  	lr =	sadd.s32 s0, s3;
	s0 =	sld [smem:$0x3FA3]  }
0x30: {  	s3 =	sld [smem:$0x3FA6]  }
0x31: {  	[smem:$0x3FAF] =	sst s10  }
0x32: {  	s10 =	sld [smem:$0x3FAD];
	_ =	sdelay $0x3  }
0x33: {  	p0 =	seq.s32 s10, $0x1;
	s10 =	sld [smem:$0x3FAF];
	_ =	sdelay $0x3  }
0x34: {  	[smem:$0x3FAF] =	sst s10  }
0x35: {  	s10 =	sld [smem:$0x3FAE];
	_ =	sdelay $0x3  }
0x36: {  	p1 =	seq.s32 s10, $0x1;
	s10 =	sld [smem:$0x3FAF];
	_ =	sdelay $0x3  }
0x37: {  	[smem:$0x3FAF] =	sst s10  }
0x38: {  	s10 =	sld [smem:$0x3FB0]  }
0x39: {  	_ = 	snop;
	(pc) =	sbr.ind lr, $3  }
0x3a: {  	_ = 	snop  }
0x3b: {  	_ = 	snop  }
0x3c: {  	p2 =	seq.s32 s10, $0x1;
	s10 =	sld [smem:$0x3FAF]  }
0x3d: {  	_ =	shalt  }
0x3e: {  	_ =	shalt  }
0x3f: {  	_ =	shalt  }
0x40: {  	_ =	shalt  }
0x41: {  	_ =	shalt  }
0x42: {  	_ =	shalt  }
0x43: {  	_ =	shalt  }
0x44: {  	_ =	shalt  }
0x45: {  	_ =	shalt  }
0x46: {  	_ =	shalt  }
0x47: {  	_ =	shalt  }
0x48: {  	_ =	shalt  }
0x49: {  	_ =	shalt  }
0x4a: {  	_ =	shalt  }
0x4b: {  	_ =	shalt  }
0x4c: {  	_ =	shalt  }
0x4d: {  	_ =	shalt  }
0x4e: {  	_ =	shalt  }
0x4f: {  	_ =	shalt  }
0x50: {  	_ =	shalt  }
0x51: {  	_ =	shalt  }
0x52: {  	_ =	shalt  }
0x53: {  	_ =	shalt  }
0x54: {  	_ =	shalt  }
0x55: {  	_ =	shalt  }
0x56: {  	_ =	shalt  }
0x57: {  	_ =	shalt  }
0x58: {  	_ =	shalt  }
0x59: {  	_ =	shalt  }
0x5a: {  	_ =	shalt  }
0x5b: {  	_ =	shalt  }
0x5c: {  	_ =	shalt  }
0x5d: {  	_ =	shalt  }
0x5e: {  	_ =	shalt  }
0x5f: {  	_ =	shalt  }
0x60: {  	_ =	shalt  }
0x61: {  	_ =	shalt  }
0x62: {  	_ =	shalt  }
0x63: {  	_ =	shalt  }
0x64: {  	_ =	shalt  }
0x65: {  	_ =	shalt  }
0x66: {  	_ =	shalt  }
0x67: {  	_ =	shalt  }
0x68: {  	_ =	shalt  }
0x69: {  	_ =	shalt  }
0x6a: {  	_ =	shalt  }
0x6b: {  	_ =	shalt  }
0x6c: {  	_ =	shalt  }
0x6d: {  	_ =	shalt  }
0x6e: {  	_ =	shalt  }
0x6f: {  	_ =	shalt  }
0x70: {  	_ =	shalt  }
0x71: {  	_ =	shalt  }
0x72: {  	_ =	shalt  }
0x73: {  	_ =	shalt  }
0x74: {  	_ =	shalt  }
0x75: {  	_ =	shalt  }
0x76: {  	_ =	shalt  }
0x77: {  	_ =	shalt  }
0x78: {  	_ =	shalt  }
0x79: {  	_ =	shalt  }
0x7a: {  	_ =	shalt  }
0x7b: {  	_ =	shalt  }
0x7c: {  	_ =	shalt  }
0x7d: {  	_ =	shalt  }
0x7e: {  	_ =	shalt  }
0x7f: {  	_ =	shalt  }
0x80: {  	_ =	shalt  }
0x81: {  	_ =	shalt  }
0x82: {  	_ =	shalt  }
0x83: {  	_ =	shalt  }
0x84: {  	_ =	shalt  }
0x85: {  	_ =	shalt  }
0x86: {  	_ =	shalt  }
0x87: {  	_ =	shalt  }
.Lfunc_end0:
.L_simem_size_0:
called_computation.3_lowered:
.L_overlay_start_0:
0x88: {  	s2 =	sld [smem:$0x3FD9]  }
0x89: {  	s3 =	sld [smem:$0x3FFE];
	_ =	sdelay $0x1  }
0x8a: {  	s1 =	srdreg.scid  }
0x8b: {  	s0 =	sand.u32 $0x1, s1  }
0x8c: {  	s16 =	sshll.u32 s0, $0xA;
	s2 =	sadd.s32 s3, s2  }
0x8d: {  	s2 =	sadd.s32 s2, s16  }
0x8e: {  	[smem:$0x3FBB] =	sst s2  }
0x8f: {  	_ = 	snop  }
0x90: {  	(tm) =	ssettm $0x1  }
0x91: {  	s17 =	sld [smem:$0x3FFB];
	_ =	sdelay $0x3  }
0x92: {  	_ =	strace s17  }
0x93: {  	s2 =	sld [smem:$0x3FFC];
	_ =	sdelay $0x3  }
0x94: {  	_ =	strace s2  }
0x95: {  	s2 =	sld [smem:$0x3FFD];
	_ =	sdelay $0x3  }
0x96: {  	_ =	strace s2  }
0x97: {  	_ =	strace $0x8FFFFFFF  }
0x98: {  	s18 =	sld [smem:$0x3FDB];
	_ =	sdelay $0x1  }
0x99: {  	s19 =	simm.s32 $_scs_section_size  }
0x9a: {  	s4 =	simm.s32 $_size__tile_overlayer_lowered;
	s5 =	simm.s32 $_tile_overlayer_lowered  }
0x9b: {  	s22 =	simm.s32 $0x1BFF;
	s21 =	sshll.u32 s5, $0x1;
	s2 =	sadd.s32 s19, s18  }
0x9c: {  	s6 =	simm.s32 $0x0;
	s20 =	sshll.u32 s4, $0x1;
	s4 =	sadd.s32 s21, s2  }
0x9d: {  	[timem:s6], [sflag:s22] =	dma.local [hbm:s4], s20  }
0x9e: {  	_ =	swait.ge [sflag:s22], s20  }
0x9f: {  	s3 =	ssub.s32 $0x0, s20;
	[sflag:s22] =	ssyncset.done $0x0  }
0xa0: {  	[sflag:s22] =	ssyncadd.s32 s3;
	_ =	sdelay $0x1  }
0xa1: {  	s23 =	simm.s32 $0x1B8B  }
0xa2: {  	_ =	swait.ge [sflag:s23], $0x1  }
0xa3: {  	[sflag:s23] =	ssyncset.done $0x0  }
0xa4: {  	s25 =	simm.s32 $0x1B8E;
	s24 =	sld [smem:$0x3FFE];
	[sflag:s23] =	ssyncadd.s32 $0xFFFFFFFF  }
0xa5: {  	s26 =	simm.s32 $execute0_lowered;
	[smem:$0x3FD2] =	sst s25  }
0xa6: {  	s4 =	sshll.u32 s26, $0x1;
	_ =	strace $0x8000004F;
	[dreg:$0x1] =	wrdreg $0xFFFFFFFF  }
0xa7: {  	s28 =	simm.s32 $_size_execute0_lowered;
	s2 =	sadd.s32 s2, s4;
	[dreg:$0x0] =	wrdreg $0x0  }
0xa8: {  	s4 =	sshll.u32 s28, $0x1;
	[dreg:$0x2] =	wrdreg s2  }
0xa9: {  	[dreg:$0x3] =	wrdreg s4  }
0xaa: {  	[dreg:$0x4] =	wrdreg $0xC0  }
0xab: {  	_ =	task [dreg:s6], $0x5FFFF  }
0xac: {  	[dreg:$0x1] =	wrdreg $0xFFFFFFFF  }
0xad: {  	[dreg:$0x0] =	wrdreg $0x60  }
0xae: {  	[dreg:$0x2] =	wrdreg s24  }
0xaf: {  	[dreg:$0x3] =	wrdreg $0xA8000  }
0xb0: {  	[dreg:$0x4] =	wrdreg $0x9  }
0xb1: {  	_ =	task.clear_ibuf [dreg:s6], $0x5FFFF;
	_ =	strace $0x9000004F  }
0xb2: {  	s29 =	simm.s32 $0x9;
	_ =	strace $0x80000051  }
0xb3: {  	_ =	swait.ge [sflag:s29], $0x1  }
0xb4: {  	[sflag:s29] =	ssyncadd.s32 $0xFFFFFFFF  }
0xb5: {  	_ =	strace $0x90000051  }
0xb6: {  	_ =	sfence  }
0xb7: {  	s30 =	sld [smem:$0x0];
	_ =	sdelay $0x2  }
0xb8: {  	s31 =	sshll.u32 s1, $0xD;
	s1 =	sshrl.u32 s1, $0x2  }
0xb9: {  	s3 =	sand.u32 $0x4000, s31;
	s1 =	sadd.s32 s1, s30  }
0xba: {  	s0 =	sor.u32 s3, s0;
	s1 =	sshll.u32 s1, $0x11  }
0xbb: {  	s0 =	sor.u32 s1, s0  }
0xbc: {  	s0 =	sadd.s32 $0x8F2B, s0  }
0xbd: {  	[sflag:s0] =	ssyncadd.remote.s32 $0x1  }
0xbe: {  	_ =	sfence.sel $0xFFFF  }
0xbf: {  	[dreg:$0x0] =	wrdreg $0xFFFFFFFF;
	(pc) =	sbr.abs _section_cstart, $3  }
0xc0: {  	[dreg:$0x1] =	wrdreg $0xFFFFFFFF  }
0xc1: {  	_ =	task.clear_ibuf [dreg:s6], $0x2FFFF;
	_ =	strace $0x9FFFFFFF  }
0xc2: {  	(tm) =	ssettm $0x7FFFFFFF  }
0xc3: {  	_ =	shalt  }
tec
execute0_lowered:
.L_overlay_start_1:
0x0: {  	(tag) =	ssettag $0x1  }
0x1: {  	s0 =	rddreg [dreg:$0x0]  }
0x2: {  	s1 =	rddreg [dreg:$0x1];
	s2 =	srdreg.scid;
	s3 =	simm.s32 $0x0  }
0x3: {  	s20 =	simm.s32 $0x3;
	s21 =	simm.s32 $0x1400;
	s28 =	simm.s32 $0x1380  }
0x4: {  	s29 =	simm.s32 $0x2700;
	s30 =	simm.s32 $0x2780;
	s31 =	simm.s32 $0x0  }
0x5: {  	s6 =	sand.u32 $0x1, s2;
	s2 =	stileid.u32;
	[smem:$0x7FF] =	sst s3  }
0x6: {  	s4 =	sadd.s32 $0x21E00, s0;
	s11 =	sadd.s32 $0x17E00, s0;
	s12 =	sadd.s32 $0xDE00, s0  }
0x7: {  	s5 =	sadd.s32 $0x3000, s0;
	s17 =	sadd.s32 $0x128400, s1;
	s7 =	smul.u32 $0x13C000, s6  }
0x8: {  	s8 =	smul.u32 $0x13C00, s2;
	_ =	strace $0x80000050;
	[dreg:$0x3] =	wrdreg s5  }
0x9: {  	s22 =	sshll.u32 s2, $0x1;
	s9 =	smul.u32 $0x4F000, s2;
	s10 =	ssub.s32 $0x2, s6  }
0xa: {  	s13 =	smul.u32 $0x2780, s2;
	p0 =	seq.s32 s6, $0x1;
	s23 =	sshrl.u32 s10, $0x1  }
0xb: {  	p2 =	seq.s32 @!p0 s2, $0xF;
	s7 =	sadd.s32 s8, s7;
	s8 =	sor.u32 s6, s22  }
0xc: {  	s15 =	ssub.s32 s10, s23;
	s24 =	sshrl.u32 s9, $0x2;
	p1 =	por p2, p0  }
0xd: {  	p2 =	por !p2, p0;
	s22 =	simm.s32 $0x7D;
	s23 =	simm.s32 $0x2800  }
0xe: {  	s7 =	sshrl.u32 s7, $0x3;
	s8 =	smul.u32 $0x2800, s8;
	s6 =	sadd.s32 s24, s1  }
0xf: {  	s17 =	sshrl.u32 @!p2 s17, $0x3;
	s24 =	simm.s32 $0x1;
	s14 =	sadd.s32 s7, s0  }
0x10: {  	s7 =	sadd.s32 s4, s13;
	s16 =	sshrl.u32 @p0 s6, $0x3;
	s19 =	sshrl.u32 @!p1 s6, $0x3  }
0x11: {  	s25 =	sshrl.u32 s8, $0x3;
	s8 =	sadd.s32 $0x46E80, s0;
	s13 =	sadd.s32 $0x49000, s14  }
0x12: {  	s14 =	smax.u32 s15, $0x1;
	s0 =	sshll.u32 @p0 s2, $0x6;
	s26 =	sadd.s32 $0x280, s25  }
0x13: {  	s9 =	sadd.s32 s11, s25;
	s10 =	sadd.s32 s12, s25;
	s15 =	sor.u32 @p0 $0x1C03, s0  }
0x14: {  	s0 =	sshll.u32 @!p1 s2, $0x6;
	s25 =	simm.s32 $0x6800;
	s11 =	sadd.s32 s11, s26  }
0x15: {  	s12 =	sadd.s32 s12, s26;
	s18 =	sor.u32 @!p1 $0x1C03, s0;
	s26 =	simm.s32 $0x2  }
.LBB2_1:
0x16: {  	s0 =	rddreg [dreg:$0x3]  }
0x17: {  	[spmem:s16], [sflag:s15] =	dma.local @p0 [hbm:s0], $0x2780  }
0x18: {  	s0 =	simm.s32 @p0 $0x3  }
0x19: {  	_ =	swait.ge @p0 [sflag:s0], $0x2780  }
0x1a: {  	[sflag:s0] =	ssyncset.done @p0 $0x0  }
0x1b: {  	[sflag:s0] =	ssyncadd.s32 @p0 $0xFFFFD880;
	s0 =	simm.s32 @!p2 $0x1FC3  }
0x1c: {  	[spmem:s17], [sflag:s0] =	dma.local @!p2 [hbm:s8], $0x2080  }
0x1d: {  	s0 =	simm.s32 @!p2 $0x3  }
0x1e: {  	_ =	swait.ge @!p2 [sflag:s0], $0x2080  }
0x1f: {  	[sflag:s0] =	ssyncset.done @!p2 $0x0  }
0x20: {  	[sflag:s0] =	ssyncadd.s32 @!p2 $0xFFFFDF80;
	s0 =	simm.s32 @!p1 $0x3  }
0x21: {  	[spmem:s19], [sflag:s18] =	dma.local @!p1 [hbm:s7], $0x2780  }
0x22: {  	_ =	swait.ge @!p1 [sflag:s0], $0x2780  }
0x23: {  	[sflag:s0] =	ssyncset.done @!p1 $0x0  }
0x24: {  	[sflag:s0] =	ssyncadd.s32 @!p1 $0xFFFFD880  }
0x25: {  	[bflag:$0x0] =	sbarrier.arrive $0xFFFF  }
0x26: {  	[tilespmem:s3], [sflag:$0x3] =	stream.linear.gather [hbm4b:s9+s3], $0x1400, $0x38;
	[tilespmem:$0x1E400] =	vst v63  }
0x27: {  	_ =	swait.ge [sflag:s20], $0x1400  }
0x28: {  	[sflag:s20] =	ssyncset.done $0x0  }
0x29: {  	[sflag:s20] =	ssyncadd.s32 $0xFFFFEC00  }
0x2a: {  	[tilespmem:s21], [sflag:$0x3] =	stream.linear.gather [hbm4b:s10+s3], $0x1400, $0x38;
	[tilespmem:$0x1E400] =	vst v63  }
0x2b: {  	_ =	swait.ge [sflag:s20], $0x1400  }
0x2c: {  	[sflag:s20] =	ssyncset.done $0x0  }
0x2d: {  	[sflag:s20] =	ssyncadd.s32 $0xFFFFEC00  }
0x2e: {  	[tilespmem:s23], [sflag:$0x1] =	stream.indirect.gather [hbm4b:s4+s22], $0x80, s3, s22, $0xb8;
	[tilespmem:$0x1E400] =	vst v63  }
0x2f: {  	_ =	swait.ge [sflag:s24], $0x3E80  }
0x30: {  	[sflag:s24] =	ssyncset.done $0x0  }
0x31: {  	s2 =	simm.s32 $0x80;
	[sflag:s24] =	ssyncadd.s32 $0xFFFFC180  }
0x32: {  	[tilespmem:s25], [sflag:$0x2] =	stream.indirect.gather [hbm4b:s4+s22], $0x80, s2, s22, $0xb8;
	[tilespmem:$0x1E400] =	vst v63  }
0x33: {  	s5 =	simm.s32 $0x1400  }
0x34: {  	[spmem:s1] =	stream.indirect.scatter.add.f32 [tilespmem:s23], [sflag:$0x3], $0x80, s5, s22, $0xb8;
	[tilespmem:$0x1E400] =	vst v63  }
0x35: {  	_ =	swait.ge [sflag:s20], $0x3E80  }
0x36: {  	[sflag:s20] =	ssyncset.done $0x0  }
0x37: {  	[sflag:s20] =	ssyncadd.s32 $0xFFFFC180  }
0x38: {  	_ =	swait.ge [sflag:s26], $0x3E80  }
0x39: {  	[sflag:s26] =	ssyncset.done $0x0  }
0x3a: {  	s2 =	simm.s32 $0x100;
	[sflag:s26] =	ssyncadd.s32 $0xFFFFC180  }
0x3b: {  	[tilespmem:s23], [sflag:$0x1] =	stream.indirect.gather [hbm4b:s4+s22], $0x80, s2, s22, $0xb8;
	[tilespmem:$0x1E400] =	vst v63  }
0x3c: {  	s5 =	simm.s32 $0x1480  }
0x3d: {  	[spmem:s1] =	stream.indirect.scatter.add.f32 [tilespmem:s25], [sflag:$0x3], $0x80, s5, s22, $0xb8;
	[tilespmem:$0x1E400] =	vst v63  }
0x3e: {  	_ =	swait.ge [sflag:s20], $0x3E80  }
0x3f: {  	s0 =	simm.s32 $0x400;
	[sflag:s20] =	ssyncset.done $0x0  }
.LBB2_2:
0x40: {  	p3 =	sne.s32 s0, $0x4800  }
0x41: {  	[sflag:s20] =	ssyncadd.s32 $0xFFFFC180;
	s2 =	smov.u32 s0;
	s0 =	sadd.s32 $0x400, s0  }
0x42: {  	_ = 	snop  }
0x43: {  	_ =	swait.ge [sflag:s24], $0x3E80  }
0x44: {  	s2 =	sshra.s32 s2, $0x2;
	[sflag:s24] =	ssyncset.done $0x0  }
0x45: {  	s5 =	sadd.s32 $0x80, s2;
	[sflag:s24] =	ssyncadd.s32 $0xFFFFC180  }
0x46: {  	[tilespmem:s25], [sflag:$0x2] =	stream.indirect.gather [hbm4b:s4+s22], $0x80, s5, s22, $0xb8;
	[tilespmem:$0x1E400] =	vst v63  }
0x47: {  	s5 =	sadd.s32 $0x1400, s2  }
0x48: {  	[spmem:s1] =	stream.indirect.scatter.add.f32 [tilespmem:s23], [sflag:$0x3], $0x80, s5, s22, $0xb8;
	[tilespmem:$0x1E400] =	vst v63  }
0x49: {  	_ =	swait.ge [sflag:s20], $0x3E80  }
0x4a: {  	[sflag:s20] =	ssyncset.done $0x0  }
0x4b: {  	[sflag:s20] =	ssyncadd.s32 $0xFFFFC180  }
0x4c: {  	_ =	swait.ge [sflag:s26], $0x3E80  }
0x4d: {  	[sflag:s26] =	ssyncset.done $0x0  }
0x4e: {  	s5 =	sadd.s32 $0x100, s2;
	[sflag:s26] =	ssyncadd.s32 $0xFFFFC180  }
0x4f: {  	[tilespmem:s23], [sflag:$0x1] =	stream.indirect.gather [hbm4b:s4+s22], $0x80, s5, s22, $0xb8;
	[tilespmem:$0x1E400] =	vst v63  }
.Ltmp0:
0x50: {  	_ = 	snop;
	(pc) =	sbr.rel @p3 .LBB2_2-.Ltmp0, $4  }
0x51: {  	s2 =	sadd.s32 $0x1480, s2  }
0x52: {  	[spmem:s1] =	stream.indirect.scatter.add.f32 [tilespmem:s25], [sflag:$0x3], $0x80, s2, s22, $0xb8;
	[tilespmem:$0x1E400] =	vst v63  }
0x53: {  	_ =	swait.ge [sflag:s20], $0x3E80  }
0x54: {  	[sflag:s20] =	ssyncset.done $0x0  }
0x55: {  	[sflag:s20] =	ssyncadd.s32 $0xFFFFC180  }
0x56: {  	_ =	swait.ge [sflag:s24], $0x3E80  }
0x57: {  	[sflag:s24] =	ssyncset.done $0x0  }
0x58: {  	[sflag:s24] =	ssyncadd.s32 $0xFFFFC180  }
0x59: {  	[tilespmem:s25], [sflag:$0x2] =	stream.indirect.gather [hbm4b:s4+s22], $0x80, s28, s22, $0xb8;
	[tilespmem:$0x1E400] =	vst v63  }
0x5a: {  	_ = 	snop  }
0x5b: {  	[spmem:s1] =	stream.indirect.scatter.add.f32 [tilespmem:s23], [sflag:$0x3], $0x80, s29, s22, $0xb8;
	[tilespmem:$0x1E400] =	vst v63  }
0x5c: {  	_ =	swait.ge [sflag:s20], $0x3E80  }
0x5d: {  	[sflag:s20] =	ssyncset.done $0x0  }
0x5e: {  	[sflag:s20] =	ssyncadd.s32 $0xFFFFC180  }
0x5f: {  	_ =	swait.ge [sflag:s26], $0x3E80  }
0x60: {  	[sflag:s26] =	ssyncset.done $0x0  }
0x61: {  	[sflag:s26] =	ssyncadd.s32 $0xFFFFC180  }
0x62: {  	[spmem:s1] =	stream.indirect.scatter.add.f32 [tilespmem:s25], [sflag:$0x3], $0x80, s30, s22, $0xb8;
	[tilespmem:$0x1E400] =	vst v63  }
0x63: {  	_ =	swait.ge [sflag:s20], $0x3E80  }
0x64: {  	[sflag:s20] =	ssyncset.done $0x0  }
0x65: {  	s0 =	simm.s32 $0x0;
	[sflag:s20] =	ssyncadd.s32 $0xFFFFC180  }
0x66: {  	[tilespmem:s0], [sflag:$0x3] =	stream.linear.gather [hbm4b:s11+s0], $0x1400, $0x38;
	[tilespmem:$0x1E400] =	vst v63  }
0x67: {  	_ =	swait.ge [sflag:s20], $0x1400  }
0x68: {  	[sflag:s20] =	ssyncset.done $0x0  }
0x69: {  	[sflag:s20] =	ssyncadd.s32 $0xFFFFEC00  }
0x6a: {  	[tilespmem:s21], [sflag:$0x3] =	stream.linear.gather [hbm4b:s12+s0], $0x1400, $0x38;
	[tilespmem:$0x1E400] =	vst v63  }
0x6b: {  	_ =	swait.ge [sflag:s20], $0x1400  }
0x6c: {  	[sflag:s20] =	ssyncset.done $0x0  }
0x6d: {  	[sflag:s20] =	ssyncadd.s32 $0xFFFFEC00  }
0x6e: {  	[tilespmem:s23], [sflag:$0x1] =	stream.indirect.gather [hbm4b:s4+s22], $0x80, s0, s22, $0xb8;
	[tilespmem:$0x1E400] =	vst v63  }
0x6f: {  	_ =	swait.ge [sflag:s24], $0x3E80  }
0x70: {  	[sflag:s24] =	ssyncset.done $0x0  }
0x71: {  	s2 =	simm.s32 $0x80;
	[sflag:s24] =	ssyncadd.s32 $0xFFFFC180  }
0x72: {  	[tilespmem:s25], [sflag:$0x2] =	stream.indirect.gather [hbm4b:s4+s22], $0x80, s2, s22, $0xb8;
	[tilespmem:$0x1E400] =	vst v63  }
0x73: {  	s5 =	simm.s32 $0x1400  }
0x74: {  	[spmem:s1] =	stream.indirect.scatter.add.f32 [tilespmem:s23], [sflag:$0x3], $0x80, s5, s22, $0xb8;
	[tilespmem:$0x1E400] =	vst v63  }
0x75: {  	_ =	swait.ge [sflag:s20], $0x3E80  }
0x76: {  	[sflag:s20] =	ssyncset.done $0x0  }
0x77: {  	[sflag:s20] =	ssyncadd.s32 $0xFFFFC180  }
0x78: {  	_ =	swait.ge [sflag:s26], $0x3E80  }
0x79: {  	[sflag:s26] =	ssyncset.done $0x0  }
0x7a: {  	s2 =	simm.s32 $0x100;
	[sflag:s26] =	ssyncadd.s32 $0xFFFFC180  }
0x7b: {  	[tilespmem:s23], [sflag:$0x1] =	stream.indirect.gather [hbm4b:s4+s22], $0x80, s2, s22, $0xb8;
	[tilespmem:$0x1E400] =	vst v63  }
0x7c: {  	s5 =	simm.s32 $0x1480  }
0x7d: {  	[spmem:s1] =	stream.indirect.scatter.add.f32 [tilespmem:s25], [sflag:$0x3], $0x80, s5, s22, $0xb8;
	[tilespmem:$0x1E400] =	vst v63  }
0x7e: {  	_ =	swait.ge [sflag:s20], $0x3E80  }
0x7f: {  	s0 =	simm.s32 $0x400;
	[sflag:s20] =	ssyncset.done $0x0  }
.LBB2_4:
0x80: {  	p3 =	sne.s32 s0, $0x4800  }
0x81: {  	[sflag:s20] =	ssyncadd.s32 $0xFFFFC180;
	s2 =	smov.u32 s0;
	s0 =	sadd.s32 $0x400, s0  }
0x82: {  	_ = 	snop  }
0x83: {  	_ =	swait.ge [sflag:s24], $0x3E80  }
0x84: {  	s2 =	sshra.s32 s2, $0x2;
	[sflag:s24] =	ssyncset.done $0x0  }
0x85: {  	s5 =	sadd.s32 $0x80, s2;
	[sflag:s24] =	ssyncadd.s32 $0xFFFFC180  }
0x86: {  	[tilespmem:s25], [sflag:$0x2] =	stream.indirect.gather [hbm4b:s4+s22], $0x80, s5, s22, $0xb8;
	[tilespmem:$0x1E400] =	vst v63  }
0x87: {  	s5 =	sadd.s32 $0x1400, s2  }
0x88: {  	[spmem:s1] =	stream.indirect.scatter.add.f32 [tilespmem:s23], [sflag:$0x3], $0x80, s5, s22, $0xb8;
	[tilespmem:$0x1E400] =	vst v63  }
0x89: {  	_ =	swait.ge [sflag:s20], $0x3E80  }
0x8a: {  	[sflag:s20] =	ssyncset.done $0x0  }
0x8b: {  	[sflag:s20] =	ssyncadd.s32 $0xFFFFC180  }
0x8c: {  	_ =	swait.ge [sflag:s26], $0x3E80  }
0x8d: {  	[sflag:s26] =	ssyncset.done $0x0  }
0x8e: {  	s5 =	sadd.s32 $0x100, s2;
	[sflag:s26] =	ssyncadd.s32 $0xFFFFC180  }
0x8f: {  	[tilespmem:s23], [sflag:$0x1] =	stream.indirect.gather [hbm4b:s4+s22], $0x80, s5, s22, $0xb8;
	[tilespmem:$0x1E400] =	vst v63  }
.Ltmp1:
0x90: {  	_ = 	snop;
	(pc) =	sbr.rel @p3 .LBB2_4-.Ltmp1, $4  }
0x91: {  	s2 =	sadd.s32 $0x1480, s2  }
0x92: {  	[spmem:s1] =	stream.indirect.scatter.add.f32 [tilespmem:s25], [sflag:$0x3], $0x80, s2, s22, $0xb8;
	[tilespmem:$0x1E400] =	vst v63  }
0x93: {  	_ =	swait.ge [sflag:s20], $0x3E80  }
0x94: {  	[sflag:s20] =	ssyncset.done $0x0  }
0x95: {  	[sflag:s20] =	ssyncadd.s32 $0xFFFFC180  }
0x96: {  	_ =	swait.ge [sflag:s24], $0x3E80  }
0x97: {  	[sflag:s24] =	ssyncset.done $0x0  }
0x98: {  	[sflag:s24] =	ssyncadd.s32 $0xFFFFC180  }
0x99: {  	[tilespmem:s25], [sflag:$0x2] =	stream.indirect.gather [hbm4b:s4+s22], $0x80, s28, s22, $0xb8;
	[tilespmem:$0x1E400] =	vst v63  }
0x9a: {  	_ = 	snop  }
0x9b: {  	[spmem:s1] =	stream.indirect.scatter.add.f32 [tilespmem:s23], [sflag:$0x3], $0x80, s29, s22, $0xb8;
	[tilespmem:$0x1E400] =	vst v63  }
0x9c: {  	_ =	swait.ge [sflag:s20], $0x3E80  }
0x9d: {  	[sflag:s20] =	ssyncset.done $0x0  }
0x9e: {  	[sflag:s20] =	ssyncadd.s32 $0xFFFFC180  }
0x9f: {  	_ =	swait.ge [sflag:s26], $0x3E80  }
0xa0: {  	[sflag:s26] =	ssyncset.done $0x0  }
0xa1: {  	[sflag:s26] =	ssyncadd.s32 $0xFFFFC180  }
0xa2: {  	[spmem:s1] =	stream.indirect.scatter.add.f32 [tilespmem:s25], [sflag:$0x3], $0x80, s30, s22, $0xb8;
	[tilespmem:$0x1E400] =	vst v63  }
0xa3: {  	s0 =	stileid.u32;
	_ =	swait.ge [sflag:s20], $0x3E80  }
0xa4: {  	s2 =	sshrl.u32 s6, $0x3;
	s31 =	sadd.s32 $0x1, s31;
	[sflag:s20] =	ssyncset.done $0x0  }
0xa5: {  	s0 =	sshll.u32 s0, $0x6;
	p3 =	sne.s32 s31, s14;
	[sflag:s20] =	ssyncadd.s32 $0xFFFFC180  }
.Ltmp2:
0xa6: {  	s0 =	sor.u32 $0x1C03, s0;
	[bflag:$0x0] =	sbarrier.arrive $0xFFFF;
	(pc) =	sbr.rel @p3 .LBB2_1-.Ltmp2, $4  }
0xa7: {  	[hbm:s13], [sflag:s0] =	dma.local [spmem:s2], $0x2780  }
0xa8: {  	_ =	swait.ge [sflag:s20], $0x2780  }
0xa9: {  	[sflag:s20] =	ssyncset.done $0x0  }
0xaa: {  	[sflag:s20] =	ssyncadd.s32 $0xFFFFD880  }
0xab: {  	_ =	sfence.sel $0x180000  }
0xac: {  	[bflag:$0x0] =	sbarrier.arrive $0xFFFF  }
0xad: {  	_ =	strace $0x90000050  }
0xae: {  	s0 =	stileid.u32;
	[bflag:$0x2] =	sbarrier.arrive $0xFFFF  }
0xaf: {  	p0 =	sne.s32 s0, $0x0;
	s0 =	rddreg [dreg:$0x2]  }
0xb0: {  	s0 =	sadd.s32 @!p0 $0x100000, s0  }
0xb1: {  	[sflag:s0] =	ssyncadd.tile.s32 @!p0 $0x1;
	_ =	shalt  }
.Lfunc_end2:
_tile_overlayer_lowered:
.L_overlay_start_2:
0xb2: {  	(tag) =	ssettag $0x2  }
0xb3: {  	s0 =	rddreg [dreg:$0x0];
	s2 =	stileid.u32  }
0xb4: {  	s1 =	rddreg [dreg:$0x1];
	p0 =	sne.s32 s2, $0x0  }
0xb5: {  	s3 =	rddreg [dreg:$0x2];
	[bflag:$0x3] =	sbarrier.arrive $0xFFFF;
	s2 =	simm.s32 @!p0 $0x1C03  }
0xb6: {  	[timem:s3], [sflag:s2] =	dma.local @!p0 [hbm:s0], s1  }
0xb7: {  	s0 =	simm.s32 @!p0 $0x3  }
0xb8: {  	_ =	swait.ge @!p0 [sflag:s0], s1  }
0xb9: {  	s1 =	ssub.s32 @!p0 $0x0, s1;
	[sflag:s0] =	ssyncset.done @!p0 $0x0  }
0xba: {  	[sflag:s0] =	ssyncadd.s32 @!p0 s1  }
0xbb: {  	[bflag:$0x3] =	sbarrier.arrive $0xFFFF  }
0xbc: {  	_ =	shalt  }

</sc_bundles>
